<compile_context>
chip_gen: v7x
topology: tpu7x:2x2x1
jax: 0.10.2.dev20260603
libtpu: 0.0.44.dev20260713+nightly
codegen_flags: <defaults>
</compile_context>

<pallas_src>
import functools

import jax
import jax.numpy as jnp
from jax import lax
from jax.experimental import pallas as pl
from jax.experimental.pallas import tpu as pltpu, tpu_sc as plsc

BATCH, H, W = 1024, 32, 32
EMBED_DIM = 64
VOCAB = 1000

NUM_CORES = 2
NUM_SUBCORES = 16
LANES = 16

D_GRP = 16
B_BLOCK = 128
W_HALF = W // 2
W_OCT = 8
ROW_PAD = 1024
D_PAIRS = D_GRP // 2
NROWS = 3 * D_PAIRS


def _body(img_hbm, obj_hbm, col_hbm, st_hbm, out_hbm, *scratch):
    rows = scratch[:NROWS]
    idb0, idb1, ob0, ob1, sem_in, sem_out = scratch[NROWS:]
    c = lax.axis_index("c")
    s = lax.axis_index("s")
    w_id = s * NUM_CORES + c
    dbase = (w_id % 4) * D_GRP
    b0 = (w_id // 4) * B_BLOCK

    idbufs = (idb0, idb1)
    obufs = (ob0, ob1)

    pbase = dbase // 2
    descs = [
        pltpu.make_async_copy(
            src.at[pl.ds((pbase + dp) * ROW_PAD, ROW_PAD)],
            rows[cc * D_PAIRS + dp], sem_in)
        for cc, src in enumerate((obj_hbm, col_hbm, st_hbm))
        for dp in range(D_PAIRS)
    ]
    for k in range(0, NROWS, 12):
        for dsc in descs[k:k + 12]:
            dsc.start()
        for dsc in descs[k:k + 12]:
            dsc.wait()

    def id_dmas(h, wh, slot):
        idb = idbufs[slot]
        return [
            pltpu.make_async_copy(
                img_hbm.at[h, cc, pl.ds(wh * W_HALF, W_HALF),
                           pl.ds(b0, B_BLOCK)],
                idb.at[cc], sem_in)
            for cc in range(3)
        ]

    def out_dma(h, w0, slot):
        return pltpu.make_async_copy(
            obufs[slot],
            out_hbm.at[pl.ds(dbase, D_GRP), h,
                       pl.ds(w0, W_HALF), pl.ds(b0, B_BLOCK)],
            sem_out)

    for dsc in id_dmas(0, 0, 0):
        dsc.start()

    n_bb = B_BLOCK // LANES

    def h_body(hi, _carry):
        h = hi
        for wh in (0, 1):
            islot = wh
            for dsc in id_dmas(h, wh, islot):
                dsc.wait()
            if wh == 0:
                for dsc in id_dmas(h, 1, 1):
                    dsc.start()
            else:
                @pl.when(hi < H - 1)
                def _():
                    for dsc in id_dmas(h + 1, 0, 0):
                        dsc.start()

            idb = idbufs[islot]
            slot = wh

            @pl.when(hi > 0)
            def _():
                out_dma(0, 0, slot).wait()
            ob = obufs[slot]

            @plsc.parallel_loop(0, n_bb * W_HALF, 1, unroll=4)
            def bbwl_body(i):
                bb = i // W_HALF
                wl = i % W_HALF
                bsl = pl.ds(bb * LANES, LANES)
                ids_o = idb[0, wl, bsl]
                ids_c = idb[1, wl, bsl]
                ids_s = idb[2, wl, bsl]
                for dp in range(D_PAIRS):
                    wo_ = plsc.load_gather(rows[dp], [ids_o])
                    wc_ = plsc.load_gather(rows[D_PAIRS + dp], [ids_c])
                    ws_ = plsc.load_gather(rows[2 * D_PAIRS + dp],
                                           [ids_s])
                    lo = (plsc.bitcast(wo_ << 16, jnp.float32)
                          + plsc.bitcast(wc_ << 16, jnp.float32)
                          + plsc.bitcast(ws_ << 16, jnp.float32))
                    hi = (plsc.bitcast(wo_, jnp.float32)
                          + plsc.bitcast(wc_, jnp.float32)
                          + plsc.bitcast(ws_, jnp.float32))
                    ob[2 * dp, wl, bsl] = lo
                    ob[2 * dp + 1, wl, bsl] = hi

            out_dma(h, wh * W_HALF, slot).start()
        return 0

    lax.fori_loop(0, H, h_body, 0, unroll=False)
    out_dma(0, 0, 0).wait()
    out_dma(0, 0, 1).wait()


@functools.partial(
    pl.kernel,
    out_type=jax.ShapeDtypeStruct((EMBED_DIM, H, W, BATCH), jnp.float32),
    mesh=plsc.VectorSubcoreMesh(core_axis_name="c", subcore_axis_name="s",
                                num_cores=NUM_CORES,
                                num_subcores=NUM_SUBCORES),
    scratch_types=(
        [pltpu.VMEM((ROW_PAD,), jnp.int32) for _ in range(NROWS)]
        + [
            pltpu.VMEM((3, W_HALF, B_BLOCK), jnp.int32),
            pltpu.VMEM((3, W_HALF, B_BLOCK), jnp.int32),
            pltpu.VMEM((D_GRP, W_HALF, B_BLOCK), jnp.float32),
            pltpu.VMEM((D_GRP, W_HALF, B_BLOCK), jnp.float32),
            pltpu.SemaphoreType.DMA,
            pltpu.SemaphoreType.DMA,
        ]
    ),
    compiler_params=pltpu.CompilerParams(needs_layout_passes=False),
)
def _sc_encode(img_hbm, obj_hbm, col_hbm, st_hbm, out_hbm, *scratch):
    _body(img_hbm, obj_hbm, col_hbm, st_hbm, out_hbm, *scratch)


def _prep_table(t):
    tt = (t.T * jnp.float32(1.0 / 3.0)).astype(jnp.bfloat16)
    u = jax.lax.bitcast_convert_type(tt, jnp.uint16).astype(jnp.uint32)
    packed = jax.lax.bitcast_convert_type(
        u[0::2, :] | (u[1::2, :] << 16), jnp.int32)
    return jnp.pad(packed, ((0, 0), (0, ROW_PAD - VOCAB))).reshape(-1)


@jax.jit
def kernel(image, object_emb, color_emb, state_emb):
    img_p = jnp.transpose(image.astype(jnp.int32), (1, 3, 2, 0))
    out_p = _sc_encode(img_p, _prep_table(object_emb),
                       _prep_table(color_emb), _prep_table(state_emb))
    return jnp.transpose(out_p, (3, 0, 1, 2))

# --- scband reference (transcript-rebuilt; emitter-appended) ---
"""Pipeline reference for scband-tile-embedding-encoder-30769145709304 (READ-ONLY COPY).

The authoritative reference and input builder live on the scoring server;
editing this copy changes nothing except your own understanding.
"""

import jax, jax.numpy as jnp
import numpy as np

VOCAB_OBJECT = 1000
VOCAB_COLOR = 1000
VOCAB_STATE = 1000
EMBED_DIM = 64
BATCH, H, W = 1024, 32, 32


def setup_inputs(seed: int = 0) -> dict:
    key = jax.random.key(seed)
    k_img, k_obj, k_col, k_st = jax.random.split(key, 4)
    image = jax.random.randint(k_img, (BATCH, H, W, 3), 0, VOCAB_OBJECT, dtype=jnp.int32)
    object_emb = jax.random.normal(k_obj, (VOCAB_OBJECT, EMBED_DIM), dtype=jnp.float32)
    color_emb = jax.random.normal(k_col, (VOCAB_COLOR, EMBED_DIM), dtype=jnp.float32)
    state_emb = jax.random.normal(k_st, (VOCAB_STATE, EMBED_DIM), dtype=jnp.float32)
    return {"image": image, "object_emb": object_emb, "color_emb": color_emb, "state_emb": state_emb}


def reference(image, object_emb, color_emb, state_emb):
    image = image.astype(jnp.int32)
    object_ids = jnp.clip(image[..., 0], 0, object_emb.shape[0] - 1)
    color_ids = jnp.clip(image[..., 1], 0, color_emb.shape[0] - 1)
    state_ids = jnp.clip(image[..., 2], 0, state_emb.shape[0] - 1)
    tile_embeddings = (jnp.take(object_emb, object_ids, axis=0)
                       + jnp.take(color_emb, color_ids, axis=0)
                       + jnp.take(state_emb, state_ids, axis=0)) / 3.0
    return jnp.transpose(tile_embeddings, (0, 3, 1, 2))

if __name__ == "__main__":
    import jax
    _d = setup_inputs()
    print(jax.jit(kernel)(*tuple(_d.values())))

</pallas_src>

<mosaic_0001>
#map = affine_map<(d0, d1) -> (0, 0, 0, 0)>
#map1 = affine_map<(d0, d1) -> (0)>
module attributes {stable_mosaic.version = 14 : i64} {
  func.func @_sc_encode(%arg0: i32, %arg1: i32, %arg2: memref<32x3x32x1024xi32, #tpu.memory_space<hbm>>, %arg3: memref<32768xi32, #tpu.memory_space<hbm>>, %arg4: memref<32768xi32, #tpu.memory_space<hbm>>, %arg5: memref<32768xi32, #tpu.memory_space<hbm>>, %arg6: memref<64x32x32x1024xf32, #tpu.memory_space<hbm>>, %arg7: memref<1024xi32, #tpu.memory_space<vmem>>, %arg8: memref<1024xi32, #tpu.memory_space<vmem>>, %arg9: memref<1024xi32, #tpu.memory_space<vmem>>, %arg10: memref<1024xi32, #tpu.memory_space<vmem>>, %arg11: memref<1024xi32, #tpu.memory_space<vmem>>, %arg12: memref<1024xi32, #tpu.memory_space<vmem>>, %arg13: memref<1024xi32, #tpu.memory_space<vmem>>, %arg14: memref<1024xi32, #tpu.memory_space<vmem>>, %arg15: memref<1024xi32, #tpu.memory_space<vmem>>, %arg16: memref<1024xi32, #tpu.memory_space<vmem>>, %arg17: memref<1024xi32, #tpu.memory_space<vmem>>, %arg18: memref<1024xi32, #tpu.memory_space<vmem>>, %arg19: memref<1024xi32, #tpu.memory_space<vmem>>, %arg20: memref<1024xi32, #tpu.memory_space<vmem>>, %arg21: memref<1024xi32, #tpu.memory_space<vmem>>, %arg22: memref<1024xi32, #tpu.memory_space<vmem>>, %arg23: memref<1024xi32, #tpu.memory_space<vmem>>, %arg24: memref<1024xi32, #tpu.memory_space<vmem>>, %arg25: memref<1024xi32, #tpu.memory_space<vmem>>, %arg26: memref<1024xi32, #tpu.memory_space<vmem>>, %arg27: memref<1024xi32, #tpu.memory_space<vmem>>, %arg28: memref<1024xi32, #tpu.memory_space<vmem>>, %arg29: memref<1024xi32, #tpu.memory_space<vmem>>, %arg30: memref<1024xi32, #tpu.memory_space<vmem>>, %arg31: memref<3x16x128xi32, #tpu.memory_space<vmem>>, %arg32: memref<3x16x128xi32, #tpu.memory_space<vmem>>, %arg33: memref<16x16x128xf32, #tpu.memory_space<vmem>>, %arg34: memref<16x16x128xf32, #tpu.memory_space<vmem>>, %arg35: memref<!tpu.dma_semaphore, #tpu.memory_space<semaphore_mem>>, %arg36: memref<!tpu.dma_semaphore, #tpu.memory_space<semaphore_mem>>) attributes {dimension_semantics = [#tpu.dimension_semantics<core_parallel>, #tpu.dimension_semantics<subcore_parallel>], iteration_bounds = array<i64: 2, 16>, scalar_prefetch = 0 : i64, scratch_operands = 30 : i64, tpu.core_type = #tpu.core_type<sc_vector_subcore>, window_params = [{transform_indices = #map}, {transform_indices = #map1}, {transform_indices = #map1}, {transform_indices = #map1}, {transform_indices = #map}]} {
    %mul3A = arith.constant 2 : i32
    %mul3A_0 = arith.muli %arg1, %mul3A : i32
    %add3A = arith.addi %mul3A_0, %arg0 : i32
    %jit3A = arith.constant 4 : i32
    %eq3A = arith.constant 0 : i32
    %eq3A_1 = arith.cmpi eq, %jit3A, %eq3A : i32
    %jit3A_2 = arith.constant 1 : i32
    %select_n3A = arith.select %eq3A_1, %jit3A_2, %jit3A : i32
    %rem3A = arith.remsi %add3A, %select_n3A : i32
    %ne3A = arith.constant 0 : i32
    %ne3A_3 = arith.cmpi ne, %rem3A, %ne3A : i32
    %lt3A = arith.constant 0 : i32
    %lt3A_4 = arith.cmpi slt, %rem3A, %lt3A : i32
    %lt3A_5 = arith.constant 0 : i32
    %lt3A_6 = arith.cmpi slt, %select_n3A, %lt3A_5 : i32
    %ne3A_7 = arith.xori %lt3A_4, %lt3A_6 : i1
    %and3A = arith.andi %ne3A_7, %ne3A_3 : i1
    %add3A_8 = arith.addi %rem3A, %select_n3A : i32
    %select_n3A_9 = arith.select %and3A, %add3A_8, %rem3A : i32
    %mul3A_10 = arith.constant 16 : i32
    %mul3A_11 = arith.muli %select_n3A_9, %mul3A_10 : i32
    %jit3A_12 = arith.constant 4 : i32
    %div3A = arith.divsi %add3A, %jit3A_12 : i32
    %sign3A = arith.constant 0 : i32
    %sign3A_13 = arith.cmpi sgt, %add3A, %sign3A : i32
    %sign3A_14 = arith.extui %sign3A_13 : i1 to i32
    %sign3A_15 = arith.constant 0 : i32
    %sign3A_16 = arith.cmpi slt, %add3A, %sign3A_15 : i32
    %sign3A_17 = arith.extui %sign3A_16 : i1 to i32
    %sign3A_18 = arith.subi %sign3A_14, %sign3A_17 : i32
    %sign3A_19 = arith.constant 0 : i32
    %sign3A_20 = arith.cmpi sgt, %jit3A_12, %sign3A_19 : i32
    %sign3A_21 = arith.extui %sign3A_20 : i1 to i32
    %sign3A_22 = arith.constant 0 : i32
    %sign3A_23 = arith.cmpi slt, %jit3A_12, %sign3A_22 : i32
    %sign3A_24 = arith.extui %sign3A_23 : i1 to i32
    %sign3A_25 = arith.subi %sign3A_21, %sign3A_24 : i32
    %ne3A_26 = arith.cmpi ne, %sign3A_18, %sign3A_25 : i32
    %rem3A_27 = arith.remsi %add3A, %jit3A_12 : i32
    %ne3A_28 = arith.constant 0 : i32
    %ne3A_29 = arith.cmpi ne, %rem3A_27, %ne3A_28 : i32
    %and3A_30 = arith.andi %ne3A_26, %ne3A_29 : i1
    %sub3A = arith.constant 1 : i32
    %sub3A_31 = arith.subi %div3A, %sub3A : i32
    %select_n3A_32 = arith.select %and3A_30, %sub3A_31, %div3A : i32
    %mul3A_33 = arith.constant 128 : i32
    %mul3A_34 = arith.muli %select_n3A_32, %mul3A_33 : i32
    %jit3A_35 = arith.constant 2 : i32
    %div3A_36 = arith.divsi %mul3A_11, %jit3A_35 : i32
    %sign3A_37 = arith.constant 0 : i32
    %sign3A_38 = arith.cmpi sgt, %mul3A_11, %sign3A_37 : i32
    %sign3A_39 = arith.extui %sign3A_38 : i1 to i32
    %sign3A_40 = arith.constant 0 : i32
    %sign3A_41 = arith.cmpi slt, %mul3A_11, %sign3A_40 : i32
    %sign3A_42 = arith.extui %sign3A_41 : i1 to i32
    %sign3A_43 = arith.subi %sign3A_39, %sign3A_42 : i32
    %sign3A_44 = arith.constant 0 : i32
    %sign3A_45 = arith.cmpi sgt, %jit3A_35, %sign3A_44 : i32
    %sign3A_46 = arith.extui %sign3A_45 : i1 to i32
    %sign3A_47 = arith.constant 0 : i32
    %sign3A_48 = arith.cmpi slt, %jit3A_35, %sign3A_47 : i32
    %sign3A_49 = arith.extui %sign3A_48 : i1 to i32
    %sign3A_50 = arith.subi %sign3A_46, %sign3A_49 : i32
    %ne3A_51 = arith.cmpi ne, %sign3A_43, %sign3A_50 : i32
    %rem3A_52 = arith.remsi %mul3A_11, %jit3A_35 : i32
    %ne3A_53 = arith.constant 0 : i32
    %ne3A_54 = arith.cmpi ne, %rem3A_52, %ne3A_53 : i32
    %and3A_55 = arith.andi %ne3A_51, %ne3A_54 : i1
    %sub3A_56 = arith.constant 1 : i32
    %sub3A_57 = arith.subi %div3A_36, %sub3A_56 : i32
    %select_n3A_58 = arith.select %and3A_55, %sub3A_57, %div3A_36 : i32
    %add3A_59 = arith.constant 0 : i32
    %add3A_60 = arith.addi %select_n3A_58, %add3A_59 : i32
    %mul3A_61 = arith.constant 1024 : i32
    %mul3A_62 = arith.muli %add3A_60, %mul3A_61 : i32
    %add3A_63 = arith.constant 1 : i32
    %add3A_64 = arith.addi %select_n3A_58, %add3A_63 : i32
    %mul3A_65 = arith.constant 1024 : i32
    %mul3A_66 = arith.muli %add3A_64, %mul3A_65 : i32
    %add3A_67 = arith.constant 2 : i32
    %add3A_68 = arith.addi %select_n3A_58, %add3A_67 : i32
    %mul3A_69 = arith.constant 1024 : i32
    %mul3A_70 = arith.muli %add3A_68, %mul3A_69 : i32
    %add3A_71 = arith.constant 3 : i32
    %add3A_72 = arith.addi %select_n3A_58, %add3A_71 : i32
    %mul3A_73 = arith.constant 1024 : i32
    %mul3A_74 = arith.muli %add3A_72, %mul3A_73 : i32
    %add3A_75 = arith.constant 4 : i32
    %add3A_76 = arith.addi %select_n3A_58, %add3A_75 : i32
    %mul3A_77 = arith.constant 1024 : i32
    %mul3A_78 = arith.muli %add3A_76, %mul3A_77 : i32
    %add3A_79 = arith.constant 5 : i32
    %add3A_80 = arith.addi %select_n3A_58, %add3A_79 : i32
    %mul3A_81 = arith.constant 1024 : i32
    %mul3A_82 = arith.muli %add3A_80, %mul3A_81 : i32
    %add3A_83 = arith.constant 6 : i32
    %add3A_84 = arith.addi %select_n3A_58, %add3A_83 : i32
    %mul3A_85 = arith.constant 1024 : i32
    %mul3A_86 = arith.muli %add3A_84, %mul3A_85 : i32
    %add3A_87 = arith.constant 7 : i32
    %add3A_88 = arith.addi %select_n3A_58, %add3A_87 : i32
    %mul3A_89 = arith.constant 1024 : i32
    %mul3A_90 = arith.muli %add3A_88, %mul3A_89 : i32
    %add3A_91 = arith.constant 0 : i32
    %add3A_92 = arith.addi %select_n3A_58, %add3A_91 : i32
    %mul3A_93 = arith.constant 1024 : i32
    %mul3A_94 = arith.muli %add3A_92, %mul3A_93 : i32
    %add3A_95 = arith.constant 1 : i32
    %add3A_96 = arith.addi %select_n3A_58, %add3A_95 : i32
    %mul3A_97 = arith.constant 1024 : i32
    %mul3A_98 = arith.muli %add3A_96, %mul3A_97 : i32
    %add3A_99 = arith.constant 2 : i32
    %add3A_100 = arith.addi %select_n3A_58, %add3A_99 : i32
    %mul3A_101 = arith.constant 1024 : i32
    %mul3A_102 = arith.muli %add3A_100, %mul3A_101 : i32
    %add3A_103 = arith.constant 3 : i32
    %add3A_104 = arith.addi %select_n3A_58, %add3A_103 : i32
    %mul3A_105 = arith.constant 1024 : i32
    %mul3A_106 = arith.muli %add3A_104, %mul3A_105 : i32
    %add3A_107 = arith.constant 4 : i32
    %add3A_108 = arith.addi %select_n3A_58, %add3A_107 : i32
    %mul3A_109 = arith.constant 1024 : i32
    %mul3A_110 = arith.muli %add3A_108, %mul3A_109 : i32
    %add3A_111 = arith.constant 5 : i32
    %add3A_112 = arith.addi %select_n3A_58, %add3A_111 : i32
    %mul3A_113 = arith.constant 1024 : i32
    %mul3A_114 = arith.muli %add3A_112, %mul3A_113 : i32
    %add3A_115 = arith.constant 6 : i32
    %add3A_116 = arith.addi %select_n3A_58, %add3A_115 : i32
    %mul3A_117 = arith.constant 1024 : i32
    %mul3A_118 = arith.muli %add3A_116, %mul3A_117 : i32
    %add3A_119 = arith.constant 7 : i32
    %add3A_120 = arith.addi %select_n3A_58, %add3A_119 : i32
    %mul3A_121 = arith.constant 1024 : i32
    %mul3A_122 = arith.muli %add3A_120, %mul3A_121 : i32
    %add3A_123 = arith.constant 0 : i32
    %add3A_124 = arith.addi %select_n3A_58, %add3A_123 : i32
    %mul3A_125 = arith.constant 1024 : i32
    %mul3A_126 = arith.muli %add3A_124, %mul3A_125 : i32
    %add3A_127 = arith.constant 1 : i32
    %add3A_128 = arith.addi %select_n3A_58, %add3A_127 : i32
    %mul3A_129 = arith.constant 1024 : i32
    %mul3A_130 = arith.muli %add3A_128, %mul3A_129 : i32
    %add3A_131 = arith.constant 2 : i32
    %add3A_132 = arith.addi %select_n3A_58, %add3A_131 : i32
    %mul3A_133 = arith.constant 1024 : i32
    %mul3A_134 = arith.muli %add3A_132, %mul3A_133 : i32
    %add3A_135 = arith.constant 3 : i32
    %add3A_136 = arith.addi %select_n3A_58, %add3A_135 : i32
    %mul3A_137 = arith.constant 1024 : i32
    %mul3A_138 = arith.muli %add3A_136, %mul3A_137 : i32
    %add3A_139 = arith.constant 4 : i32
    %add3A_140 = arith.addi %select_n3A_58, %add3A_139 : i32
    %mul3A_141 = arith.constant 1024 : i32
    %mul3A_142 = arith.muli %add3A_140, %mul3A_141 : i32
    %add3A_143 = arith.constant 5 : i32
    %add3A_144 = arith.addi %select_n3A_58, %add3A_143 : i32
    %mul3A_145 = arith.constant 1024 : i32
    %mul3A_146 = arith.muli %add3A_144, %mul3A_145 : i32
    %add3A_147 = arith.constant 6 : i32
    %add3A_148 = arith.addi %select_n3A_58, %add3A_147 : i32
    %mul3A_149 = arith.constant 1024 : i32
    %mul3A_150 = arith.muli %add3A_148, %mul3A_149 : i32
    %add3A_151 = arith.constant 7 : i32
    %add3A_152 = arith.addi %select_n3A_58, %add3A_151 : i32
    %mul3A_153 = arith.constant 1024 : i32
    %mul3A_154 = arith.muli %add3A_152, %mul3A_153 : i32
    %dma_start3A = tpu.memref_slice %arg3[%mul3A_62] : memref<32768xi32, #tpu.memory_space<hbm>> -> memref<1024xi32, #tpu.memory_space<hbm>>
    %dma_start3A_155 = tpu.memref_slice %arg3[%mul3A_62] : memref<32768xi32, #tpu.memory_space<hbm>> -> memref<1024xi32, #tpu.memory_space<hbm>>
    tpu.enqueue_dma source(%dma_start3A_155 : memref<1024xi32, #tpu.memory_space<hbm>>) target(%arg7 : memref<1024xi32, #tpu.memory_space<vmem>>) target_semaphore(%arg35 : memref<!tpu.dma_semaphore, #tpu.memory_space<semaphore_mem>>)
    %dma_start3A_156 = tpu.memref_slice %arg3[%mul3A_66] : memref<32768xi32, #tpu.memory_space<hbm>> -> memref<1024xi32, #tpu.memory_space<hbm>>
    %dma_start3A_157 = tpu.memref_slice %arg3[%mul3A_66] : memref<32768xi32, #tpu.memory_space<hbm>> -> memref<1024xi32, #tpu.memory_space<hbm>>
    tpu.enqueue_dma source(%dma_start3A_157 : memref<1024xi32, #tpu.memory_space<hbm>>) target(%arg8 : memref<1024xi32, #tpu.memory_space<vmem>>) target_semaphore(%arg35 : memref<!tpu.dma_semaphore, #tpu.memory_space<semaphore_mem>>)
    %dma_start3A_158 = tpu.memref_slice %arg3[%mul3A_70] : memref<32768xi32, #tpu.memory_space<hbm>> -> memref<1024xi32, #tpu.memory_space<hbm>>
    %dma_start3A_159 = tpu.memref_slice %arg3[%mul3A_70] : memref<32768xi32, #tpu.memory_space<hbm>> -> memref<1024xi32, #tpu.memory_space<hbm>>
    tpu.enqueue_dma source(%dma_start3A_159 : memref<1024xi32, #tpu.memory_space<hbm>>) target(%arg9 : memref<1024xi32, #tpu.memory_space<vmem>>) target_semaphore(%arg35 : memref<!tpu.dma_semaphore, #tpu.memory_space<semaphore_mem>>)
    %dma_start3A_160 = tpu.memref_slice %arg3[%mul3A_74] : memref<32768xi32, #tpu.memory_space<hbm>> -> memref<1024xi32, #tpu.memory_space<hbm>>
    %dma_start3A_161 = tpu.memref_slice %arg3[%mul3A_74] : memref<32768xi32, #tpu.memory_space<hbm>> -> memref<1024xi32, #tpu.memory_space<hbm>>
    tpu.enqueue_dma source(%dma_start3A_161 : memref<1024xi32, #tpu.memory_space<hbm>>) target(%arg10 : memref<1024xi32, #tpu.memory_space<vmem>>) target_semaphore(%arg35 : memref<!tpu.dma_semaphore, #tpu.memory_space<semaphore_mem>>)
    %dma_start3A_162 = tpu.memref_slice %arg3[%mul3A_78] : memref<32768xi32, #tpu.memory_space<hbm>> -> memref<1024xi32, #tpu.memory_space<hbm>>
    %dma_start3A_163 = tpu.memref_slice %arg3[%mul3A_78] : memref<32768xi32, #tpu.memory_space<hbm>> -> memref<1024xi32, #tpu.memory_space<hbm>>
    tpu.enqueue_dma source(%dma_start3A_163 : memref<1024xi32, #tpu.memory_space<hbm>>) target(%arg11 : memref<1024xi32, #tpu.memory_space<vmem>>) target_semaphore(%arg35 : memref<!tpu.dma_semaphore, #tpu.memory_space<semaphore_mem>>)
    %dma_start3A_164 = tpu.memref_slice %arg3[%mul3A_82] : memref<32768xi32, #tpu.memory_space<hbm>> -> memref<1024xi32, #tpu.memory_space<hbm>>
    %dma_start3A_165 = tpu.memref_slice %arg3[%mul3A_82] : memref<32768xi32, #tpu.memory_space<hbm>> -> memref<1024xi32, #tpu.memory_space<hbm>>
    tpu.enqueue_dma source(%dma_start3A_165 : memref<1024xi32, #tpu.memory_space<hbm>>) target(%arg12 : memref<1024xi32, #tpu.memory_space<vmem>>) target_semaphore(%arg35 : memref<!tpu.dma_semaphore, #tpu.memory_space<semaphore_mem>>)
    %dma_start3A_166 = tpu.memref_slice %arg3[%mul3A_86] : memref<32768xi32, #tpu.memory_space<hbm>> -> memref<1024xi32, #tpu.memory_space<hbm>>
    %dma_start3A_167 = tpu.memref_slice %arg3[%mul3A_86] : memref<32768xi32, #tpu.memory_space<hbm>> -> memref<1024xi32, #tpu.memory_space<hbm>>
    tpu.enqueue_dma source(%dma_start3A_167 : memref<1024xi32, #tpu.memory_space<hbm>>) target(%arg13 : memref<1024xi32, #tpu.memory_space<vmem>>) target_semaphore(%arg35 : memref<!tpu.dma_semaphore, #tpu.memory_space<semaphore_mem>>)
    %dma_start3A_168 = tpu.memref_slice %arg3[%mul3A_90] : memref<32768xi32, #tpu.memory_space<hbm>> -> memref<1024xi32, #tpu.memory_space<hbm>>
    %dma_start3A_169 = tpu.memref_slice %arg3[%mul3A_90] : memref<32768xi32, #tpu.memory_space<hbm>> -> memref<1024xi32, #tpu.memory_space<hbm>>
    tpu.enqueue_dma source(%dma_start3A_169 : memref<1024xi32, #tpu.memory_space<hbm>>) target(%arg14 : memref<1024xi32, #tpu.memory_space<vmem>>) target_semaphore(%arg35 : memref<!tpu.dma_semaphore, #tpu.memory_space<semaphore_mem>>)
    %dma_start3A_170 = tpu.memref_slice %arg4[%mul3A_94] : memref<32768xi32, #tpu.memory_space<hbm>> -> memref<1024xi32, #tpu.memory_space<hbm>>
    %dma_start3A_171 = tpu.memref_slice %arg4[%mul3A_94] : memref<32768xi32, #tpu.memory_space<hbm>> -> memref<1024xi32, #tpu.memory_space<hbm>>
    tpu.enqueue_dma source(%dma_start3A_171 : memref<1024xi32, #tpu.memory_space<hbm>>) target(%arg15 : memref<1024xi32, #tpu.memory_space<vmem>>) target_semaphore(%arg35 : memref<!tpu.dma_semaphore, #tpu.memory_space<semaphore_mem>>)
    %dma_start3A_172 = tpu.memref_slice %arg4[%mul3A_98] : memref<32768xi32, #tpu.memory_space<hbm>> -> memref<1024xi32, #tpu.memory_space<hbm>>
    %dma_start3A_173 = tpu.memref_slice %arg4[%mul3A_98] : memref<32768xi32, #tpu.memory_space<hbm>> -> memref<1024xi32, #tpu.memory_space<hbm>>
    tpu.enqueue_dma source(%dma_start3A_173 : memref<1024xi32, #tpu.memory_space<hbm>>) target(%arg16 : memref<1024xi32, #tpu.memory_space<vmem>>) target_semaphore(%arg35 : memref<!tpu.dma_semaphore, #tpu.memory_space<semaphore_mem>>)
    %dma_start3A_174 = tpu.memref_slice %arg4[%mul3A_102] : memref<32768xi32, #tpu.memory_space<hbm>> -> memref<1024xi32, #tpu.memory_space<hbm>>
    %dma_start3A_175 = tpu.memref_slice %arg4[%mul3A_102] : memref<32768xi32, #tpu.memory_space<hbm>> -> memref<1024xi32, #tpu.memory_space<hbm>>
    tpu.enqueue_dma source(%dma_start3A_175 : memref<1024xi32, #tpu.memory_space<hbm>>) target(%arg17 : memref<1024xi32, #tpu.memory_space<vmem>>) target_semaphore(%arg35 : memref<!tpu.dma_semaphore, #tpu.memory_space<semaphore_mem>>)
    %dma_start3A_176 = tpu.memref_slice %arg4[%mul3A_106] : memref<32768xi32, #tpu.memory_space<hbm>> -> memref<1024xi32, #tpu.memory_space<hbm>>
    %dma_start3A_177 = tpu.memref_slice %arg4[%mul3A_106] : memref<32768xi32, #tpu.memory_space<hbm>> -> memref<1024xi32, #tpu.memory_space<hbm>>
    tpu.enqueue_dma source(%dma_start3A_177 : memref<1024xi32, #tpu.memory_space<hbm>>) target(%arg18 : memref<1024xi32, #tpu.memory_space<vmem>>) target_semaphore(%arg35 : memref<!tpu.dma_semaphore, #tpu.memory_space<semaphore_mem>>)
    %dma_wait3A = tpu.memref_slice %arg3[%mul3A_62] : memref<32768xi32, #tpu.memory_space<hbm>> -> memref<1024xi32, #tpu.memory_space<hbm>>
    %dma_wait3A_178 = tpu.memref_slice %arg3[%mul3A_62] : memref<32768xi32, #tpu.memory_space<hbm>> -> memref<1024xi32, #tpu.memory_space<hbm>>
    tpu.wait_dma2 semaphore(%arg35 : memref<!tpu.dma_semaphore, #tpu.memory_space<semaphore_mem>>) src(%dma_wait3A_178 : memref<1024xi32, #tpu.memory_space<hbm>>) dst(%arg7 : memref<1024xi32, #tpu.memory_space<vmem>>)
    %dma_wait3A_179 = tpu.memref_slice %arg3[%mul3A_66] : memref<32768xi32, #tpu.memory_space<hbm>> -> memref<1024xi32, #tpu.memory_space<hbm>>
    %dma_wait3A_180 = tpu.memref_slice %arg3[%mul3A_66] : memref<32768xi32, #tpu.memory_space<hbm>> -> memref<1024xi32, #tpu.memory_space<hbm>>
    tpu.wait_dma2 semaphore(%arg35 : memref<!tpu.dma_semaphore, #tpu.memory_space<semaphore_mem>>) src(%dma_wait3A_180 : memref<1024xi32, #tpu.memory_space<hbm>>) dst(%arg8 : memref<1024xi32, #tpu.memory_space<vmem>>)
    %dma_wait3A_181 = tpu.memref_slice %arg3[%mul3A_70] : memref<32768xi32, #tpu.memory_space<hbm>> -> memref<1024xi32, #tpu.memory_space<hbm>>
    %dma_wait3A_182 = tpu.memref_slice %arg3[%mul3A_70] : memref<32768xi32, #tpu.memory_space<hbm>> -> memref<1024xi32, #tpu.memory_space<hbm>>
    tpu.wait_dma2 semaphore(%arg35 : memref<!tpu.dma_semaphore, #tpu.memory_space<semaphore_mem>>) src(%dma_wait3A_182 : memref<1024xi32, #tpu.memory_space<hbm>>) dst(%arg9 : memref<1024xi32, #tpu.memory_space<vmem>>)
    %dma_wait3A_183 = tpu.memref_slice %arg3[%mul3A_74] : memref<32768xi32, #tpu.memory_space<hbm>> -> memref<1024xi32, #tpu.memory_space<hbm>>
    %dma_wait3A_184 = tpu.memref_slice %arg3[%mul3A_74] : memref<32768xi32, #tpu.memory_space<hbm>> -> memref<1024xi32, #tpu.memory_space<hbm>>
    tpu.wait_dma2 semaphore(%arg35 : memref<!tpu.dma_semaphore, #tpu.memory_space<semaphore_mem>>) src(%dma_wait3A_184 : memref<1024xi32, #tpu.memory_space<hbm>>) dst(%arg10 : memref<1024xi32, #tpu.memory_space<vmem>>)
    %dma_wait3A_185 = tpu.memref_slice %arg3[%mul3A_78] : memref<32768xi32, #tpu.memory_space<hbm>> -> memref<1024xi32, #tpu.memory_space<hbm>>
    %dma_wait3A_186 = tpu.memref_slice %arg3[%mul3A_78] : memref<32768xi32, #tpu.memory_space<hbm>> -> memref<1024xi32, #tpu.memory_space<hbm>>
    tpu.wait_dma2 semaphore(%arg35 : memref<!tpu.dma_semaphore, #tpu.memory_space<semaphore_mem>>) src(%dma_wait3A_186 : memref<1024xi32, #tpu.memory_space<hbm>>) dst(%arg11 : memref<1024xi32, #tpu.memory_space<vmem>>)
    %dma_wait3A_187 = tpu.memref_slice %arg3[%mul3A_82] : memref<32768xi32, #tpu.memory_space<hbm>> -> memref<1024xi32, #tpu.memory_space<hbm>>
    %dma_wait3A_188 = tpu.memref_slice %arg3[%mul3A_82] : memref<32768xi32, #tpu.memory_space<hbm>> -> memref<1024xi32, #tpu.memory_space<hbm>>
    tpu.wait_dma2 semaphore(%arg35 : memref<!tpu.dma_semaphore, #tpu.memory_space<semaphore_mem>>) src(%dma_wait3A_188 : memref<1024xi32, #tpu.memory_space<hbm>>) dst(%arg12 : memref<1024xi32, #tpu.memory_space<vmem>>)
    %dma_wait3A_189 = tpu.memref_slice %arg3[%mul3A_86] : memref<32768xi32, #tpu.memory_space<hbm>> -> memref<1024xi32, #tpu.memory_space<hbm>>
    %dma_wait3A_190 = tpu.memref_slice %arg3[%mul3A_86] : memref<32768xi32, #tpu.memory_space<hbm>> -> memref<1024xi32, #tpu.memory_space<hbm>>
    tpu.wait_dma2 semaphore(%arg35 : memref<!tpu.dma_semaphore, #tpu.memory_space<semaphore_mem>>) src(%dma_wait3A_190 : memref<1024xi32, #tpu.memory_space<hbm>>) dst(%arg13 : memref<1024xi32, #tpu.memory_space<vmem>>)
    %dma_wait3A_191 = tpu.memref_slice %arg3[%mul3A_90] : memref<32768xi32, #tpu.memory_space<hbm>> -> memref<1024xi32, #tpu.memory_space<hbm>>
    %dma_wait3A_192 = tpu.memref_slice %arg3[%mul3A_90] : memref<32768xi32, #tpu.memory_space<hbm>> -> memref<1024xi32, #tpu.memory_space<hbm>>
    tpu.wait_dma2 semaphore(%arg35 : memref<!tpu.dma_semaphore, #tpu.memory_space<semaphore_mem>>) src(%dma_wait3A_192 : memref<1024xi32, #tpu.memory_space<hbm>>) dst(%arg14 : memref<1024xi32, #tpu.memory_space<vmem>>)
    %dma_wait3A_193 = tpu.memref_slice %arg4[%mul3A_94] : memref<32768xi32, #tpu.memory_space<hbm>> -> memref<1024xi32, #tpu.memory_space<hbm>>
    %dma_wait3A_194 = tpu.memref_slice %arg4[%mul3A_94] : memref<32768xi32, #tpu.memory_space<hbm>> -> memref<1024xi32, #tpu.memory_space<hbm>>
    tpu.wait_dma2 semaphore(%arg35 : memref<!tpu.dma_semaphore, #tpu.memory_space<semaphore_mem>>) src(%dma_wait3A_194 : memref<1024xi32, #tpu.memory_space<hbm>>) dst(%arg15 : memref<1024xi32, #tpu.memory_space<vmem>>)
    %dma_wait3A_195 = tpu.memref_slice %arg4[%mul3A_98] : memref<32768xi32, #tpu.memory_space<hbm>> -> memref<1024xi32, #tpu.memory_space<hbm>>
    %dma_wait3A_196 = tpu.memref_slice %arg4[%mul3A_98] : memref<32768xi32, #tpu.memory_space<hbm>> -> memref<1024xi32, #tpu.memory_space<hbm>>
    tpu.wait_dma2 semaphore(%arg35 : memref<!tpu.dma_semaphore, #tpu.memory_space<semaphore_mem>>) src(%dma_wait3A_196 : memref<1024xi32, #tpu.memory_space<hbm>>) dst(%arg16 : memref<1024xi32, #tpu.memory_space<vmem>>)
    %dma_wait3A_197 = tpu.memref_slice %arg4[%mul3A_102] : memref<32768xi32, #tpu.memory_space<hbm>> -> memref<1024xi32, #tpu.memory_space<hbm>>
    %dma_wait3A_198 = tpu.memref_slice %arg4[%mul3A_102] : memref<32768xi32, #tpu.memory_space<hbm>> -> memref<1024xi32, #tpu.memory_space<hbm>>
    tpu.wait_dma2 semaphore(%arg35 : memref<!tpu.dma_semaphore, #tpu.memory_space<semaphore_mem>>) src(%dma_wait3A_198 : memref<1024xi32, #tpu.memory_space<hbm>>) dst(%arg17 : memref<1024xi32, #tpu.memory_space<vmem>>)
    %dma_wait3A_199 = tpu.memref_slice %arg4[%mul3A_106] : memref<32768xi32, #tpu.memory_space<hbm>> -> memref<1024xi32, #tpu.memory_space<hbm>>
    %dma_wait3A_200 = tpu.memref_slice %arg4[%mul3A_106] : memref<32768xi32, #tpu.memory_space<hbm>> -> memref<1024xi32, #tpu.memory_space<hbm>>
    tpu.wait_dma2 semaphore(%arg35 : memref<!tpu.dma_semaphore, #tpu.memory_space<semaphore_mem>>) src(%dma_wait3A_200 : memref<1024xi32, #tpu.memory_space<hbm>>) dst(%arg18 : memref<1024xi32, #tpu.memory_space<vmem>>)
    %dma_start3A_201 = tpu.memref_slice %arg4[%mul3A_110] : memref<32768xi32, #tpu.memory_space<hbm>> -> memref<1024xi32, #tpu.memory_space<hbm>>
    %dma_start3A_202 = tpu.memref_slice %arg4[%mul3A_110] : memref<32768xi32, #tpu.memory_space<hbm>> -> memref<1024xi32, #tpu.memory_space<hbm>>
    tpu.enqueue_dma source(%dma_start3A_202 : memref<1024xi32, #tpu.memory_space<hbm>>) target(%arg19 : memref<1024xi32, #tpu.memory_space<vmem>>) target_semaphore(%arg35 : memref<!tpu.dma_semaphore, #tpu.memory_space<semaphore_mem>>)
    %dma_start3A_203 = tpu.memref_slice %arg4[%mul3A_114] : memref<32768xi32, #tpu.memory_space<hbm>> -> memref<1024xi32, #tpu.memory_space<hbm>>
    %dma_start3A_204 = tpu.memref_slice %arg4[%mul3A_114] : memref<32768xi32, #tpu.memory_space<hbm>> -> memref<1024xi32, #tpu.memory_space<hbm>>
    tpu.enqueue_dma source(%dma_start3A_204 : memref<1024xi32, #tpu.memory_space<hbm>>) target(%arg20 : memref<1024xi32, #tpu.memory_space<vmem>>) target_semaphore(%arg35 : memref<!tpu.dma_semaphore, #tpu.memory_space<semaphore_mem>>)
    %dma_start3A_205 = tpu.memref_slice %arg4[%mul3A_118] : memref<32768xi32, #tpu.memory_space<hbm>> -> memref<1024xi32, #tpu.memory_space<hbm>>
    %dma_start3A_206 = tpu.memref_slice %arg4[%mul3A_118] : memref<32768xi32, #tpu.memory_space<hbm>> -> memref<1024xi32, #tpu.memory_space<hbm>>
    tpu.enqueue_dma source(%dma_start3A_206 : memref<1024xi32, #tpu.memory_space<hbm>>) target(%arg21 : memref<1024xi32, #tpu.memory_space<vmem>>) target_semaphore(%arg35 : memref<!tpu.dma_semaphore, #tpu.memory_space<semaphore_mem>>)
    %dma_start3A_207 = tpu.memref_slice %arg4[%mul3A_122] : memref<32768xi32, #tpu.memory_space<hbm>> -> memref<1024xi32, #tpu.memory_space<hbm>>
    %dma_start3A_208 = tpu.memref_slice %arg4[%mul3A_122] : memref<32768xi32, #tpu.memory_space<hbm>> -> memref<1024xi32, #tpu.memory_space<hbm>>
    tpu.enqueue_dma source(%dma_start3A_208 : memref<1024xi32, #tpu.memory_space<hbm>>) target(%arg22 : memref<1024xi32, #tpu.memory_space<vmem>>) target_semaphore(%arg35 : memref<!tpu.dma_semaphore, #tpu.memory_space<semaphore_mem>>)
    %dma_start3A_209 = tpu.memref_slice %arg5[%mul3A_126] : memref<32768xi32, #tpu.memory_space<hbm>> -> memref<1024xi32, #tpu.memory_space<hbm>>
    %dma_start3A_210 = tpu.memref_slice %arg5[%mul3A_126] : memref<32768xi32, #tpu.memory_space<hbm>> -> memref<1024xi32, #tpu.memory_space<hbm>>
    tpu.enqueue_dma source(%dma_start3A_210 : memref<1024xi32, #tpu.memory_space<hbm>>) target(%arg23 : memref<1024xi32, #tpu.memory_space<vmem>>) target_semaphore(%arg35 : memref<!tpu.dma_semaphore, #tpu.memory_space<semaphore_mem>>)
    %dma_start3A_211 = tpu.memref_slice %arg5[%mul3A_130] : memref<32768xi32, #tpu.memory_space<hbm>> -> memref<1024xi32, #tpu.memory_space<hbm>>
    %dma_start3A_212 = tpu.memref_slice %arg5[%mul3A_130] : memref<32768xi32, #tpu.memory_space<hbm>> -> memref<1024xi32, #tpu.memory_space<hbm>>
    tpu.enqueue_dma source(%dma_start3A_212 : memref<1024xi32, #tpu.memory_space<hbm>>) target(%arg24 : memref<1024xi32, #tpu.memory_space<vmem>>) target_semaphore(%arg35 : memref<!tpu.dma_semaphore, #tpu.memory_space<semaphore_mem>>)
    %dma_start3A_213 = tpu.memref_slice %arg5[%mul3A_134] : memref<32768xi32, #tpu.memory_space<hbm>> -> memref<1024xi32, #tpu.memory_space<hbm>>
    %dma_start3A_214 = tpu.memref_slice %arg5[%mul3A_134] : memref<32768xi32, #tpu.memory_space<hbm>> -> memref<1024xi32, #tpu.memory_space<hbm>>
    tpu.enqueue_dma source(%dma_start3A_214 : memref<1024xi32, #tpu.memory_space<hbm>>) target(%arg25 : memref<1024xi32, #tpu.memory_space<vmem>>) target_semaphore(%arg35 : memref<!tpu.dma_semaphore, #tpu.memory_space<semaphore_mem>>)
    %dma_start3A_215 = tpu.memref_slice %arg5[%mul3A_138] : memref<32768xi32, #tpu.memory_space<hbm>> -> memref<1024xi32, #tpu.memory_space<hbm>>
    %dma_start3A_216 = tpu.memref_slice %arg5[%mul3A_138] : memref<32768xi32, #tpu.memory_space<hbm>> -> memref<1024xi32, #tpu.memory_space<hbm>>
    tpu.enqueue_dma source(%dma_start3A_216 : memref<1024xi32, #tpu.memory_space<hbm>>) target(%arg26 : memref<1024xi32, #tpu.memory_space<vmem>>) target_semaphore(%arg35 : memref<!tpu.dma_semaphore, #tpu.memory_space<semaphore_mem>>)
    %dma_start3A_217 = tpu.memref_slice %arg5[%mul3A_142] : memref<32768xi32, #tpu.memory_space<hbm>> -> memref<1024xi32, #tpu.memory_space<hbm>>
    %dma_start3A_218 = tpu.memref_slice %arg5[%mul3A_142] : memref<32768xi32, #tpu.memory_space<hbm>> -> memref<1024xi32, #tpu.memory_space<hbm>>
    tpu.enqueue_dma source(%dma_start3A_218 : memref<1024xi32, #tpu.memory_space<hbm>>) target(%arg27 : memref<1024xi32, #tpu.memory_space<vmem>>) target_semaphore(%arg35 : memref<!tpu.dma_semaphore, #tpu.memory_space<semaphore_mem>>)
    %dma_start3A_219 = tpu.memref_slice %arg5[%mul3A_146] : memref<32768xi32, #tpu.memory_space<hbm>> -> memref<1024xi32, #tpu.memory_space<hbm>>
    %dma_start3A_220 = tpu.memref_slice %arg5[%mul3A_146] : memref<32768xi32, #tpu.memory_space<hbm>> -> memref<1024xi32, #tpu.memory_space<hbm>>
    tpu.enqueue_dma source(%dma_start3A_220 : memref<1024xi32, #tpu.memory_space<hbm>>) target(%arg28 : memref<1024xi32, #tpu.memory_space<vmem>>) target_semaphore(%arg35 : memref<!tpu.dma_semaphore, #tpu.memory_space<semaphore_mem>>)
    %dma_start3A_221 = tpu.memref_slice %arg5[%mul3A_150] : memref<32768xi32, #tpu.memory_space<hbm>> -> memref<1024xi32, #tpu.memory_space<hbm>>
    %dma_start3A_222 = tpu.memref_slice %arg5[%mul3A_150] : memref<32768xi32, #tpu.memory_space<hbm>> -> memref<1024xi32, #tpu.memory_space<hbm>>
    tpu.enqueue_dma source(%dma_start3A_222 : memref<1024xi32, #tpu.memory_space<hbm>>) target(%arg29 : memref<1024xi32, #tpu.memory_space<vmem>>) target_semaphore(%arg35 : memref<!tpu.dma_semaphore, #tpu.memory_space<semaphore_mem>>)
    %dma_start3A_223 = tpu.memref_slice %arg5[%mul3A_154] : memref<32768xi32, #tpu.memory_space<hbm>> -> memref<1024xi32, #tpu.memory_space<hbm>>
    %dma_start3A_224 = tpu.memref_slice %arg5[%mul3A_154] : memref<32768xi32, #tpu.memory_space<hbm>> -> memref<1024xi32, #tpu.memory_space<hbm>>
    tpu.enqueue_dma source(%dma_start3A_224 : memref<1024xi32, #tpu.memory_space<hbm>>) target(%arg30 : memref<1024xi32, #tpu.memory_space<vmem>>) target_semaphore(%arg35 : memref<!tpu.dma_semaphore, #tpu.memory_space<semaphore_mem>>)
    %dma_wait3A_225 = tpu.memref_slice %arg4[%mul3A_110] : memref<32768xi32, #tpu.memory_space<hbm>> -> memref<1024xi32, #tpu.memory_space<hbm>>
    %dma_wait3A_226 = tpu.memref_slice %arg4[%mul3A_110] : memref<32768xi32, #tpu.memory_space<hbm>> -> memref<1024xi32, #tpu.memory_space<hbm>>
    tpu.wait_dma2 semaphore(%arg35 : memref<!tpu.dma_semaphore, #tpu.memory_space<semaphore_mem>>) src(%dma_wait3A_226 : memref<1024xi32, #tpu.memory_space<hbm>>) dst(%arg19 : memref<1024xi32, #tpu.memory_space<vmem>>)
    %dma_wait3A_227 = tpu.memref_slice %arg4[%mul3A_114] : memref<32768xi32, #tpu.memory_space<hbm>> -> memref<1024xi32, #tpu.memory_space<hbm>>
    %dma_wait3A_228 = tpu.memref_slice %arg4[%mul3A_114] : memref<32768xi32, #tpu.memory_space<hbm>> -> memref<1024xi32, #tpu.memory_space<hbm>>
    tpu.wait_dma2 semaphore(%arg35 : memref<!tpu.dma_semaphore, #tpu.memory_space<semaphore_mem>>) src(%dma_wait3A_228 : memref<1024xi32, #tpu.memory_space<hbm>>) dst(%arg20 : memref<1024xi32, #tpu.memory_space<vmem>>)
    %dma_wait3A_229 = tpu.memref_slice %arg4[%mul3A_118] : memref<32768xi32, #tpu.memory_space<hbm>> -> memref<1024xi32, #tpu.memory_space<hbm>>
    %dma_wait3A_230 = tpu.memref_slice %arg4[%mul3A_118] : memref<32768xi32, #tpu.memory_space<hbm>> -> memref<1024xi32, #tpu.memory_space<hbm>>
    tpu.wait_dma2 semaphore(%arg35 : memref<!tpu.dma_semaphore, #tpu.memory_space<semaphore_mem>>) src(%dma_wait3A_230 : memref<1024xi32, #tpu.memory_space<hbm>>) dst(%arg21 : memref<1024xi32, #tpu.memory_space<vmem>>)
    %dma_wait3A_231 = tpu.memref_slice %arg4[%mul3A_122] : memref<32768xi32, #tpu.memory_space<hbm>> -> memref<1024xi32, #tpu.memory_space<hbm>>
    %dma_wait3A_232 = tpu.memref_slice %arg4[%mul3A_122] : memref<32768xi32, #tpu.memory_space<hbm>> -> memref<1024xi32, #tpu.memory_space<hbm>>
    tpu.wait_dma2 semaphore(%arg35 : memref<!tpu.dma_semaphore, #tpu.memory_space<semaphore_mem>>) src(%dma_wait3A_232 : memref<1024xi32, #tpu.memory_space<hbm>>) dst(%arg22 : memref<1024xi32, #tpu.memory_space<vmem>>)
    %dma_wait3A_233 = tpu.memref_slice %arg5[%mul3A_126] : memref<32768xi32, #tpu.memory_space<hbm>> -> memref<1024xi32, #tpu.memory_space<hbm>>
    %dma_wait3A_234 = tpu.memref_slice %arg5[%mul3A_126] : memref<32768xi32, #tpu.memory_space<hbm>> -> memref<1024xi32, #tpu.memory_space<hbm>>
    tpu.wait_dma2 semaphore(%arg35 : memref<!tpu.dma_semaphore, #tpu.memory_space<semaphore_mem>>) src(%dma_wait3A_234 : memref<1024xi32, #tpu.memory_space<hbm>>) dst(%arg23 : memref<1024xi32, #tpu.memory_space<vmem>>)
    %dma_wait3A_235 = tpu.memref_slice %arg5[%mul3A_130] : memref<32768xi32, #tpu.memory_space<hbm>> -> memref<1024xi32, #tpu.memory_space<hbm>>
    %dma_wait3A_236 = tpu.memref_slice %arg5[%mul3A_130] : memref<32768xi32, #tpu.memory_space<hbm>> -> memref<1024xi32, #tpu.memory_space<hbm>>
    tpu.wait_dma2 semaphore(%arg35 : memref<!tpu.dma_semaphore, #tpu.memory_space<semaphore_mem>>) src(%dma_wait3A_236 : memref<1024xi32, #tpu.memory_space<hbm>>) dst(%arg24 : memref<1024xi32, #tpu.memory_space<vmem>>)
    %dma_wait3A_237 = tpu.memref_slice %arg5[%mul3A_134] : memref<32768xi32, #tpu.memory_space<hbm>> -> memref<1024xi32, #tpu.memory_space<hbm>>
    %dma_wait3A_238 = tpu.memref_slice %arg5[%mul3A_134] : memref<32768xi32, #tpu.memory_space<hbm>> -> memref<1024xi32, #tpu.memory_space<hbm>>
    tpu.wait_dma2 semaphore(%arg35 : memref<!tpu.dma_semaphore, #tpu.memory_space<semaphore_mem>>) src(%dma_wait3A_238 : memref<1024xi32, #tpu.memory_space<hbm>>) dst(%arg25 : memref<1024xi32, #tpu.memory_space<vmem>>)
    %dma_wait3A_239 = tpu.memref_slice %arg5[%mul3A_138] : memref<32768xi32, #tpu.memory_space<hbm>> -> memref<1024xi32, #tpu.memory_space<hbm>>
    %dma_wait3A_240 = tpu.memref_slice %arg5[%mul3A_138] : memref<32768xi32, #tpu.memory_space<hbm>> -> memref<1024xi32, #tpu.memory_space<hbm>>
    tpu.wait_dma2 semaphore(%arg35 : memref<!tpu.dma_semaphore, #tpu.memory_space<semaphore_mem>>) src(%dma_wait3A_240 : memref<1024xi32, #tpu.memory_space<hbm>>) dst(%arg26 : memref<1024xi32, #tpu.memory_space<vmem>>)
    %dma_wait3A_241 = tpu.memref_slice %arg5[%mul3A_142] : memref<32768xi32, #tpu.memory_space<hbm>> -> memref<1024xi32, #tpu.memory_space<hbm>>
    %dma_wait3A_242 = tpu.memref_slice %arg5[%mul3A_142] : memref<32768xi32, #tpu.memory_space<hbm>> -> memref<1024xi32, #tpu.memory_space<hbm>>
    tpu.wait_dma2 semaphore(%arg35 : memref<!tpu.dma_semaphore, #tpu.memory_space<semaphore_mem>>) src(%dma_wait3A_242 : memref<1024xi32, #tpu.memory_space<hbm>>) dst(%arg27 : memref<1024xi32, #tpu.memory_space<vmem>>)
    %dma_wait3A_243 = tpu.memref_slice %arg5[%mul3A_146] : memref<32768xi32, #tpu.memory_space<hbm>> -> memref<1024xi32, #tpu.memory_space<hbm>>
    %dma_wait3A_244 = tpu.memref_slice %arg5[%mul3A_146] : memref<32768xi32, #tpu.memory_space<hbm>> -> memref<1024xi32, #tpu.memory_space<hbm>>
    tpu.wait_dma2 semaphore(%arg35 : memref<!tpu.dma_semaphore, #tpu.memory_space<semaphore_mem>>) src(%dma_wait3A_244 : memref<1024xi32, #tpu.memory_space<hbm>>) dst(%arg28 : memref<1024xi32, #tpu.memory_space<vmem>>)
    %dma_wait3A_245 = tpu.memref_slice %arg5[%mul3A_150] : memref<32768xi32, #tpu.memory_space<hbm>> -> memref<1024xi32, #tpu.memory_space<hbm>>
    %dma_wait3A_246 = tpu.memref_slice %arg5[%mul3A_150] : memref<32768xi32, #tpu.memory_space<hbm>> -> memref<1024xi32, #tpu.memory_space<hbm>>
    tpu.wait_dma2 semaphore(%arg35 : memref<!tpu.dma_semaphore, #tpu.memory_space<semaphore_mem>>) src(%dma_wait3A_246 : memref<1024xi32, #tpu.memory_space<hbm>>) dst(%arg29 : memref<1024xi32, #tpu.memory_space<vmem>>)
    %dma_wait3A_247 = tpu.memref_slice %arg5[%mul3A_154] : memref<32768xi32, #tpu.memory_space<hbm>> -> memref<1024xi32, #tpu.memory_space<hbm>>
    %dma_wait3A_248 = tpu.memref_slice %arg5[%mul3A_154] : memref<32768xi32, #tpu.memory_space<hbm>> -> memref<1024xi32, #tpu.memory_space<hbm>>
    tpu.wait_dma2 semaphore(%arg35 : memref<!tpu.dma_semaphore, #tpu.memory_space<semaphore_mem>>) src(%dma_wait3A_248 : memref<1024xi32, #tpu.memory_space<hbm>>) dst(%arg30 : memref<1024xi32, #tpu.memory_space<vmem>>)
    %dma_start3A_249 = arith.constant 0 : i32
    %dma_start3A_250 = arith.constant 0 : i32
    %dma_start3A_251 = arith.constant 0 : i32
    %dma_start3A_252 = arith.constant 0 : i32
    %dma_start3A_253 = arith.constant 0 : i32
    %dma_start3A_254 = tpu.memref_slice %arg31[%dma_start3A_251, %dma_start3A_252, %dma_start3A_253] : memref<3x16x128xi32, #tpu.memory_space<vmem>> -> memref<1x16x128xi32, #tpu.memory_space<vmem>>
    %dma_start3A_255 = tpu.memref_squeeze %dma_start3A_254 : memref<1x16x128xi32, #tpu.memory_space<vmem>> -> memref<16x128xi32, #tpu.memory_space<vmem>>
    %dma_start3A_256 = arith.constant 0 : i32
    %dma_start3A_257 = tpu.memref_slice %arg2[%dma_start3A_249, %dma_start3A_250, %dma_start3A_256, %mul3A_34] : memref<32x3x32x1024xi32, #tpu.memory_space<hbm>> -> memref<1x1x16x128xi32, #tpu.memory_space<hbm>>
    %dma_start3A_258 = tpu.memref_squeeze %dma_start3A_257 : memref<1x1x16x128xi32, #tpu.memory_space<hbm>> -> memref<16x128xi32, #tpu.memory_space<hbm>>
    %dma_start3A_259 = arith.constant 0 : i32
    %dma_start3A_260 = arith.constant 0 : i32
    %dma_start3A_261 = tpu.memref_slice %arg31[%dma_start3A_251, %dma_start3A_259, %dma_start3A_260] : memref<3x16x128xi32, #tpu.memory_space<vmem>> -> memref<1x16x128xi32, #tpu.memory_space<vmem>>
    %dma_start3A_262 = tpu.memref_squeeze %dma_start3A_261 : memref<1x16x128xi32, #tpu.memory_space<vmem>> -> memref<16x128xi32, #tpu.memory_space<vmem>>
    %dma_start3A_263 = arith.constant 0 : i32
    %dma_start3A_264 = tpu.memref_slice %arg2[%dma_start3A_249, %dma_start3A_250, %dma_start3A_263, %mul3A_34] : memref<32x3x32x1024xi32, #tpu.memory_space<hbm>> -> memref<1x1x16x128xi32, #tpu.memory_space<hbm>>
    %dma_start3A_265 = tpu.memref_squeeze %dma_start3A_264 : memref<1x1x16x128xi32, #tpu.memory_space<hbm>> -> memref<16x128xi32, #tpu.memory_space<hbm>>
    tpu.enqueue_dma source(%dma_start3A_265 : memref<16x128xi32, #tpu.memory_space<hbm>>) target(%dma_start3A_262 : memref<16x128xi32, #tpu.memory_space<vmem>>) target_semaphore(%arg35 : memref<!tpu.dma_semaphore, #tpu.memory_space<semaphore_mem>>)
    %dma_start3A_266 = arith.constant 0 : i32
    %dma_start3A_267 = arith.constant 1 : i32
    %dma_start3A_268 = arith.constant 1 : i32
    %dma_start3A_269 = arith.constant 0 : i32
    %dma_start3A_270 = arith.constant 0 : i32
    %dma_start3A_271 = tpu.memref_slice %arg31[%dma_start3A_268, %dma_start3A_269, %dma_start3A_270] : memref<3x16x128xi32, #tpu.memory_space<vmem>> -> memref<1x16x128xi32, #tpu.memory_space<vmem>>
    %dma_start3A_272 = tpu.memref_squeeze %dma_start3A_271 : memref<1x16x128xi32, #tpu.memory_space<vmem>> -> memref<16x128xi32, #tpu.memory_space<vmem>>
    %dma_start3A_273 = arith.constant 0 : i32
    %dma_start3A_274 = tpu.memref_slice %arg2[%dma_start3A_266, %dma_start3A_267, %dma_start3A_273, %mul3A_34] : memref<32x3x32x1024xi32, #tpu.memory_space<hbm>> -> memref<1x1x16x128xi32, #tpu.memory_space<hbm>>
    %dma_start3A_275 = tpu.memref_squeeze %dma_start3A_274 : memref<1x1x16x128xi32, #tpu.memory_space<hbm>> -> memref<16x128xi32, #tpu.memory_space<hbm>>
    %dma_start3A_276 = arith.constant 0 : i32
    %dma_start3A_277 = arith.constant 0 : i32
    %dma_start3A_278 = tpu.memref_slice %arg31[%dma_start3A_268, %dma_start3A_276, %dma_start3A_277] : memref<3x16x128xi32, #tpu.memory_space<vmem>> -> memref<1x16x128xi32, #tpu.memory_space<vmem>>
    %dma_start3A_279 = tpu.memref_squeeze %dma_start3A_278 : memref<1x16x128xi32, #tpu.memory_space<vmem>> -> memref<16x128xi32, #tpu.memory_space<vmem>>
    %dma_start3A_280 = arith.constant 0 : i32
    %dma_start3A_281 = tpu.memref_slice %arg2[%dma_start3A_266, %dma_start3A_267, %dma_start3A_280, %mul3A_34] : memref<32x3x32x1024xi32, #tpu.memory_space<hbm>> -> memref<1x1x16x128xi32, #tpu.memory_space<hbm>>
    %dma_start3A_282 = tpu.memref_squeeze %dma_start3A_281 : memref<1x1x16x128xi32, #tpu.memory_space<hbm>> -> memref<16x128xi32, #tpu.memory_space<hbm>>
    tpu.enqueue_dma source(%dma_start3A_282 : memref<16x128xi32, #tpu.memory_space<hbm>>) target(%dma_start3A_279 : memref<16x128xi32, #tpu.memory_space<vmem>>) target_semaphore(%arg35 : memref<!tpu.dma_semaphore, #tpu.memory_space<semaphore_mem>>)
    %dma_start3A_283 = arith.constant 0 : i32
    %dma_start3A_284 = arith.constant 2 : i32
    %dma_start3A_285 = arith.constant 2 : i32
    %dma_start3A_286 = arith.constant 0 : i32
    %dma_start3A_287 = arith.constant 0 : i32
    %dma_start3A_288 = tpu.memref_slice %arg31[%dma_start3A_285, %dma_start3A_286, %dma_start3A_287] : memref<3x16x128xi32, #tpu.memory_space<vmem>> -> memref<1x16x128xi32, #tpu.memory_space<vmem>>
    %dma_start3A_289 = tpu.memref_squeeze %dma_start3A_288 : memref<1x16x128xi32, #tpu.memory_space<vmem>> -> memref<16x128xi32, #tpu.memory_space<vmem>>
    %dma_start3A_290 = arith.constant 0 : i32
    %dma_start3A_291 = tpu.memref_slice %arg2[%dma_start3A_283, %dma_start3A_284, %dma_start3A_290, %mul3A_34] : memref<32x3x32x1024xi32, #tpu.memory_space<hbm>> -> memref<1x1x16x128xi32, #tpu.memory_space<hbm>>
    %dma_start3A_292 = tpu.memref_squeeze %dma_start3A_291 : memref<1x1x16x128xi32, #tpu.memory_space<hbm>> -> memref<16x128xi32, #tpu.memory_space<hbm>>
    %dma_start3A_293 = arith.constant 0 : i32
    %dma_start3A_294 = arith.constant 0 : i32
    %dma_start3A_295 = tpu.memref_slice %arg31[%dma_start3A_285, %dma_start3A_293, %dma_start3A_294] : memref<3x16x128xi32, #tpu.memory_space<vmem>> -> memref<1x16x128xi32, #tpu.memory_space<vmem>>
    %dma_start3A_296 = tpu.memref_squeeze %dma_start3A_295 : memref<1x16x128xi32, #tpu.memory_space<vmem>> -> memref<16x128xi32, #tpu.memory_space<vmem>>
    %dma_start3A_297 = arith.constant 0 : i32
    %dma_start3A_298 = tpu.memref_slice %arg2[%dma_start3A_283, %dma_start3A_284, %dma_start3A_297, %mul3A_34] : memref<32x3x32x1024xi32, #tpu.memory_space<hbm>> -> memref<1x1x16x128xi32, #tpu.memory_space<hbm>>
    %dma_start3A_299 = tpu.memref_squeeze %dma_start3A_298 : memref<1x1x16x128xi32, #tpu.memory_space<hbm>> -> memref<16x128xi32, #tpu.memory_space<hbm>>
    tpu.enqueue_dma source(%dma_start3A_299 : memref<16x128xi32, #tpu.memory_space<hbm>>) target(%dma_start3A_296 : memref<16x128xi32, #tpu.memory_space<vmem>>) target_semaphore(%arg35 : memref<!tpu.dma_semaphore, #tpu.memory_space<semaphore_mem>>)
    %scan3A = arith.constant 0 : i32
    %scan3A_300 = arith.constant 0 : i32
    %scan3A_301 = arith.constant 32 : i32
    %scan3A_302 = arith.addi %scan3A_300, %scan3A_301 : i32
    %scan3A_303 = arith.constant 1 : i32
    %scan3A_304 = scf.for %scan3A_320 = %scan3A_300 to %scan3A_302 step %scan3A_303 iter_args(%scan3A_321 = %scan3A) -> (i32)  : i32 {
      %dma_wait3A_322 = arith.constant 0 : i32
      %dma_wait3A_323 = arith.constant 0 : i32
      %dma_wait3A_324 = arith.constant 0 : i32
      %dma_wait3A_325 = arith.constant 0 : i32
      %dma_wait3A_326 = tpu.memref_slice %arg31[%dma_wait3A_323, %dma_wait3A_324, %dma_wait3A_325] : memref<3x16x128xi32, #tpu.memory_space<vmem>> -> memref<1x16x128xi32, #tpu.memory_space<vmem>>
      %dma_wait3A_327 = tpu.memref_squeeze %dma_wait3A_326 : memref<1x16x128xi32, #tpu.memory_space<vmem>> -> memref<16x128xi32, #tpu.memory_space<vmem>>
      %dma_wait3A_328 = arith.constant 0 : i32
      %dma_wait3A_329 = tpu.memref_slice %arg2[%scan3A_320, %dma_wait3A_322, %dma_wait3A_328, %mul3A_34] : memref<32x3x32x1024xi32, #tpu.memory_space<hbm>> -> memref<1x1x16x128xi32, #tpu.memory_space<hbm>>
      %dma_wait3A_330 = tpu.memref_squeeze %dma_wait3A_329 : memref<1x1x16x128xi32, #tpu.memory_space<hbm>> -> memref<16x128xi32, #tpu.memory_space<hbm>>
      %dma_wait3A_331 = arith.constant 0 : i32
      %dma_wait3A_332 = arith.constant 0 : i32
      %dma_wait3A_333 = tpu.memref_slice %arg31[%dma_wait3A_323, %dma_wait3A_331, %dma_wait3A_332] : memref<3x16x128xi32, #tpu.memory_space<vmem>> -> memref<1x16x128xi32, #tpu.memory_space<vmem>>
      %dma_wait3A_334 = tpu.memref_squeeze %dma_wait3A_333 : memref<1x16x128xi32, #tpu.memory_space<vmem>> -> memref<16x128xi32, #tpu.memory_space<vmem>>
      %dma_wait3A_335 = arith.constant 0 : i32
      %dma_wait3A_336 = tpu.memref_slice %arg2[%scan3A_320, %dma_wait3A_322, %dma_wait3A_335, %mul3A_34] : memref<32x3x32x1024xi32, #tpu.memory_space<hbm>> -> memref<1x1x16x128xi32, #tpu.memory_space<hbm>>
      %dma_wait3A_337 = tpu.memref_squeeze %dma_wait3A_336 : memref<1x1x16x128xi32, #tpu.memory_space<hbm>> -> memref<16x128xi32, #tpu.memory_space<hbm>>
      tpu.wait_dma2 semaphore(%arg35 : memref<!tpu.dma_semaphore, #tpu.memory_space<semaphore_mem>>) src(%dma_wait3A_337 : memref<16x128xi32, #tpu.memory_space<hbm>>) dst(%dma_wait3A_334 : memref<16x128xi32, #tpu.memory_space<vmem>>)
      %dma_wait3A_338 = arith.constant 1 : i32
      %dma_wait3A_339 = arith.constant 1 : i32
      %dma_wait3A_340 = arith.constant 0 : i32
      %dma_wait3A_341 = arith.constant 0 : i32
      %dma_wait3A_342 = tpu.memref_slice %arg31[%dma_wait3A_339, %dma_wait3A_340, %dma_wait3A_341] : memref<3x16x128xi32, #tpu.memory_space<vmem>> -> memref<1x16x128xi32, #tpu.memory_space<vmem>>
      %dma_wait3A_343 = tpu.memref_squeeze %dma_wait3A_342 : memref<1x16x128xi32, #tpu.memory_space<vmem>> -> memref<16x128xi32, #tpu.memory_space<vmem>>
      %dma_wait3A_344 = arith.constant 0 : i32
      %dma_wait3A_345 = tpu.memref_slice %arg2[%scan3A_320, %dma_wait3A_338, %dma_wait3A_344, %mul3A_34] : memref<32x3x32x1024xi32, #tpu.memory_space<hbm>> -> memref<1x1x16x128xi32, #tpu.memory_space<hbm>>
      %dma_wait3A_346 = tpu.memref_squeeze %dma_wait3A_345 : memref<1x1x16x128xi32, #tpu.memory_space<hbm>> -> memref<16x128xi32, #tpu.memory_space<hbm>>
      %dma_wait3A_347 = arith.constant 0 : i32
      %dma_wait3A_348 = arith.constant 0 : i32
      %dma_wait3A_349 = tpu.memref_slice %arg31[%dma_wait3A_339, %dma_wait3A_347, %dma_wait3A_348] : memref<3x16x128xi32, #tpu.memory_space<vmem>> -> memref<1x16x128xi32, #tpu.memory_space<vmem>>
      %dma_wait3A_350 = tpu.memref_squeeze %dma_wait3A_349 : memref<1x16x128xi32, #tpu.memory_space<vmem>> -> memref<16x128xi32, #tpu.memory_space<vmem>>
      %dma_wait3A_351 = arith.constant 0 : i32
      %dma_wait3A_352 = tpu.memref_slice %arg2[%scan3A_320, %dma_wait3A_338, %dma_wait3A_351, %mul3A_34] : memref<32x3x32x1024xi32, #tpu.memory_space<hbm>> -> memref<1x1x16x128xi32, #tpu.memory_space<hbm>>
      %dma_wait3A_353 = tpu.memref_squeeze %dma_wait3A_352 : memref<1x1x16x128xi32, #tpu.memory_space<hbm>> -> memref<16x128xi32, #tpu.memory_space<hbm>>
      tpu.wait_dma2 semaphore(%arg35 : memref<!tpu.dma_semaphore, #tpu.memory_space<semaphore_mem>>) src(%dma_wait3A_353 : memref<16x128xi32, #tpu.memory_space<hbm>>) dst(%dma_wait3A_350 : memref<16x128xi32, #tpu.memory_space<vmem>>)
      %dma_wait3A_354 = arith.constant 2 : i32
      %dma_wait3A_355 = arith.constant 2 : i32
      %dma_wait3A_356 = arith.constant 0 : i32
      %dma_wait3A_357 = arith.constant 0 : i32
      %dma_wait3A_358 = tpu.memref_slice %arg31[%dma_wait3A_355, %dma_wait3A_356, %dma_wait3A_357] : memref<3x16x128xi32, #tpu.memory_space<vmem>> -> memref<1x16x128xi32, #tpu.memory_space<vmem>>
      %dma_wait3A_359 = tpu.memref_squeeze %dma_wait3A_358 : memref<1x16x128xi32, #tpu.memory_space<vmem>> -> memref<16x128xi32, #tpu.memory_space<vmem>>
      %dma_wait3A_360 = arith.constant 0 : i32
      %dma_wait3A_361 = tpu.memref_slice %arg2[%scan3A_320, %dma_wait3A_354, %dma_wait3A_360, %mul3A_34] : memref<32x3x32x1024xi32, #tpu.memory_space<hbm>> -> memref<1x1x16x128xi32, #tpu.memory_space<hbm>>
      %dma_wait3A_362 = tpu.memref_squeeze %dma_wait3A_361 : memref<1x1x16x128xi32, #tpu.memory_space<hbm>> -> memref<16x128xi32, #tpu.memory_space<hbm>>
      %dma_wait3A_363 = arith.constant 0 : i32
      %dma_wait3A_364 = arith.constant 0 : i32
      %dma_wait3A_365 = tpu.memref_slice %arg31[%dma_wait3A_355, %dma_wait3A_363, %dma_wait3A_364] : memref<3x16x128xi32, #tpu.memory_space<vmem>> -> memref<1x16x128xi32, #tpu.memory_space<vmem>>
      %dma_wait3A_366 = tpu.memref_squeeze %dma_wait3A_365 : memref<1x16x128xi32, #tpu.memory_space<vmem>> -> memref<16x128xi32, #tpu.memory_space<vmem>>
      %dma_wait3A_367 = arith.constant 0 : i32
      %dma_wait3A_368 = tpu.memref_slice %arg2[%scan3A_320, %dma_wait3A_354, %dma_wait3A_367, %mul3A_34] : memref<32x3x32x1024xi32, #tpu.memory_space<hbm>> -> memref<1x1x16x128xi32, #tpu.memory_space<hbm>>
      %dma_wait3A_369 = tpu.memref_squeeze %dma_wait3A_368 : memref<1x1x16x128xi32, #tpu.memory_space<hbm>> -> memref<16x128xi32, #tpu.memory_space<hbm>>
      tpu.wait_dma2 semaphore(%arg35 : memref<!tpu.dma_semaphore, #tpu.memory_space<semaphore_mem>>) src(%dma_wait3A_369 : memref<16x128xi32, #tpu.memory_space<hbm>>) dst(%dma_wait3A_366 : memref<16x128xi32, #tpu.memory_space<vmem>>)
      %dma_start3A_370 = arith.constant 0 : i32
      %dma_start3A_371 = arith.constant 0 : i32
      %dma_start3A_372 = arith.constant 0 : i32
      %dma_start3A_373 = arith.constant 0 : i32
      %dma_start3A_374 = tpu.memref_slice %arg32[%dma_start3A_371, %dma_start3A_372, %dma_start3A_373] : memref<3x16x128xi32, #tpu.memory_space<vmem>> -> memref<1x16x128xi32, #tpu.memory_space<vmem>>
      %dma_start3A_375 = tpu.memref_squeeze %dma_start3A_374 : memref<1x16x128xi32, #tpu.memory_space<vmem>> -> memref<16x128xi32, #tpu.memory_space<vmem>>
      %dma_start3A_376 = arith.constant 16 : i32
      %dma_start3A_377 = tpu.memref_slice %arg2[%scan3A_320, %dma_start3A_370, %dma_start3A_376, %mul3A_34] : memref<32x3x32x1024xi32, #tpu.memory_space<hbm>> -> memref<1x1x16x128xi32, #tpu.memory_space<hbm>>
      %dma_start3A_378 = tpu.memref_squeeze %dma_start3A_377 : memref<1x1x16x128xi32, #tpu.memory_space<hbm>> -> memref<16x128xi32, #tpu.memory_space<hbm>>
      %dma_start3A_379 = arith.constant 0 : i32
      %dma_start3A_380 = arith.constant 0 : i32
      %dma_start3A_381 = tpu.memref_slice %arg32[%dma_start3A_371, %dma_start3A_379, %dma_start3A_380] : memref<3x16x128xi32, #tpu.memory_space<vmem>> -> memref<1x16x128xi32, #tpu.memory_space<vmem>>
      %dma_start3A_382 = tpu.memref_squeeze %dma_start3A_381 : memref<1x16x128xi32, #tpu.memory_space<vmem>> -> memref<16x128xi32, #tpu.memory_space<vmem>>
      %dma_start3A_383 = arith.constant 16 : i32
      %dma_start3A_384 = tpu.memref_slice %arg2[%scan3A_320, %dma_start3A_370, %dma_start3A_383, %mul3A_34] : memref<32x3x32x1024xi32, #tpu.memory_space<hbm>> -> memref<1x1x16x128xi32, #tpu.memory_space<hbm>>
      %dma_start3A_385 = tpu.memref_squeeze %dma_start3A_384 : memref<1x1x16x128xi32, #tpu.memory_space<hbm>> -> memref<16x128xi32, #tpu.memory_space<hbm>>
      tpu.enqueue_dma source(%dma_start3A_385 : memref<16x128xi32, #tpu.memory_space<hbm>>) target(%dma_start3A_382 : memref<16x128xi32, #tpu.memory_space<vmem>>) target_semaphore(%arg35 : memref<!tpu.dma_semaphore, #tpu.memory_space<semaphore_mem>>)
      %dma_start3A_386 = arith.constant 1 : i32
      %dma_start3A_387 = arith.constant 1 : i32
      %dma_start3A_388 = arith.constant 0 : i32
      %dma_start3A_389 = arith.constant 0 : i32
      %dma_start3A_390 = tpu.memref_slice %arg32[%dma_start3A_387, %dma_start3A_388, %dma_start3A_389] : memref<3x16x128xi32, #tpu.memory_space<vmem>> -> memref<1x16x128xi32, #tpu.memory_space<vmem>>
      %dma_start3A_391 = tpu.memref_squeeze %dma_start3A_390 : memref<1x16x128xi32, #tpu.memory_space<vmem>> -> memref<16x128xi32, #tpu.memory_space<vmem>>
      %dma_start3A_392 = arith.constant 16 : i32
      %dma_start3A_393 = tpu.memref_slice %arg2[%scan3A_320, %dma_start3A_386, %dma_start3A_392, %mul3A_34] : memref<32x3x32x1024xi32, #tpu.memory_space<hbm>> -> memref<1x1x16x128xi32, #tpu.memory_space<hbm>>
      %dma_start3A_394 = tpu.memref_squeeze %dma_start3A_393 : memref<1x1x16x128xi32, #tpu.memory_space<hbm>> -> memref<16x128xi32, #tpu.memory_space<hbm>>
      %dma_start3A_395 = arith.constant 0 : i32
      %dma_start3A_396 = arith.constant 0 : i32
      %dma_start3A_397 = tpu.memref_slice %arg32[%dma_start3A_387, %dma_start3A_395, %dma_start3A_396] : memref<3x16x128xi32, #tpu.memory_space<vmem>> -> memref<1x16x128xi32, #tpu.memory_space<vmem>>
      %dma_start3A_398 = tpu.memref_squeeze %dma_start3A_397 : memref<1x16x128xi32, #tpu.memory_space<vmem>> -> memref<16x128xi32, #tpu.memory_space<vmem>>
      %dma_start3A_399 = arith.constant 16 : i32
      %dma_start3A_400 = tpu.memref_slice %arg2[%scan3A_320, %dma_start3A_386, %dma_start3A_399, %mul3A_34] : memref<32x3x32x1024xi32, #tpu.memory_space<hbm>> -> memref<1x1x16x128xi32, #tpu.memory_space<hbm>>
      %dma_start3A_401 = tpu.memref_squeeze %dma_start3A_400 : memref<1x1x16x128xi32, #tpu.memory_space<hbm>> -> memref<16x128xi32, #tpu.memory_space<hbm>>
      tpu.enqueue_dma source(%dma_start3A_401 : memref<16x128xi32, #tpu.memory_space<hbm>>) target(%dma_start3A_398 : memref<16x128xi32, #tpu.memory_space<vmem>>) target_semaphore(%arg35 : memref<!tpu.dma_semaphore, #tpu.memory_space<semaphore_mem>>)
      %dma_start3A_402 = arith.constant 2 : i32
      %dma_start3A_403 = arith.constant 2 : i32
      %dma_start3A_404 = arith.constant 0 : i32
      %dma_start3A_405 = arith.constant 0 : i32
      %dma_start3A_406 = tpu.memref_slice %arg32[%dma_start3A_403, %dma_start3A_404, %dma_start3A_405] : memref<3x16x128xi32, #tpu.memory_space<vmem>> -> memref<1x16x128xi32, #tpu.memory_space<vmem>>
      %dma_start3A_407 = tpu.memref_squeeze %dma_start3A_406 : memref<1x16x128xi32, #tpu.memory_space<vmem>> -> memref<16x128xi32, #tpu.memory_space<vmem>>
      %dma_start3A_408 = arith.constant 16 : i32
      %dma_start3A_409 = tpu.memref_slice %arg2[%scan3A_320, %dma_start3A_402, %dma_start3A_408, %mul3A_34] : memref<32x3x32x1024xi32, #tpu.memory_space<hbm>> -> memref<1x1x16x128xi32, #tpu.memory_space<hbm>>
      %dma_start3A_410 = tpu.memref_squeeze %dma_start3A_409 : memref<1x1x16x128xi32, #tpu.memory_space<hbm>> -> memref<16x128xi32, #tpu.memory_space<hbm>>
      %dma_start3A_411 = arith.constant 0 : i32
      %dma_start3A_412 = arith.constant 0 : i32
      %dma_start3A_413 = tpu.memref_slice %arg32[%dma_start3A_403, %dma_start3A_411, %dma_start3A_412] : memref<3x16x128xi32, #tpu.memory_space<vmem>> -> memref<1x16x128xi32, #tpu.memory_space<vmem>>
      %dma_start3A_414 = tpu.memref_squeeze %dma_start3A_413 : memref<1x16x128xi32, #tpu.memory_space<vmem>> -> memref<16x128xi32, #tpu.memory_space<vmem>>
      %dma_start3A_415 = arith.constant 16 : i32
      %dma_start3A_416 = tpu.memref_slice %arg2[%scan3A_320, %dma_start3A_402, %dma_start3A_415, %mul3A_34] : memref<32x3x32x1024xi32, #tpu.memory_space<hbm>> -> memref<1x1x16x128xi32, #tpu.memory_space<hbm>>
      %dma_start3A_417 = tpu.memref_squeeze %dma_start3A_416 : memref<1x1x16x128xi32, #tpu.memory_space<hbm>> -> memref<16x128xi32, #tpu.memory_space<hbm>>
      tpu.enqueue_dma source(%dma_start3A_417 : memref<16x128xi32, #tpu.memory_space<hbm>>) target(%dma_start3A_414 : memref<16x128xi32, #tpu.memory_space<vmem>>) target_semaphore(%arg35 : memref<!tpu.dma_semaphore, #tpu.memory_space<semaphore_mem>>)
      %gt3A = arith.constant 0 : i32
      %gt3A_418 = arith.cmpi sgt, %scan3A_320, %gt3A : i32
      %convert_element_type3A = arith.extui %gt3A_418 : i1 to i32
      %cond3A = arith.constant 0 : i32
      %cond3A_419 = arith.cmpi ne, %convert_element_type3A, %cond3A : i32
      scf.if %cond3A_419 {
        %dma_wait3A_496 = arith.constant 0 : i32
        %dma_wait3A_497 = arith.constant 0 : i32
        %dma_wait3A_498 = tpu.memref_slice %arg6[%mul3A_11, %dma_wait3A_496, %dma_wait3A_497, %mul3A_34] : memref<64x32x32x1024xf32, #tpu.memory_space<hbm>> -> memref<16x1x16x128xf32, #tpu.memory_space<hbm>>
        %dma_wait3A_499 = tpu.memref_squeeze %dma_wait3A_498 : memref<16x1x16x128xf32, #tpu.memory_space<hbm>> -> memref<16x16x128xf32, #tpu.memory_space<hbm>>
        %dma_wait3A_500 = arith.constant 0 : i32
        %dma_wait3A_501 = tpu.memref_slice %arg6[%mul3A_11, %dma_wait3A_496, %dma_wait3A_500, %mul3A_34] : memref<64x32x32x1024xf32, #tpu.memory_space<hbm>> -> memref<16x1x16x128xf32, #tpu.memory_space<hbm>>
        %dma_wait3A_502 = tpu.memref_squeeze %dma_wait3A_501 : memref<16x1x16x128xf32, #tpu.memory_space<hbm>> -> memref<16x16x128xf32, #tpu.memory_space<hbm>>
        tpu.wait_dma2 semaphore(%arg36 : memref<!tpu.dma_semaphore, #tpu.memory_space<semaphore_mem>>) src(%arg33 : memref<16x16x128xf32, #tpu.memory_space<vmem>>) dst(%dma_wait3A_502 : memref<16x16x128xf32, #tpu.memory_space<hbm>>)
      } else {
      }
      %parallel_loop3A = arith.constant 0 : i32
      %parallel_loop3A_420 = arith.constant 128 : i32
      %parallel_loop3A_421 = arith.constant 1 : i32
      scf.for %parallel_loop3A_496 = %parallel_loop3A to %parallel_loop3A_420 step %parallel_loop3A_421  : i32 {
        %parallel_loop3A_497 = arith.constant 16 : i32
        %parallel_loop3A_498 = arith.divsi %parallel_loop3A_496, %parallel_loop3A_497 : i32
        %parallel_loop3A_499 = arith.constant 0 : i32
        %parallel_loop3A_500 = arith.cmpi sgt, %parallel_loop3A_496, %parallel_loop3A_499 : i32
        %parallel_loop3A_501 = arith.extui %parallel_loop3A_500 : i1 to i32
        %parallel_loop3A_502 = arith.constant 0 : i32
        %parallel_loop3A_503 = arith.cmpi slt, %parallel_loop3A_496, %parallel_loop3A_502 : i32
        %parallel_loop3A_504 = arith.extui %parallel_loop3A_503 : i1 to i32
        %parallel_loop3A_505 = arith.subi %parallel_loop3A_501, %parallel_loop3A_504 : i32
        %parallel_loop3A_506 = arith.constant 0 : i32
        %parallel_loop3A_507 = arith.cmpi sgt, %parallel_loop3A_497, %parallel_loop3A_506 : i32
        %parallel_loop3A_508 = arith.extui %parallel_loop3A_507 : i1 to i32
        %parallel_loop3A_509 = arith.constant 0 : i32
        %parallel_loop3A_510 = arith.cmpi slt, %parallel_loop3A_497, %parallel_loop3A_509 : i32
        %parallel_loop3A_511 = arith.extui %parallel_loop3A_510 : i1 to i32
        %parallel_loop3A_512 = arith.subi %parallel_loop3A_508, %parallel_loop3A_511 : i32
        %parallel_loop3A_513 = arith.cmpi ne, %parallel_loop3A_505, %parallel_loop3A_512 : i32
        %parallel_loop3A_514 = arith.remsi %parallel_loop3A_496, %parallel_loop3A_497 : i32
        %parallel_loop3A_515 = arith.constant 0 : i32
        %parallel_loop3A_516 = arith.cmpi ne, %parallel_loop3A_514, %parallel_loop3A_515 : i32
        %parallel_loop3A_517 = arith.andi %parallel_loop3A_513, %parallel_loop3A_516 : i1
        %parallel_loop3A_518 = arith.constant 1 : i32
        %parallel_loop3A_519 = arith.subi %parallel_loop3A_498, %parallel_loop3A_518 : i32
        %parallel_loop3A_520 = arith.select %parallel_loop3A_517, %parallel_loop3A_519, %parallel_loop3A_498 : i32
        %parallel_loop3A_521 = arith.constant 16 : i32
        %parallel_loop3A_522 = arith.constant 0 : i32
        %parallel_loop3A_523 = arith.cmpi eq, %parallel_loop3A_521, %parallel_loop3A_522 : i32
        %parallel_loop3A_524 = arith.constant 1 : i32
        %parallel_loop3A_525 = arith.select %parallel_loop3A_523, %parallel_loop3A_524, %parallel_loop3A_521 : i32
        %parallel_loop3A_526 = arith.remsi %parallel_loop3A_496, %parallel_loop3A_525 : i32
        %parallel_loop3A_527 = arith.constant 0 : i32
        %parallel_loop3A_528 = arith.cmpi ne, %parallel_loop3A_526, %parallel_loop3A_527 : i32
        %parallel_loop3A_529 = arith.constant 0 : i32
        %parallel_loop3A_530 = arith.cmpi slt, %parallel_loop3A_526, %parallel_loop3A_529 : i32
        %parallel_loop3A_531 = arith.constant 0 : i32
        %parallel_loop3A_532 = arith.cmpi slt, %parallel_loop3A_525, %parallel_loop3A_531 : i32
        %parallel_loop3A_533 = arith.xori %parallel_loop3A_530, %parallel_loop3A_532 : i1
        %parallel_loop3A_534 = arith.andi %parallel_loop3A_533, %parallel_loop3A_528 : i1
        %parallel_loop3A_535 = arith.addi %parallel_loop3A_526, %parallel_loop3A_525 : i32
        %parallel_loop3A_536 = arith.select %parallel_loop3A_534, %parallel_loop3A_535, %parallel_loop3A_526 : i32
        %parallel_loop3A_537 = arith.constant 16 : i32
        %parallel_loop3A_538 = arith.muli %parallel_loop3A_520, %parallel_loop3A_537 : i32
        %parallel_loop3A_539 = arith.constant 0 : i32
        %parallel_loop3A_540 = arith.index_cast %parallel_loop3A_539 : i32 to index
        %parallel_loop3A_541 = arith.index_cast %parallel_loop3A_536 : i32 to index
        %parallel_loop3A_542 = arith.index_cast %parallel_loop3A_538 : i32 to index
        %parallel_loop3A_543 = tpu.vector_load %arg31[%parallel_loop3A_540, %parallel_loop3A_541, %parallel_loop3A_542] {strides = array<i32>} : memref<3x16x128xi32, #tpu.memory_space<vmem>>, vector<16xi32>,
        %parallel_loop3A_544 = arith.constant 1 : i32
        %parallel_loop3A_545 = arith.index_cast %parallel_loop3A_544 : i32 to index
        %parallel_loop3A_546 = arith.index_cast %parallel_loop3A_536 : i32 to index
        %parallel_loop3A_547 = arith.index_cast %parallel_loop3A_538 : i32 to index
        %parallel_loop3A_548 = tpu.vector_load %arg31[%parallel_loop3A_545, %parallel_loop3A_546, %parallel_loop3A_547] {strides = array<i32>} : memref<3x16x128xi32, #tpu.memory_space<vmem>>, vector<16xi32>,
        %parallel_loop3A_549 = arith.constant 2 : i32
        %parallel_loop3A_550 = arith.index_cast %parallel_loop3A_549 : i32 to index
        %parallel_loop3A_551 = arith.index_cast %parallel_loop3A_536 : i32 to index
        %parallel_loop3A_552 = arith.index_cast %parallel_loop3A_538 : i32 to index
        %parallel_loop3A_553 = tpu.vector_load %arg31[%parallel_loop3A_550, %parallel_loop3A_551, %parallel_loop3A_552] {strides = array<i32>} : memref<3x16x128xi32, #tpu.memory_space<vmem>>, vector<16xi32>,
        %parallel_loop3A_554 = tpu.vector_load_idx %arg7[%parallel_loop3A_543] : memref<1024xi32, #tpu.memory_space<vmem>>[vector<16xi32>], vector<16xi32>,
        %parallel_loop3A_555 = tpu.vector_load_idx %arg15[%parallel_loop3A_548] : memref<1024xi32, #tpu.memory_space<vmem>>[vector<16xi32>], vector<16xi32>,
        %parallel_loop3A_556 = tpu.vector_load_idx %arg23[%parallel_loop3A_553] : memref<1024xi32, #tpu.memory_space<vmem>>[vector<16xi32>], vector<16xi32>,
        %parallel_loop3A_557 = arith.constant 16 : i32
        %parallel_loop3A_558 = vector.broadcast %parallel_loop3A_557 : i32 to vector<16xi32>
        %parallel_loop3A_559 = arith.shli %parallel_loop3A_554, %parallel_loop3A_558 : vector<16xi32>
        %parallel_loop3A_560 = vector.bitcast %parallel_loop3A_559 : vector<16xi32> to vector<16xf32>
        %parallel_loop3A_561 = arith.constant 16 : i32
        %parallel_loop3A_562 = vector.broadcast %parallel_loop3A_561 : i32 to vector<16xi32>
        %parallel_loop3A_563 = arith.shli %parallel_loop3A_555, %parallel_loop3A_562 : vector<16xi32>
        %parallel_loop3A_564 = vector.bitcast %parallel_loop3A_563 : vector<16xi32> to vector<16xf32>
        %parallel_loop3A_565 = arith.addf %parallel_loop3A_560, %parallel_loop3A_564 : vector<16xf32>
        %parallel_loop3A_566 = arith.constant 16 : i32
        %parallel_loop3A_567 = vector.broadcast %parallel_loop3A_566 : i32 to vector<16xi32>
        %parallel_loop3A_568 = arith.shli %parallel_loop3A_556, %parallel_loop3A_567 : vector<16xi32>
        %parallel_loop3A_569 = vector.bitcast %parallel_loop3A_568 : vector<16xi32> to vector<16xf32>
        %parallel_loop3A_570 = arith.addf %parallel_loop3A_565, %parallel_loop3A_569 : vector<16xf32>
        %parallel_loop3A_571 = vector.bitcast %parallel_loop3A_554 : vector<16xi32> to vector<16xf32>
        %parallel_loop3A_572 = vector.bitcast %parallel_loop3A_555 : vector<16xi32> to vector<16xf32>
        %parallel_loop3A_573 = arith.addf %parallel_loop3A_571, %parallel_loop3A_572 : vector<16xf32>
        %parallel_loop3A_574 = vector.bitcast %parallel_loop3A_556 : vector<16xi32> to vector<16xf32>
        %parallel_loop3A_575 = arith.addf %parallel_loop3A_573, %parallel_loop3A_574 : vector<16xf32>
        %parallel_loop3A_576 = arith.constant 0 : i32
        %parallel_loop3A_577 = arith.index_cast %parallel_loop3A_576 : i32 to index
        %parallel_loop3A_578 = arith.index_cast %parallel_loop3A_536 : i32 to index
        %parallel_loop3A_579 = arith.index_cast %parallel_loop3A_538 : i32 to index
        %parallel_loop3A_580 = tpu.vector_load %arg33[%parallel_loop3A_577, %parallel_loop3A_578, %parallel_loop3A_579] {strides = array<i32>} : memref<16x16x128xf32, #tpu.memory_space<vmem>>, vector<16xf32>,
        tpu.vector_store %arg33[%parallel_loop3A_577, %parallel_loop3A_578, %parallel_loop3A_579], %parallel_loop3A_570 {strides = array<i32>} : memref<16x16x128xf32, #tpu.memory_space<vmem>>, vector<16xf32>,
        %parallel_loop3A_581 = arith.constant 1 : i32
        %parallel_loop3A_582 = arith.index_cast %parallel_loop3A_581 : i32 to index
        %parallel_loop3A_583 = arith.index_cast %parallel_loop3A_536 : i32 to index
        %parallel_loop3A_584 = arith.index_cast %parallel_loop3A_538 : i32 to index
        %parallel_loop3A_585 = tpu.vector_load %arg33[%parallel_loop3A_582, %parallel_loop3A_583, %parallel_loop3A_584] {strides = array<i32>} : memref<16x16x128xf32, #tpu.memory_space<vmem>>, vector<16xf32>,
        tpu.vector_store %arg33[%parallel_loop3A_582, %parallel_loop3A_583, %parallel_loop3A_584], %parallel_loop3A_575 {strides = array<i32>} : memref<16x16x128xf32, #tpu.memory_space<vmem>>, vector<16xf32>,
        %parallel_loop3A_586 = tpu.vector_load_idx %arg8[%parallel_loop3A_543] : memref<1024xi32, #tpu.memory_space<vmem>>[vector<16xi32>], vector<16xi32>,
        %parallel_loop3A_587 = tpu.vector_load_idx %arg16[%parallel_loop3A_548] : memref<1024xi32, #tpu.memory_space<vmem>>[vector<16xi32>], vector<16xi32>,
        %parallel_loop3A_588 = tpu.vector_load_idx %arg24[%parallel_loop3A_553] : memref<1024xi32, #tpu.memory_space<vmem>>[vector<16xi32>], vector<16xi32>,
        %parallel_loop3A_589 = arith.constant 16 : i32
        %parallel_loop3A_590 = vector.broadcast %parallel_loop3A_589 : i32 to vector<16xi32>
        %parallel_loop3A_591 = arith.shli %parallel_loop3A_586, %parallel_loop3A_590 : vector<16xi32>
        %parallel_loop3A_592 = vector.bitcast %parallel_loop3A_591 : vector<16xi32> to vector<16xf32>
        %parallel_loop3A_593 = arith.constant 16 : i32
        %parallel_loop3A_594 = vector.broadcast %parallel_loop3A_593 : i32 to vector<16xi32>
        %parallel_loop3A_595 = arith.shli %parallel_loop3A_587, %parallel_loop3A_594 : vector<16xi32>
        %parallel_loop3A_596 = vector.bitcast %parallel_loop3A_595 : vector<16xi32> to vector<16xf32>
        %parallel_loop3A_597 = arith.addf %parallel_loop3A_592, %parallel_loop3A_596 : vector<16xf32>
        %parallel_loop3A_598 = arith.constant 16 : i32
        %parallel_loop3A_599 = vector.broadcast %parallel_loop3A_598 : i32 to vector<16xi32>
        %parallel_loop3A_600 = arith.shli %parallel_loop3A_588, %parallel_loop3A_599 : vector<16xi32>
        %parallel_loop3A_601 = vector.bitcast %parallel_loop3A_600 : vector<16xi32> to vector<16xf32>
        %parallel_loop3A_602 = arith.addf %parallel_loop3A_597, %parallel_loop3A_601 : vector<16xf32>
        %parallel_loop3A_603 = vector.bitcast %parallel_loop3A_586 : vector<16xi32> to vector<16xf32>
        %parallel_loop3A_604 = vector.bitcast %parallel_loop3A_587 : vector<16xi32> to vector<16xf32>
        %parallel_loop3A_605 = arith.addf %parallel_loop3A_603, %parallel_loop3A_604 : vector<16xf32>
        %parallel_loop3A_606 = vector.bitcast %parallel_loop3A_588 : vector<16xi32> to vector<16xf32>
        %parallel_loop3A_607 = arith.addf %parallel_loop3A_605, %parallel_loop3A_606 : vector<16xf32>
        %parallel_loop3A_608 = arith.constant 2 : i32
        %parallel_loop3A_609 = arith.index_cast %parallel_loop3A_608 : i32 to index
        %parallel_loop3A_610 = arith.index_cast %parallel_loop3A_536 : i32 to index
        %parallel_loop3A_611 = arith.index_cast %parallel_loop3A_538 : i32 to index
        %parallel_loop3A_612 = tpu.vector_load %arg33[%parallel_loop3A_609, %parallel_loop3A_610, %parallel_loop3A_611] {strides = array<i32>} : memref<16x16x128xf32, #tpu.memory_space<vmem>>, vector<16xf32>,
        tpu.vector_store %arg33[%parallel_loop3A_609, %parallel_loop3A_610, %parallel_loop3A_611], %parallel_loop3A_602 {strides = array<i32>} : memref<16x16x128xf32, #tpu.memory_space<vmem>>, vector<16xf32>,
        %parallel_loop3A_613 = arith.constant 3 : i32
        %parallel_loop3A_614 = arith.index_cast %parallel_loop3A_613 : i32 to index
        %parallel_loop3A_615 = arith.index_cast %parallel_loop3A_536 : i32 to index
        %parallel_loop3A_616 = arith.index_cast %parallel_loop3A_538 : i32 to index
        %parallel_loop3A_617 = tpu.vector_load %arg33[%parallel_loop3A_614, %parallel_loop3A_615, %parallel_loop3A_616] {strides = array<i32>} : memref<16x16x128xf32, #tpu.memory_space<vmem>>, vector<16xf32>,
        tpu.vector_store %arg33[%parallel_loop3A_614, %parallel_loop3A_615, %parallel_loop3A_616], %parallel_loop3A_607 {strides = array<i32>} : memref<16x16x128xf32, #tpu.memory_space<vmem>>, vector<16xf32>,
        %parallel_loop3A_618 = tpu.vector_load_idx %arg9[%parallel_loop3A_543] : memref<1024xi32, #tpu.memory_space<vmem>>[vector<16xi32>], vector<16xi32>,
        %parallel_loop3A_619 = tpu.vector_load_idx %arg17[%parallel_loop3A_548] : memref<1024xi32, #tpu.memory_space<vmem>>[vector<16xi32>], vector<16xi32>,
        %parallel_loop3A_620 = tpu.vector_load_idx %arg25[%parallel_loop3A_553] : memref<1024xi32, #tpu.memory_space<vmem>>[vector<16xi32>], vector<16xi32>,
        %parallel_loop3A_621 = arith.constant 16 : i32
        %parallel_loop3A_622 = vector.broadcast %parallel_loop3A_621 : i32 to vector<16xi32>
        %parallel_loop3A_623 = arith.shli %parallel_loop3A_618, %parallel_loop3A_622 : vector<16xi32>
        %parallel_loop3A_624 = vector.bitcast %parallel_loop3A_623 : vector<16xi32> to vector<16xf32>
        %parallel_loop3A_625 = arith.constant 16 : i32
        %parallel_loop3A_626 = vector.broadcast %parallel_loop3A_625 : i32 to vector<16xi32>
        %parallel_loop3A_627 = arith.shli %parallel_loop3A_619, %parallel_loop3A_626 : vector<16xi32>
        %parallel_loop3A_628 = vector.bitcast %parallel_loop3A_627 : vector<16xi32> to vector<16xf32>
        %parallel_loop3A_629 = arith.addf %parallel_loop3A_624, %parallel_loop3A_628 : vector<16xf32>
        %parallel_loop3A_630 = arith.constant 16 : i32
        %parallel_loop3A_631 = vector.broadcast %parallel_loop3A_630 : i32 to vector<16xi32>
        %parallel_loop3A_632 = arith.shli %parallel_loop3A_620, %parallel_loop3A_631 : vector<16xi32>
        %parallel_loop3A_633 = vector.bitcast %parallel_loop3A_632 : vector<16xi32> to vector<16xf32>
        %parallel_loop3A_634 = arith.addf %parallel_loop3A_629, %parallel_loop3A_633 : vector<16xf32>
        %parallel_loop3A_635 = vector.bitcast %parallel_loop3A_618 : vector<16xi32> to vector<16xf32>
        %parallel_loop3A_636 = vector.bitcast %parallel_loop3A_619 : vector<16xi32> to vector<16xf32>
        %parallel_loop3A_637 = arith.addf %parallel_loop3A_635, %parallel_loop3A_636 : vector<16xf32>
        %parallel_loop3A_638 = vector.bitcast %parallel_loop3A_620 : vector<16xi32> to vector<16xf32>
        %parallel_loop3A_639 = arith.addf %parallel_loop3A_637, %parallel_loop3A_638 : vector<16xf32>
        %parallel_loop3A_640 = arith.constant 4 : i32
        %parallel_loop3A_641 = arith.index_cast %parallel_loop3A_640 : i32 to index
        %parallel_loop3A_642 = arith.index_cast %parallel_loop3A_536 : i32 to index
        %parallel_loop3A_643 = arith.index_cast %parallel_loop3A_538 : i32 to index
        %parallel_loop3A_644 = tpu.vector_load %arg33[%parallel_loop3A_641, %parallel_loop3A_642, %parallel_loop3A_643] {strides = array<i32>} : memref<16x16x128xf32, #tpu.memory_space<vmem>>, vector<16xf32>,
        tpu.vector_store %arg33[%parallel_loop3A_641, %parallel_loop3A_642, %parallel_loop3A_643], %parallel_loop3A_634 {strides = array<i32>} : memref<16x16x128xf32, #tpu.memory_space<vmem>>, vector<16xf32>,
        %parallel_loop3A_645 = arith.constant 5 : i32
        %parallel_loop3A_646 = arith.index_cast %parallel_loop3A_645 : i32 to index
        %parallel_loop3A_647 = arith.index_cast %parallel_loop3A_536 : i32 to index
        %parallel_loop3A_648 = arith.index_cast %parallel_loop3A_538 : i32 to index
        %parallel_loop3A_649 = tpu.vector_load %arg33[%parallel_loop3A_646, %parallel_loop3A_647, %parallel_loop3A_648] {strides = array<i32>} : memref<16x16x128xf32, #tpu.memory_space<vmem>>, vector<16xf32>,
        tpu.vector_store %arg33[%parallel_loop3A_646, %parallel_loop3A_647, %parallel_loop3A_648], %parallel_loop3A_639 {strides = array<i32>} : memref<16x16x128xf32, #tpu.memory_space<vmem>>, vector<16xf32>,
        %parallel_loop3A_650 = tpu.vector_load_idx %arg10[%parallel_loop3A_543] : memref<1024xi32, #tpu.memory_space<vmem>>[vector<16xi32>], vector<16xi32>,
        %parallel_loop3A_651 = tpu.vector_load_idx %arg18[%parallel_loop3A_548] : memref<1024xi32, #tpu.memory_space<vmem>>[vector<16xi32>], vector<16xi32>,
        %parallel_loop3A_652 = tpu.vector_load_idx %arg26[%parallel_loop3A_553] : memref<1024xi32, #tpu.memory_space<vmem>>[vector<16xi32>], vector<16xi32>,
        %parallel_loop3A_653 = arith.constant 16 : i32
        %parallel_loop3A_654 = vector.broadcast %parallel_loop3A_653 : i32 to vector<16xi32>
        %parallel_loop3A_655 = arith.shli %parallel_loop3A_650, %parallel_loop3A_654 : vector<16xi32>
        %parallel_loop3A_656 = vector.bitcast %parallel_loop3A_655 : vector<16xi32> to vector<16xf32>
        %parallel_loop3A_657 = arith.constant 16 : i32
        %parallel_loop3A_658 = vector.broadcast %parallel_loop3A_657 : i32 to vector<16xi32>
        %parallel_loop3A_659 = arith.shli %parallel_loop3A_651, %parallel_loop3A_658 : vector<16xi32>
        %parallel_loop3A_660 = vector.bitcast %parallel_loop3A_659 : vector<16xi32> to vector<16xf32>
        %parallel_loop3A_661 = arith.addf %parallel_loop3A_656, %parallel_loop3A_660 : vector<16xf32>
        %parallel_loop3A_662 = arith.constant 16 : i32
        %parallel_loop3A_663 = vector.broadcast %parallel_loop3A_662 : i32 to vector<16xi32>
        %parallel_loop3A_664 = arith.shli %parallel_loop3A_652, %parallel_loop3A_663 : vector<16xi32>
        %parallel_loop3A_665 = vector.bitcast %parallel_loop3A_664 : vector<16xi32> to vector<16xf32>
        %parallel_loop3A_666 = arith.addf %parallel_loop3A_661, %parallel_loop3A_665 : vector<16xf32>
        %parallel_loop3A_667 = vector.bitcast %parallel_loop3A_650 : vector<16xi32> to vector<16xf32>
        %parallel_loop3A_668 = vector.bitcast %parallel_loop3A_651 : vector<16xi32> to vector<16xf32>
        %parallel_loop3A_669 = arith.addf %parallel_loop3A_667, %parallel_loop3A_668 : vector<16xf32>
        %parallel_loop3A_670 = vector.bitcast %parallel_loop3A_652 : vector<16xi32> to vector<16xf32>
        %parallel_loop3A_671 = arith.addf %parallel_loop3A_669, %parallel_loop3A_670 : vector<16xf32>
        %parallel_loop3A_672 = arith.constant 6 : i32
        %parallel_loop3A_673 = arith.index_cast %parallel_loop3A_672 : i32 to index
        %parallel_loop3A_674 = arith.index_cast %parallel_loop3A_536 : i32 to index
        %parallel_loop3A_675 = arith.index_cast %parallel_loop3A_538 : i32 to index
        %parallel_loop3A_676 = tpu.vector_load %arg33[%parallel_loop3A_673, %parallel_loop3A_674, %parallel_loop3A_675] {strides = array<i32>} : memref<16x16x128xf32, #tpu.memory_space<vmem>>, vector<16xf32>,
        tpu.vector_store %arg33[%parallel_loop3A_673, %parallel_loop3A_674, %parallel_loop3A_675], %parallel_loop3A_666 {strides = array<i32>} : memref<16x16x128xf32, #tpu.memory_space<vmem>>, vector<16xf32>,
        %parallel_loop3A_677 = arith.constant 7 : i32
        %parallel_loop3A_678 = arith.index_cast %parallel_loop3A_677 : i32 to index
        %parallel_loop3A_679 = arith.index_cast %parallel_loop3A_536 : i32 to index
        %parallel_loop3A_680 = arith.index_cast %parallel_loop3A_538 : i32 to index
        %parallel_loop3A_681 = tpu.vector_load %arg33[%parallel_loop3A_678, %parallel_loop3A_679, %parallel_loop3A_680] {strides = array<i32>} : memref<16x16x128xf32, #tpu.memory_space<vmem>>, vector<16xf32>,
        tpu.vector_store %arg33[%parallel_loop3A_678, %parallel_loop3A_679, %parallel_loop3A_680], %parallel_loop3A_671 {strides = array<i32>} : memref<16x16x128xf32, #tpu.memory_space<vmem>>, vector<16xf32>,
        %parallel_loop3A_682 = tpu.vector_load_idx %arg11[%parallel_loop3A_543] : memref<1024xi32, #tpu.memory_space<vmem>>[vector<16xi32>], vector<16xi32>,
        %parallel_loop3A_683 = tpu.vector_load_idx %arg19[%parallel_loop3A_548] : memref<1024xi32, #tpu.memory_space<vmem>>[vector<16xi32>], vector<16xi32>,
        %parallel_loop3A_684 = tpu.vector_load_idx %arg27[%parallel_loop3A_553] : memref<1024xi32, #tpu.memory_space<vmem>>[vector<16xi32>], vector<16xi32>,
        %parallel_loop3A_685 = arith.constant 16 : i32
        %parallel_loop3A_686 = vector.broadcast %parallel_loop3A_685 : i32 to vector<16xi32>
        %parallel_loop3A_687 = arith.shli %parallel_loop3A_682, %parallel_loop3A_686 : vector<16xi32>
        %parallel_loop3A_688 = vector.bitcast %parallel_loop3A_687 : vector<16xi32> to vector<16xf32>
        %parallel_loop3A_689 = arith.constant 16 : i32
        %parallel_loop3A_690 = vector.broadcast %parallel_loop3A_689 : i32 to vector<16xi32>
        %parallel_loop3A_691 = arith.shli %parallel_loop3A_683, %parallel_loop3A_690 : vector<16xi32>
        %parallel_loop3A_692 = vector.bitcast %parallel_loop3A_691 : vector<16xi32> to vector<16xf32>
        %parallel_loop3A_693 = arith.addf %parallel_loop3A_688, %parallel_loop3A_692 : vector<16xf32>
        %parallel_loop3A_694 = arith.constant 16 : i32
        %parallel_loop3A_695 = vector.broadcast %parallel_loop3A_694 : i32 to vector<16xi32>
        %parallel_loop3A_696 = arith.shli %parallel_loop3A_684, %parallel_loop3A_695 : vector<16xi32>
        %parallel_loop3A_697 = vector.bitcast %parallel_loop3A_696 : vector<16xi32> to vector<16xf32>
        %parallel_loop3A_698 = arith.addf %parallel_loop3A_693, %parallel_loop3A_697 : vector<16xf32>
        %parallel_loop3A_699 = vector.bitcast %parallel_loop3A_682 : vector<16xi32> to vector<16xf32>
        %parallel_loop3A_700 = vector.bitcast %parallel_loop3A_683 : vector<16xi32> to vector<16xf32>
        %parallel_loop3A_701 = arith.addf %parallel_loop3A_699, %parallel_loop3A_700 : vector<16xf32>
        %parallel_loop3A_702 = vector.bitcast %parallel_loop3A_684 : vector<16xi32> to vector<16xf32>
        %parallel_loop3A_703 = arith.addf %parallel_loop3A_701, %parallel_loop3A_702 : vector<16xf32>
        %parallel_loop3A_704 = arith.constant 8 : i32
        %parallel_loop3A_705 = arith.index_cast %parallel_loop3A_704 : i32 to index
        %parallel_loop3A_706 = arith.index_cast %parallel_loop3A_536 : i32 to index
        %parallel_loop3A_707 = arith.index_cast %parallel_loop3A_538 : i32 to index
        %parallel_loop3A_708 = tpu.vector_load %arg33[%parallel_loop3A_705, %parallel_loop3A_706, %parallel_loop3A_707] {strides = array<i32>} : memref<16x16x128xf32, #tpu.memory_space<vmem>>, vector<16xf32>,
        tpu.vector_store %arg33[%parallel_loop3A_705, %parallel_loop3A_706, %parallel_loop3A_707], %parallel_loop3A_698 {strides = array<i32>} : memref<16x16x128xf32, #tpu.memory_space<vmem>>, vector<16xf32>,
        %parallel_loop3A_709 = arith.constant 9 : i32
        %parallel_loop3A_710 = arith.index_cast %parallel_loop3A_709 : i32 to index
        %parallel_loop3A_711 = arith.index_cast %parallel_loop3A_536 : i32 to index
        %parallel_loop3A_712 = arith.index_cast %parallel_loop3A_538 : i32 to index
        %parallel_loop3A_713 = tpu.vector_load %arg33[%parallel_loop3A_710, %parallel_loop3A_711, %parallel_loop3A_712] {strides = array<i32>} : memref<16x16x128xf32, #tpu.memory_space<vmem>>, vector<16xf32>,
        tpu.vector_store %arg33[%parallel_loop3A_710, %parallel_loop3A_711, %parallel_loop3A_712], %parallel_loop3A_703 {strides = array<i32>} : memref<16x16x128xf32, #tpu.memory_space<vmem>>, vector<16xf32>,
        %parallel_loop3A_714 = tpu.vector_load_idx %arg12[%parallel_loop3A_543] : memref<1024xi32, #tpu.memory_space<vmem>>[vector<16xi32>], vector<16xi32>,
        %parallel_loop3A_715 = tpu.vector_load_idx %arg20[%parallel_loop3A_548] : memref<1024xi32, #tpu.memory_space<vmem>>[vector<16xi32>], vector<16xi32>,
        %parallel_loop3A_716 = tpu.vector_load_idx %arg28[%parallel_loop3A_553] : memref<1024xi32, #tpu.memory_space<vmem>>[vector<16xi32>], vector<16xi32>,
        %parallel_loop3A_717 = arith.constant 16 : i32
        %parallel_loop3A_718 = vector.broadcast %parallel_loop3A_717 : i32 to vector<16xi32>
        %parallel_loop3A_719 = arith.shli %parallel_loop3A_714, %parallel_loop3A_718 : vector<16xi32>
        %parallel_loop3A_720 = vector.bitcast %parallel_loop3A_719 : vector<16xi32> to vector<16xf32>
        %parallel_loop3A_721 = arith.constant 16 : i32
        %parallel_loop3A_722 = vector.broadcast %parallel_loop3A_721 : i32 to vector<16xi32>
        %parallel_loop3A_723 = arith.shli %parallel_loop3A_715, %parallel_loop3A_722 : vector<16xi32>
        %parallel_loop3A_724 = vector.bitcast %parallel_loop3A_723 : vector<16xi32> to vector<16xf32>
        %parallel_loop3A_725 = arith.addf %parallel_loop3A_720, %parallel_loop3A_724 : vector<16xf32>
        %parallel_loop3A_726 = arith.constant 16 : i32
        %parallel_loop3A_727 = vector.broadcast %parallel_loop3A_726 : i32 to vector<16xi32>
        %parallel_loop3A_728 = arith.shli %parallel_loop3A_716, %parallel_loop3A_727 : vector<16xi32>
        %parallel_loop3A_729 = vector.bitcast %parallel_loop3A_728 : vector<16xi32> to vector<16xf32>
        %parallel_loop3A_730 = arith.addf %parallel_loop3A_725, %parallel_loop3A_729 : vector<16xf32>
        %parallel_loop3A_731 = vector.bitcast %parallel_loop3A_714 : vector<16xi32> to vector<16xf32>
        %parallel_loop3A_732 = vector.bitcast %parallel_loop3A_715 : vector<16xi32> to vector<16xf32>
        %parallel_loop3A_733 = arith.addf %parallel_loop3A_731, %parallel_loop3A_732 : vector<16xf32>
        %parallel_loop3A_734 = vector.bitcast %parallel_loop3A_716 : vector<16xi32> to vector<16xf32>
        %parallel_loop3A_735 = arith.addf %parallel_loop3A_733, %parallel_loop3A_734 : vector<16xf32>
        %parallel_loop3A_736 = arith.constant 10 : i32
        %parallel_loop3A_737 = arith.index_cast %parallel_loop3A_736 : i32 to index
        %parallel_loop3A_738 = arith.index_cast %parallel_loop3A_536 : i32 to index
        %parallel_loop3A_739 = arith.index_cast %parallel_loop3A_538 : i32 to index
        %parallel_loop3A_740 = tpu.vector_load %arg33[%parallel_loop3A_737, %parallel_loop3A_738, %parallel_loop3A_739] {strides = array<i32>} : memref<16x16x128xf32, #tpu.memory_space<vmem>>, vector<16xf32>,
        tpu.vector_store %arg33[%parallel_loop3A_737, %parallel_loop3A_738, %parallel_loop3A_739], %parallel_loop3A_730 {strides = array<i32>} : memref<16x16x128xf32, #tpu.memory_space<vmem>>, vector<16xf32>,
        %parallel_loop3A_741 = arith.constant 11 : i32
        %parallel_loop3A_742 = arith.index_cast %parallel_loop3A_741 : i32 to index
        %parallel_loop3A_743 = arith.index_cast %parallel_loop3A_536 : i32 to index
        %parallel_loop3A_744 = arith.index_cast %parallel_loop3A_538 : i32 to index
        %parallel_loop3A_745 = tpu.vector_load %arg33[%parallel_loop3A_742, %parallel_loop3A_743, %parallel_loop3A_744] {strides = array<i32>} : memref<16x16x128xf32, #tpu.memory_space<vmem>>, vector<16xf32>,
        tpu.vector_store %arg33[%parallel_loop3A_742, %parallel_loop3A_743, %parallel_loop3A_744], %parallel_loop3A_735 {strides = array<i32>} : memref<16x16x128xf32, #tpu.memory_space<vmem>>, vector<16xf32>,
        %parallel_loop3A_746 = tpu.vector_load_idx %arg13[%parallel_loop3A_543] : memref<1024xi32, #tpu.memory_space<vmem>>[vector<16xi32>], vector<16xi32>,
        %parallel_loop3A_747 = tpu.vector_load_idx %arg21[%parallel_loop3A_548] : memref<1024xi32, #tpu.memory_space<vmem>>[vector<16xi32>], vector<16xi32>,
        %parallel_loop3A_748 = tpu.vector_load_idx %arg29[%parallel_loop3A_553] : memref<1024xi32, #tpu.memory_space<vmem>>[vector<16xi32>], vector<16xi32>,
        %parallel_loop3A_749 = arith.constant 16 : i32
        %parallel_loop3A_750 = vector.broadcast %parallel_loop3A_749 : i32 to vector<16xi32>
        %parallel_loop3A_751 = arith.shli %parallel_loop3A_746, %parallel_loop3A_750 : vector<16xi32>
        %parallel_loop3A_752 = vector.bitcast %parallel_loop3A_751 : vector<16xi32> to vector<16xf32>
        %parallel_loop3A_753 = arith.constant 16 : i32
        %parallel_loop3A_754 = vector.broadcast %parallel_loop3A_753 : i32 to vector<16xi32>
        %parallel_loop3A_755 = arith.shli %parallel_loop3A_747, %parallel_loop3A_754 : vector<16xi32>
        %parallel_loop3A_756 = vector.bitcast %parallel_loop3A_755 : vector<16xi32> to vector<16xf32>
        %parallel_loop3A_757 = arith.addf %parallel_loop3A_752, %parallel_loop3A_756 : vector<16xf32>
        %parallel_loop3A_758 = arith.constant 16 : i32
        %parallel_loop3A_759 = vector.broadcast %parallel_loop3A_758 : i32 to vector<16xi32>
        %parallel_loop3A_760 = arith.shli %parallel_loop3A_748, %parallel_loop3A_759 : vector<16xi32>
        %parallel_loop3A_761 = vector.bitcast %parallel_loop3A_760 : vector<16xi32> to vector<16xf32>
        %parallel_loop3A_762 = arith.addf %parallel_loop3A_757, %parallel_loop3A_761 : vector<16xf32>
        %parallel_loop3A_763 = vector.bitcast %parallel_loop3A_746 : vector<16xi32> to vector<16xf32>
        %parallel_loop3A_764 = vector.bitcast %parallel_loop3A_747 : vector<16xi32> to vector<16xf32>
        %parallel_loop3A_765 = arith.addf %parallel_loop3A_763, %parallel_loop3A_764 : vector<16xf32>
        %parallel_loop3A_766 = vector.bitcast %parallel_loop3A_748 : vector<16xi32> to vector<16xf32>
        %parallel_loop3A_767 = arith.addf %parallel_loop3A_765, %parallel_loop3A_766 : vector<16xf32>
        %parallel_loop3A_768 = arith.constant 12 : i32
        %parallel_loop3A_769 = arith.index_cast %parallel_loop3A_768 : i32 to index
        %parallel_loop3A_770 = arith.index_cast %parallel_loop3A_536 : i32 to index
        %parallel_loop3A_771 = arith.index_cast %parallel_loop3A_538 : i32 to index
        %parallel_loop3A_772 = tpu.vector_load %arg33[%parallel_loop3A_769, %parallel_loop3A_770, %parallel_loop3A_771] {strides = array<i32>} : memref<16x16x128xf32, #tpu.memory_space<vmem>>, vector<16xf32>,
        tpu.vector_store %arg33[%parallel_loop3A_769, %parallel_loop3A_770, %parallel_loop3A_771], %parallel_loop3A_762 {strides = array<i32>} : memref<16x16x128xf32, #tpu.memory_space<vmem>>, vector<16xf32>,
        %parallel_loop3A_773 = arith.constant 13 : i32
        %parallel_loop3A_774 = arith.index_cast %parallel_loop3A_773 : i32 to index
        %parallel_loop3A_775 = arith.index_cast %parallel_loop3A_536 : i32 to index
        %parallel_loop3A_776 = arith.index_cast %parallel_loop3A_538 : i32 to index
        %parallel_loop3A_777 = tpu.vector_load %arg33[%parallel_loop3A_774, %parallel_loop3A_775, %parallel_loop3A_776] {strides = array<i32>} : memref<16x16x128xf32, #tpu.memory_space<vmem>>, vector<16xf32>,
        tpu.vector_store %arg33[%parallel_loop3A_774, %parallel_loop3A_775, %parallel_loop3A_776], %parallel_loop3A_767 {strides = array<i32>} : memref<16x16x128xf32, #tpu.memory_space<vmem>>, vector<16xf32>,
        %parallel_loop3A_778 = tpu.vector_load_idx %arg14[%parallel_loop3A_543] : memref<1024xi32, #tpu.memory_space<vmem>>[vector<16xi32>], vector<16xi32>,
        %parallel_loop3A_779 = tpu.vector_load_idx %arg22[%parallel_loop3A_548] : memref<1024xi32, #tpu.memory_space<vmem>>[vector<16xi32>], vector<16xi32>,
        %parallel_loop3A_780 = tpu.vector_load_idx %arg30[%parallel_loop3A_553] : memref<1024xi32, #tpu.memory_space<vmem>>[vector<16xi32>], vector<16xi32>,
        %parallel_loop3A_781 = arith.constant 16 : i32
        %parallel_loop3A_782 = vector.broadcast %parallel_loop3A_781 : i32 to vector<16xi32>
        %parallel_loop3A_783 = arith.shli %parallel_loop3A_778, %parallel_loop3A_782 : vector<16xi32>
        %parallel_loop3A_784 = vector.bitcast %parallel_loop3A_783 : vector<16xi32> to vector<16xf32>
        %parallel_loop3A_785 = arith.constant 16 : i32
        %parallel_loop3A_786 = vector.broadcast %parallel_loop3A_785 : i32 to vector<16xi32>
        %parallel_loop3A_787 = arith.shli %parallel_loop3A_779, %parallel_loop3A_786 : vector<16xi32>
        %parallel_loop3A_788 = vector.bitcast %parallel_loop3A_787 : vector<16xi32> to vector<16xf32>
        %parallel_loop3A_789 = arith.addf %parallel_loop3A_784, %parallel_loop3A_788 : vector<16xf32>
        %parallel_loop3A_790 = arith.constant 16 : i32
        %parallel_loop3A_791 = vector.broadcast %parallel_loop3A_790 : i32 to vector<16xi32>
        %parallel_loop3A_792 = arith.shli %parallel_loop3A_780, %parallel_loop3A_791 : vector<16xi32>
        %parallel_loop3A_793 = vector.bitcast %parallel_loop3A_792 : vector<16xi32> to vector<16xf32>
        %parallel_loop3A_794 = arith.addf %parallel_loop3A_789, %parallel_loop3A_793 : vector<16xf32>
        %parallel_loop3A_795 = vector.bitcast %parallel_loop3A_778 : vector<16xi32> to vector<16xf32>
        %parallel_loop3A_796 = vector.bitcast %parallel_loop3A_779 : vector<16xi32> to vector<16xf32>
        %parallel_loop3A_797 = arith.addf %parallel_loop3A_795, %parallel_loop3A_796 : vector<16xf32>
        %parallel_loop3A_798 = vector.bitcast %parallel_loop3A_780 : vector<16xi32> to vector<16xf32>
        %parallel_loop3A_799 = arith.addf %parallel_loop3A_797, %parallel_loop3A_798 : vector<16xf32>
        %parallel_loop3A_800 = arith.constant 14 : i32
        %parallel_loop3A_801 = arith.index_cast %parallel_loop3A_800 : i32 to index
        %parallel_loop3A_802 = arith.index_cast %parallel_loop3A_536 : i32 to index
        %parallel_loop3A_803 = arith.index_cast %parallel_loop3A_538 : i32 to index
        %parallel_loop3A_804 = tpu.vector_load %arg33[%parallel_loop3A_801, %parallel_loop3A_802, %parallel_loop3A_803] {strides = array<i32>} : memref<16x16x128xf32, #tpu.memory_space<vmem>>, vector<16xf32>,
        tpu.vector_store %arg33[%parallel_loop3A_801, %parallel_loop3A_802, %parallel_loop3A_803], %parallel_loop3A_794 {strides = array<i32>} : memref<16x16x128xf32, #tpu.memory_space<vmem>>, vector<16xf32>,
        %parallel_loop3A_805 = arith.constant 15 : i32
        %parallel_loop3A_806 = arith.index_cast %parallel_loop3A_805 : i32 to index
        %parallel_loop3A_807 = arith.index_cast %parallel_loop3A_536 : i32 to index
        %parallel_loop3A_808 = arith.index_cast %parallel_loop3A_538 : i32 to index
        %parallel_loop3A_809 = tpu.vector_load %arg33[%parallel_loop3A_806, %parallel_loop3A_807, %parallel_loop3A_808] {strides = array<i32>} : memref<16x16x128xf32, #tpu.memory_space<vmem>>, vector<16xf32>,
        tpu.vector_store %arg33[%parallel_loop3A_806, %parallel_loop3A_807, %parallel_loop3A_808], %parallel_loop3A_799 {strides = array<i32>} : memref<16x16x128xf32, #tpu.memory_space<vmem>>, vector<16xf32>,
      } {sc.loop_unroll_factor = 4 : i64, sc.parallel_access}
      %dma_start3A_422 = arith.constant 0 : i32
      %dma_start3A_423 = tpu.memref_slice %arg6[%mul3A_11, %scan3A_320, %dma_start3A_422, %mul3A_34] : memref<64x32x32x1024xf32, #tpu.memory_space<hbm>> -> memref<16x1x16x128xf32, #tpu.memory_space<hbm>>
      %dma_start3A_424 = tpu.memref_squeeze %dma_start3A_423 : memref<16x1x16x128xf32, #tpu.memory_space<hbm>> -> memref<16x16x128xf32, #tpu.memory_space<hbm>>
      %dma_start3A_425 = arith.constant 0 : i32
      %dma_start3A_426 = tpu.memref_slice %arg6[%mul3A_11, %scan3A_320, %dma_start3A_425, %mul3A_34] : memref<64x32x32x1024xf32, #tpu.memory_space<hbm>> -> memref<16x1x16x128xf32, #tpu.memory_space<hbm>>
      %dma_start3A_427 = tpu.memref_squeeze %dma_start3A_426 : memref<16x1x16x128xf32, #tpu.memory_space<hbm>> -> memref<16x16x128xf32, #tpu.memory_space<hbm>>
      tpu.enqueue_dma source(%arg33 : memref<16x16x128xf32, #tpu.memory_space<vmem>>) target(%dma_start3A_427 : memref<16x16x128xf32, #tpu.memory_space<hbm>>) target_semaphore(%arg36 : memref<!tpu.dma_semaphore, #tpu.memory_space<semaphore_mem>>)
      %dma_wait3A_428 = arith.constant 0 : i32
      %dma_wait3A_429 = arith.constant 0 : i32
      %dma_wait3A_430 = arith.constant 0 : i32
      %dma_wait3A_431 = arith.constant 0 : i32
      %dma_wait3A_432 = tpu.memref_slice %arg32[%dma_wait3A_429, %dma_wait3A_430, %dma_wait3A_431] : memref<3x16x128xi32, #tpu.memory_space<vmem>> -> memref<1x16x128xi32, #tpu.memory_space<vmem>>
      %dma_wait3A_433 = tpu.memref_squeeze %dma_wait3A_432 : memref<1x16x128xi32, #tpu.memory_space<vmem>> -> memref<16x128xi32, #tpu.memory_space<vmem>>
      %dma_wait3A_434 = arith.constant 16 : i32
      %dma_wait3A_435 = tpu.memref_slice %arg2[%scan3A_320, %dma_wait3A_428, %dma_wait3A_434, %mul3A_34] : memref<32x3x32x1024xi32, #tpu.memory_space<hbm>> -> memref<1x1x16x128xi32, #tpu.memory_space<hbm>>
      %dma_wait3A_436 = tpu.memref_squeeze %dma_wait3A_435 : memref<1x1x16x128xi32, #tpu.memory_space<hbm>> -> memref<16x128xi32, #tpu.memory_space<hbm>>
      %dma_wait3A_437 = arith.constant 0 : i32
      %dma_wait3A_438 = arith.constant 0 : i32
      %dma_wait3A_439 = tpu.memref_slice %arg32[%dma_wait3A_429, %dma_wait3A_437, %dma_wait3A_438] : memref<3x16x128xi32, #tpu.memory_space<vmem>> -> memref<1x16x128xi32, #tpu.memory_space<vmem>>
      %dma_wait3A_440 = tpu.memref_squeeze %dma_wait3A_439 : memref<1x16x128xi32, #tpu.memory_space<vmem>> -> memref<16x128xi32, #tpu.memory_space<vmem>>
      %dma_wait3A_441 = arith.constant 16 : i32
      %dma_wait3A_442 = tpu.memref_slice %arg2[%scan3A_320, %dma_wait3A_428, %dma_wait3A_441, %mul3A_34] : memref<32x3x32x1024xi32, #tpu.memory_space<hbm>> -> memref<1x1x16x128xi32, #tpu.memory_space<hbm>>
      %dma_wait3A_443 = tpu.memref_squeeze %dma_wait3A_442 : memref<1x1x16x128xi32, #tpu.memory_space<hbm>> -> memref<16x128xi32, #tpu.memory_space<hbm>>
      tpu.wait_dma2 semaphore(%arg35 : memref<!tpu.dma_semaphore, #tpu.memory_space<semaphore_mem>>) src(%dma_wait3A_443 : memref<16x128xi32, #tpu.memory_space<hbm>>) dst(%dma_wait3A_440 : memref<16x128xi32, #tpu.memory_space<vmem>>)
      %dma_wait3A_444 = arith.constant 1 : i32
      %dma_wait3A_445 = arith.constant 1 : i32
      %dma_wait3A_446 = arith.constant 0 : i32
      %dma_wait3A_447 = arith.constant 0 : i32
      %dma_wait3A_448 = tpu.memref_slice %arg32[%dma_wait3A_445, %dma_wait3A_446, %dma_wait3A_447] : memref<3x16x128xi32, #tpu.memory_space<vmem>> -> memref<1x16x128xi32, #tpu.memory_space<vmem>>
      %dma_wait3A_449 = tpu.memref_squeeze %dma_wait3A_448 : memref<1x16x128xi32, #tpu.memory_space<vmem>> -> memref<16x128xi32, #tpu.memory_space<vmem>>
      %dma_wait3A_450 = arith.constant 16 : i32
      %dma_wait3A_451 = tpu.memref_slice %arg2[%scan3A_320, %dma_wait3A_444, %dma_wait3A_450, %mul3A_34] : memref<32x3x32x1024xi32, #tpu.memory_space<hbm>> -> memref<1x1x16x128xi32, #tpu.memory_space<hbm>>
      %dma_wait3A_452 = tpu.memref_squeeze %dma_wait3A_451 : memref<1x1x16x128xi32, #tpu.memory_space<hbm>> -> memref<16x128xi32, #tpu.memory_space<hbm>>
      %dma_wait3A_453 = arith.constant 0 : i32
      %dma_wait3A_454 = arith.constant 0 : i32
      %dma_wait3A_455 = tpu.memref_slice %arg32[%dma_wait3A_445, %dma_wait3A_453, %dma_wait3A_454] : memref<3x16x128xi32, #tpu.memory_space<vmem>> -> memref<1x16x128xi32, #tpu.memory_space<vmem>>
      %dma_wait3A_456 = tpu.memref_squeeze %dma_wait3A_455 : memref<1x16x128xi32, #tpu.memory_space<vmem>> -> memref<16x128xi32, #tpu.memory_space<vmem>>
      %dma_wait3A_457 = arith.constant 16 : i32
      %dma_wait3A_458 = tpu.memref_slice %arg2[%scan3A_320, %dma_wait3A_444, %dma_wait3A_457, %mul3A_34] : memref<32x3x32x1024xi32, #tpu.memory_space<hbm>> -> memref<1x1x16x128xi32, #tpu.memory_space<hbm>>
      %dma_wait3A_459 = tpu.memref_squeeze %dma_wait3A_458 : memref<1x1x16x128xi32, #tpu.memory_space<hbm>> -> memref<16x128xi32, #tpu.memory_space<hbm>>
      tpu.wait_dma2 semaphore(%arg35 : memref<!tpu.dma_semaphore, #tpu.memory_space<semaphore_mem>>) src(%dma_wait3A_459 : memref<16x128xi32, #tpu.memory_space<hbm>>) dst(%dma_wait3A_456 : memref<16x128xi32, #tpu.memory_space<vmem>>)
      %dma_wait3A_460 = arith.constant 2 : i32
      %dma_wait3A_461 = arith.constant 2 : i32
      %dma_wait3A_462 = arith.constant 0 : i32
      %dma_wait3A_463 = arith.constant 0 : i32
      %dma_wait3A_464 = tpu.memref_slice %arg32[%dma_wait3A_461, %dma_wait3A_462, %dma_wait3A_463] : memref<3x16x128xi32, #tpu.memory_space<vmem>> -> memref<1x16x128xi32, #tpu.memory_space<vmem>>
      %dma_wait3A_465 = tpu.memref_squeeze %dma_wait3A_464 : memref<1x16x128xi32, #tpu.memory_space<vmem>> -> memref<16x128xi32, #tpu.memory_space<vmem>>
      %dma_wait3A_466 = arith.constant 16 : i32
      %dma_wait3A_467 = tpu.memref_slice %arg2[%scan3A_320, %dma_wait3A_460, %dma_wait3A_466, %mul3A_34] : memref<32x3x32x1024xi32, #tpu.memory_space<hbm>> -> memref<1x1x16x128xi32, #tpu.memory_space<hbm>>
      %dma_wait3A_468 = tpu.memref_squeeze %dma_wait3A_467 : memref<1x1x16x128xi32, #tpu.memory_space<hbm>> -> memref<16x128xi32, #tpu.memory_space<hbm>>
      %dma_wait3A_469 = arith.constant 0 : i32
      %dma_wait3A_470 = arith.constant 0 : i32
      %dma_wait3A_471 = tpu.memref_slice %arg32[%dma_wait3A_461, %dma_wait3A_469, %dma_wait3A_470] : memref<3x16x128xi32, #tpu.memory_space<vmem>> -> memref<1x16x128xi32, #tpu.memory_space<vmem>>
      %dma_wait3A_472 = tpu.memref_squeeze %dma_wait3A_471 : memref<1x16x128xi32, #tpu.memory_space<vmem>> -> memref<16x128xi32, #tpu.memory_space<vmem>>
      %dma_wait3A_473 = arith.constant 16 : i32
      %dma_wait3A_474 = tpu.memref_slice %arg2[%scan3A_320, %dma_wait3A_460, %dma_wait3A_473, %mul3A_34] : memref<32x3x32x1024xi32, #tpu.memory_space<hbm>> -> memref<1x1x16x128xi32, #tpu.memory_space<hbm>>
      %dma_wait3A_475 = tpu.memref_squeeze %dma_wait3A_474 : memref<1x1x16x128xi32, #tpu.memory_space<hbm>> -> memref<16x128xi32, #tpu.memory_space<hbm>>
      tpu.wait_dma2 semaphore(%arg35 : memref<!tpu.dma_semaphore, #tpu.memory_space<semaphore_mem>>) src(%dma_wait3A_475 : memref<16x128xi32, #tpu.memory_space<hbm>>) dst(%dma_wait3A_472 : memref<16x128xi32, #tpu.memory_space<vmem>>)
      %lt3A_476 = arith.constant 31 : i32
      %lt3A_477 = arith.cmpi slt, %scan3A_320, %lt3A_476 : i32
      %convert_element_type3A_478 = arith.extui %lt3A_477 : i1 to i32
      %cond3A_479 = arith.constant 0 : i32
      %cond3A_480 = arith.cmpi ne, %convert_element_type3A_478, %cond3A_479 : i32
      scf.if %cond3A_480 {
        %add3A_496 = arith.constant 1 : i32
        %add3A_497 = arith.addi %scan3A_320, %add3A_496 : i32
        %dma_start3A_498 = arith.constant 0 : i32
        %dma_start3A_499 = arith.constant 0 : i32
        %dma_start3A_500 = arith.constant 0 : i32
        %dma_start3A_501 = arith.constant 0 : i32
        %dma_start3A_502 = tpu.memref_slice %arg31[%dma_start3A_499, %dma_start3A_500, %dma_start3A_501] : memref<3x16x128xi32, #tpu.memory_space<vmem>> -> memref<1x16x128xi32, #tpu.memory_space<vmem>>
        %dma_start3A_503 = tpu.memref_squeeze %dma_start3A_502 : memref<1x16x128xi32, #tpu.memory_space<vmem>> -> memref<16x128xi32, #tpu.memory_space<vmem>>
        %dma_start3A_504 = arith.constant 0 : i32
        %dma_start3A_505 = tpu.memref_slice %arg2[%add3A_497, %dma_start3A_498, %dma_start3A_504, %mul3A_34] : memref<32x3x32x1024xi32, #tpu.memory_space<hbm>> -> memref<1x1x16x128xi32, #tpu.memory_space<hbm>>
        %dma_start3A_506 = tpu.memref_squeeze %dma_start3A_505 : memref<1x1x16x128xi32, #tpu.memory_space<hbm>> -> memref<16x128xi32, #tpu.memory_space<hbm>>
        %dma_start3A_507 = arith.constant 0 : i32
        %dma_start3A_508 = arith.constant 0 : i32
        %dma_start3A_509 = tpu.memref_slice %arg31[%dma_start3A_499, %dma_start3A_507, %dma_start3A_508] : memref<3x16x128xi32, #tpu.memory_space<vmem>> -> memref<1x16x128xi32, #tpu.memory_space<vmem>>
        %dma_start3A_510 = tpu.memref_squeeze %dma_start3A_509 : memref<1x16x128xi32, #tpu.memory_space<vmem>> -> memref<16x128xi32, #tpu.memory_space<vmem>>
        %dma_start3A_511 = arith.constant 0 : i32
        %dma_start3A_512 = tpu.memref_slice %arg2[%add3A_497, %dma_start3A_498, %dma_start3A_511, %mul3A_34] : memref<32x3x32x1024xi32, #tpu.memory_space<hbm>> -> memref<1x1x16x128xi32, #tpu.memory_space<hbm>>
        %dma_start3A_513 = tpu.memref_squeeze %dma_start3A_512 : memref<1x1x16x128xi32, #tpu.memory_space<hbm>> -> memref<16x128xi32, #tpu.memory_space<hbm>>
        tpu.enqueue_dma source(%dma_start3A_513 : memref<16x128xi32, #tpu.memory_space<hbm>>) target(%dma_start3A_510 : memref<16x128xi32, #tpu.memory_space<vmem>>) target_semaphore(%arg35 : memref<!tpu.dma_semaphore, #tpu.memory_space<semaphore_mem>>)
        %dma_start3A_514 = arith.constant 1 : i32
        %dma_start3A_515 = arith.constant 1 : i32
        %dma_start3A_516 = arith.constant 0 : i32
        %dma_start3A_517 = arith.constant 0 : i32
        %dma_start3A_518 = tpu.memref_slice %arg31[%dma_start3A_515, %dma_start3A_516, %dma_start3A_517] : memref<3x16x128xi32, #tpu.memory_space<vmem>> -> memref<1x16x128xi32, #tpu.memory_space<vmem>>
        %dma_start3A_519 = tpu.memref_squeeze %dma_start3A_518 : memref<1x16x128xi32, #tpu.memory_space<vmem>> -> memref<16x128xi32, #tpu.memory_space<vmem>>
        %dma_start3A_520 = arith.constant 0 : i32
        %dma_start3A_521 = tpu.memref_slice %arg2[%add3A_497, %dma_start3A_514, %dma_start3A_520, %mul3A_34] : memref<32x3x32x1024xi32, #tpu.memory_space<hbm>> -> memref<1x1x16x128xi32, #tpu.memory_space<hbm>>
        %dma_start3A_522 = tpu.memref_squeeze %dma_start3A_521 : memref<1x1x16x128xi32, #tpu.memory_space<hbm>> -> memref<16x128xi32, #tpu.memory_space<hbm>>
        %dma_start3A_523 = arith.constant 0 : i32
        %dma_start3A_524 = arith.constant 0 : i32
        %dma_start3A_525 = tpu.memref_slice %arg31[%dma_start3A_515, %dma_start3A_523, %dma_start3A_524] : memref<3x16x128xi32, #tpu.memory_space<vmem>> -> memref<1x16x128xi32, #tpu.memory_space<vmem>>
        %dma_start3A_526 = tpu.memref_squeeze %dma_start3A_525 : memref<1x16x128xi32, #tpu.memory_space<vmem>> -> memref<16x128xi32, #tpu.memory_space<vmem>>
        %dma_start3A_527 = arith.constant 0 : i32
        %dma_start3A_528 = tpu.memref_slice %arg2[%add3A_497, %dma_start3A_514, %dma_start3A_527, %mul3A_34] : memref<32x3x32x1024xi32, #tpu.memory_space<hbm>> -> memref<1x1x16x128xi32, #tpu.memory_space<hbm>>
        %dma_start3A_529 = tpu.memref_squeeze %dma_start3A_528 : memref<1x1x16x128xi32, #tpu.memory_space<hbm>> -> memref<16x128xi32, #tpu.memory_space<hbm>>
        tpu.enqueue_dma source(%dma_start3A_529 : memref<16x128xi32, #tpu.memory_space<hbm>>) target(%dma_start3A_526 : memref<16x128xi32, #tpu.memory_space<vmem>>) target_semaphore(%arg35 : memref<!tpu.dma_semaphore, #tpu.memory_space<semaphore_mem>>)
        %dma_start3A_530 = arith.constant 2 : i32
        %dma_start3A_531 = arith.constant 2 : i32
        %dma_start3A_532 = arith.constant 0 : i32
        %dma_start3A_533 = arith.constant 0 : i32
        %dma_start3A_534 = tpu.memref_slice %arg31[%dma_start3A_531, %dma_start3A_532, %dma_start3A_533] : memref<3x16x128xi32, #tpu.memory_space<vmem>> -> memref<1x16x128xi32, #tpu.memory_space<vmem>>
        %dma_start3A_535 = tpu.memref_squeeze %dma_start3A_534 : memref<1x16x128xi32, #tpu.memory_space<vmem>> -> memref<16x128xi32, #tpu.memory_space<vmem>>
        %dma_start3A_536 = arith.constant 0 : i32
        %dma_start3A_537 = tpu.memref_slice %arg2[%add3A_497, %dma_start3A_530, %dma_start3A_536, %mul3A_34] : memref<32x3x32x1024xi32, #tpu.memory_space<hbm>> -> memref<1x1x16x128xi32, #tpu.memory_space<hbm>>
        %dma_start3A_538 = tpu.memref_squeeze %dma_start3A_537 : memref<1x1x16x128xi32, #tpu.memory_space<hbm>> -> memref<16x128xi32, #tpu.memory_space<hbm>>
        %dma_start3A_539 = arith.constant 0 : i32
        %dma_start3A_540 = arith.constant 0 : i32
        %dma_start3A_541 = tpu.memref_slice %arg31[%dma_start3A_531, %dma_start3A_539, %dma_start3A_540] : memref<3x16x128xi32, #tpu.memory_space<vmem>> -> memref<1x16x128xi32, #tpu.memory_space<vmem>>
        %dma_start3A_542 = tpu.memref_squeeze %dma_start3A_541 : memref<1x16x128xi32, #tpu.memory_space<vmem>> -> memref<16x128xi32, #tpu.memory_space<vmem>>
        %dma_start3A_543 = arith.constant 0 : i32
        %dma_start3A_544 = tpu.memref_slice %arg2[%add3A_497, %dma_start3A_530, %dma_start3A_543, %mul3A_34] : memref<32x3x32x1024xi32, #tpu.memory_space<hbm>> -> memref<1x1x16x128xi32, #tpu.memory_space<hbm>>
        %dma_start3A_545 = tpu.memref_squeeze %dma_start3A_544 : memref<1x1x16x128xi32, #tpu.memory_space<hbm>> -> memref<16x128xi32, #tpu.memory_space<hbm>>
        tpu.enqueue_dma source(%dma_start3A_545 : memref<16x128xi32, #tpu.memory_space<hbm>>) target(%dma_start3A_542 : memref<16x128xi32, #tpu.memory_space<vmem>>) target_semaphore(%arg35 : memref<!tpu.dma_semaphore, #tpu.memory_space<semaphore_mem>>)
      } else {
      }
      %gt3A_481 = arith.constant 0 : i32
      %gt3A_482 = arith.cmpi sgt, %scan3A_320, %gt3A_481 : i32
      %convert_element_type3A_483 = arith.extui %gt3A_482 : i1 to i32
      %cond3A_484 = arith.constant 0 : i32
      %cond3A_485 = arith.cmpi ne, %convert_element_type3A_483, %cond3A_484 : i32
      scf.if %cond3A_485 {
        %dma_wait3A_496 = arith.constant 0 : i32
        %dma_wait3A_497 = arith.constant 0 : i32
        %dma_wait3A_498 = tpu.memref_slice %arg6[%mul3A_11, %dma_wait3A_496, %dma_wait3A_497, %mul3A_34] : memref<64x32x32x1024xf32, #tpu.memory_space<hbm>> -> memref<16x1x16x128xf32, #tpu.memory_space<hbm>>
        %dma_wait3A_499 = tpu.memref_squeeze %dma_wait3A_498 : memref<16x1x16x128xf32, #tpu.memory_space<hbm>> -> memref<16x16x128xf32, #tpu.memory_space<hbm>>
        %dma_wait3A_500 = arith.constant 0 : i32
        %dma_wait3A_501 = tpu.memref_slice %arg6[%mul3A_11, %dma_wait3A_496, %dma_wait3A_500, %mul3A_34] : memref<64x32x32x1024xf32, #tpu.memory_space<hbm>> -> memref<16x1x16x128xf32, #tpu.memory_space<hbm>>
        %dma_wait3A_502 = tpu.memref_squeeze %dma_wait3A_501 : memref<16x1x16x128xf32, #tpu.memory_space<hbm>> -> memref<16x16x128xf32, #tpu.memory_space<hbm>>
        tpu.wait_dma2 semaphore(%arg36 : memref<!tpu.dma_semaphore, #tpu.memory_space<semaphore_mem>>) src(%arg34 : memref<16x16x128xf32, #tpu.memory_space<vmem>>) dst(%dma_wait3A_502 : memref<16x16x128xf32, #tpu.memory_space<hbm>>)
      } else {
      }
      %parallel_loop3A_486 = arith.constant 0 : i32
      %parallel_loop3A_487 = arith.constant 128 : i32
      %parallel_loop3A_488 = arith.constant 1 : i32
      scf.for %parallel_loop3A_496 = %parallel_loop3A_486 to %parallel_loop3A_487 step %parallel_loop3A_488  : i32 {
        %parallel_loop3A_497 = arith.constant 16 : i32
        %parallel_loop3A_498 = arith.divsi %parallel_loop3A_496, %parallel_loop3A_497 : i32
        %parallel_loop3A_499 = arith.constant 0 : i32
        %parallel_loop3A_500 = arith.cmpi sgt, %parallel_loop3A_496, %parallel_loop3A_499 : i32
        %parallel_loop3A_501 = arith.extui %parallel_loop3A_500 : i1 to i32
        %parallel_loop3A_502 = arith.constant 0 : i32
        %parallel_loop3A_503 = arith.cmpi slt, %parallel_loop3A_496, %parallel_loop3A_502 : i32
        %parallel_loop3A_504 = arith.extui %parallel_loop3A_503 : i1 to i32
        %parallel_loop3A_505 = arith.subi %parallel_loop3A_501, %parallel_loop3A_504 : i32
        %parallel_loop3A_506 = arith.constant 0 : i32
        %parallel_loop3A_507 = arith.cmpi sgt, %parallel_loop3A_497, %parallel_loop3A_506 : i32
        %parallel_loop3A_508 = arith.extui %parallel_loop3A_507 : i1 to i32
        %parallel_loop3A_509 = arith.constant 0 : i32
        %parallel_loop3A_510 = arith.cmpi slt, %parallel_loop3A_497, %parallel_loop3A_509 : i32
        %parallel_loop3A_511 = arith.extui %parallel_loop3A_510 : i1 to i32
        %parallel_loop3A_512 = arith.subi %parallel_loop3A_508, %parallel_loop3A_511 : i32
        %parallel_loop3A_513 = arith.cmpi ne, %parallel_loop3A_505, %parallel_loop3A_512 : i32
        %parallel_loop3A_514 = arith.remsi %parallel_loop3A_496, %parallel_loop3A_497 : i32
        %parallel_loop3A_515 = arith.constant 0 : i32
        %parallel_loop3A_516 = arith.cmpi ne, %parallel_loop3A_514, %parallel_loop3A_515 : i32
        %parallel_loop3A_517 = arith.andi %parallel_loop3A_513, %parallel_loop3A_516 : i1
        %parallel_loop3A_518 = arith.constant 1 : i32
        %parallel_loop3A_519 = arith.subi %parallel_loop3A_498, %parallel_loop3A_518 : i32
        %parallel_loop3A_520 = arith.select %parallel_loop3A_517, %parallel_loop3A_519, %parallel_loop3A_498 : i32
        %parallel_loop3A_521 = arith.constant 16 : i32
        %parallel_loop3A_522 = arith.constant 0 : i32
        %parallel_loop3A_523 = arith.cmpi eq, %parallel_loop3A_521, %parallel_loop3A_522 : i32
        %parallel_loop3A_524 = arith.constant 1 : i32
        %parallel_loop3A_525 = arith.select %parallel_loop3A_523, %parallel_loop3A_524, %parallel_loop3A_521 : i32
        %parallel_loop3A_526 = arith.remsi %parallel_loop3A_496, %parallel_loop3A_525 : i32
        %parallel_loop3A_527 = arith.constant 0 : i32
        %parallel_loop3A_528 = arith.cmpi ne, %parallel_loop3A_526, %parallel_loop3A_527 : i32
        %parallel_loop3A_529 = arith.constant 0 : i32
        %parallel_loop3A_530 = arith.cmpi slt, %parallel_loop3A_526, %parallel_loop3A_529 : i32
        %parallel_loop3A_531 = arith.constant 0 : i32
        %parallel_loop3A_532 = arith.cmpi slt, %parallel_loop3A_525, %parallel_loop3A_531 : i32
        %parallel_loop3A_533 = arith.xori %parallel_loop3A_530, %parallel_loop3A_532 : i1
        %parallel_loop3A_534 = arith.andi %parallel_loop3A_533, %parallel_loop3A_528 : i1
        %parallel_loop3A_535 = arith.addi %parallel_loop3A_526, %parallel_loop3A_525 : i32
        %parallel_loop3A_536 = arith.select %parallel_loop3A_534, %parallel_loop3A_535, %parallel_loop3A_526 : i32
        %parallel_loop3A_537 = arith.constant 16 : i32
        %parallel_loop3A_538 = arith.muli %parallel_loop3A_520, %parallel_loop3A_537 : i32
        %parallel_loop3A_539 = arith.constant 0 : i32
        %parallel_loop3A_540 = arith.index_cast %parallel_loop3A_539 : i32 to index
        %parallel_loop3A_541 = arith.index_cast %parallel_loop3A_536 : i32 to index
        %parallel_loop3A_542 = arith.index_cast %parallel_loop3A_538 : i32 to index
        %parallel_loop3A_543 = tpu.vector_load %arg32[%parallel_loop3A_540, %parallel_loop3A_541, %parallel_loop3A_542] {strides = array<i32>} : memref<3x16x128xi32, #tpu.memory_space<vmem>>, vector<16xi32>,
        %parallel_loop3A_544 = arith.constant 1 : i32
        %parallel_loop3A_545 = arith.index_cast %parallel_loop3A_544 : i32 to index
        %parallel_loop3A_546 = arith.index_cast %parallel_loop3A_536 : i32 to index
        %parallel_loop3A_547 = arith.index_cast %parallel_loop3A_538 : i32 to index
        %parallel_loop3A_548 = tpu.vector_load %arg32[%parallel_loop3A_545, %parallel_loop3A_546, %parallel_loop3A_547] {strides = array<i32>} : memref<3x16x128xi32, #tpu.memory_space<vmem>>, vector<16xi32>,
        %parallel_loop3A_549 = arith.constant 2 : i32
        %parallel_loop3A_550 = arith.index_cast %parallel_loop3A_549 : i32 to index
        %parallel_loop3A_551 = arith.index_cast %parallel_loop3A_536 : i32 to index
        %parallel_loop3A_552 = arith.index_cast %parallel_loop3A_538 : i32 to index
        %parallel_loop3A_553 = tpu.vector_load %arg32[%parallel_loop3A_550, %parallel_loop3A_551, %parallel_loop3A_552] {strides = array<i32>} : memref<3x16x128xi32, #tpu.memory_space<vmem>>, vector<16xi32>,
        %parallel_loop3A_554 = tpu.vector_load_idx %arg7[%parallel_loop3A_543] : memref<1024xi32, #tpu.memory_space<vmem>>[vector<16xi32>], vector<16xi32>,
        %parallel_loop3A_555 = tpu.vector_load_idx %arg15[%parallel_loop3A_548] : memref<1024xi32, #tpu.memory_space<vmem>>[vector<16xi32>], vector<16xi32>,
        %parallel_loop3A_556 = tpu.vector_load_idx %arg23[%parallel_loop3A_553] : memref<1024xi32, #tpu.memory_space<vmem>>[vector<16xi32>], vector<16xi32>,
        %parallel_loop3A_557 = arith.constant 16 : i32
        %parallel_loop3A_558 = vector.broadcast %parallel_loop3A_557 : i32 to vector<16xi32>
        %parallel_loop3A_559 = arith.shli %parallel_loop3A_554, %parallel_loop3A_558 : vector<16xi32>
        %parallel_loop3A_560 = vector.bitcast %parallel_loop3A_559 : vector<16xi32> to vector<16xf32>
        %parallel_loop3A_561 = arith.constant 16 : i32
        %parallel_loop3A_562 = vector.broadcast %parallel_loop3A_561 : i32 to vector<16xi32>
        %parallel_loop3A_563 = arith.shli %parallel_loop3A_555, %parallel_loop3A_562 : vector<16xi32>
        %parallel_loop3A_564 = vector.bitcast %parallel_loop3A_563 : vector<16xi32> to vector<16xf32>
        %parallel_loop3A_565 = arith.addf %parallel_loop3A_560, %parallel_loop3A_564 : vector<16xf32>
        %parallel_loop3A_566 = arith.constant 16 : i32
        %parallel_loop3A_567 = vector.broadcast %parallel_loop3A_566 : i32 to vector<16xi32>
        %parallel_loop3A_568 = arith.shli %parallel_loop3A_556, %parallel_loop3A_567 : vector<16xi32>
        %parallel_loop3A_569 = vector.bitcast %parallel_loop3A_568 : vector<16xi32> to vector<16xf32>
        %parallel_loop3A_570 = arith.addf %parallel_loop3A_565, %parallel_loop3A_569 : vector<16xf32>
        %parallel_loop3A_571 = vector.bitcast %parallel_loop3A_554 : vector<16xi32> to vector<16xf32>
        %parallel_loop3A_572 = vector.bitcast %parallel_loop3A_555 : vector<16xi32> to vector<16xf32>
        %parallel_loop3A_573 = arith.addf %parallel_loop3A_571, %parallel_loop3A_572 : vector<16xf32>
        %parallel_loop3A_574 = vector.bitcast %parallel_loop3A_556 : vector<16xi32> to vector<16xf32>
        %parallel_loop3A_575 = arith.addf %parallel_loop3A_573, %parallel_loop3A_574 : vector<16xf32>
        %parallel_loop3A_576 = arith.constant 0 : i32
        %parallel_loop3A_577 = arith.index_cast %parallel_loop3A_576 : i32 to index
        %parallel_loop3A_578 = arith.index_cast %parallel_loop3A_536 : i32 to index
        %parallel_loop3A_579 = arith.index_cast %parallel_loop3A_538 : i32 to index
        %parallel_loop3A_580 = tpu.vector_load %arg34[%parallel_loop3A_577, %parallel_loop3A_578, %parallel_loop3A_579] {strides = array<i32>} : memref<16x16x128xf32, #tpu.memory_space<vmem>>, vector<16xf32>,
        tpu.vector_store %arg34[%parallel_loop3A_577, %parallel_loop3A_578, %parallel_loop3A_579], %parallel_loop3A_570 {strides = array<i32>} : memref<16x16x128xf32, #tpu.memory_space<vmem>>, vector<16xf32>,
        %parallel_loop3A_581 = arith.constant 1 : i32
        %parallel_loop3A_582 = arith.index_cast %parallel_loop3A_581 : i32 to index
        %parallel_loop3A_583 = arith.index_cast %parallel_loop3A_536 : i32 to index
        %parallel_loop3A_584 = arith.index_cast %parallel_loop3A_538 : i32 to index
        %parallel_loop3A_585 = tpu.vector_load %arg34[%parallel_loop3A_582, %parallel_loop3A_583, %parallel_loop3A_584] {strides = array<i32>} : memref<16x16x128xf32, #tpu.memory_space<vmem>>, vector<16xf32>,
        tpu.vector_store %arg34[%parallel_loop3A_582, %parallel_loop3A_583, %parallel_loop3A_584], %parallel_loop3A_575 {strides = array<i32>} : memref<16x16x128xf32, #tpu.memory_space<vmem>>, vector<16xf32>,
        %parallel_loop3A_586 = tpu.vector_load_idx %arg8[%parallel_loop3A_543] : memref<1024xi32, #tpu.memory_space<vmem>>[vector<16xi32>], vector<16xi32>,
        %parallel_loop3A_587 = tpu.vector_load_idx %arg16[%parallel_loop3A_548] : memref<1024xi32, #tpu.memory_space<vmem>>[vector<16xi32>], vector<16xi32>,
        %parallel_loop3A_588 = tpu.vector_load_idx %arg24[%parallel_loop3A_553] : memref<1024xi32, #tpu.memory_space<vmem>>[vector<16xi32>], vector<16xi32>,
        %parallel_loop3A_589 = arith.constant 16 : i32
        %parallel_loop3A_590 = vector.broadcast %parallel_loop3A_589 : i32 to vector<16xi32>
        %parallel_loop3A_591 = arith.shli %parallel_loop3A_586, %parallel_loop3A_590 : vector<16xi32>
        %parallel_loop3A_592 = vector.bitcast %parallel_loop3A_591 : vector<16xi32> to vector<16xf32>
        %parallel_loop3A_593 = arith.constant 16 : i32
        %parallel_loop3A_594 = vector.broadcast %parallel_loop3A_593 : i32 to vector<16xi32>
        %parallel_loop3A_595 = arith.shli %parallel_loop3A_587, %parallel_loop3A_594 : vector<16xi32>
        %parallel_loop3A_596 = vector.bitcast %parallel_loop3A_595 : vector<16xi32> to vector<16xf32>
        %parallel_loop3A_597 = arith.addf %parallel_loop3A_592, %parallel_loop3A_596 : vector<16xf32>
        %parallel_loop3A_598 = arith.constant 16 : i32
        %parallel_loop3A_599 = vector.broadcast %parallel_loop3A_598 : i32 to vector<16xi32>
        %parallel_loop3A_600 = arith.shli %parallel_loop3A_588, %parallel_loop3A_599 : vector<16xi32>
        %parallel_loop3A_601 = vector.bitcast %parallel_loop3A_600 : vector<16xi32> to vector<16xf32>
        %parallel_loop3A_602 = arith.addf %parallel_loop3A_597, %parallel_loop3A_601 : vector<16xf32>
        %parallel_loop3A_603 = vector.bitcast %parallel_loop3A_586 : vector<16xi32> to vector<16xf32>
        %parallel_loop3A_604 = vector.bitcast %parallel_loop3A_587 : vector<16xi32> to vector<16xf32>
        %parallel_loop3A_605 = arith.addf %parallel_loop3A_603, %parallel_loop3A_604 : vector<16xf32>
        %parallel_loop3A_606 = vector.bitcast %parallel_loop3A_588 : vector<16xi32> to vector<16xf32>
        %parallel_loop3A_607 = arith.addf %parallel_loop3A_605, %parallel_loop3A_606 : vector<16xf32>
        %parallel_loop3A_608 = arith.constant 2 : i32
        %parallel_loop3A_609 = arith.index_cast %parallel_loop3A_608 : i32 to index
        %parallel_loop3A_610 = arith.index_cast %parallel_loop3A_536 : i32 to index
        %parallel_loop3A_611 = arith.index_cast %parallel_loop3A_538 : i32 to index
        %parallel_loop3A_612 = tpu.vector_load %arg34[%parallel_loop3A_609, %parallel_loop3A_610, %parallel_loop3A_611] {strides = array<i32>} : memref<16x16x128xf32, #tpu.memory_space<vmem>>, vector<16xf32>,
        tpu.vector_store %arg34[%parallel_loop3A_609, %parallel_loop3A_610, %parallel_loop3A_611], %parallel_loop3A_602 {strides = array<i32>} : memref<16x16x128xf32, #tpu.memory_space<vmem>>, vector<16xf32>,
        %parallel_loop3A_613 = arith.constant 3 : i32
        %parallel_loop3A_614 = arith.index_cast %parallel_loop3A_613 : i32 to index
        %parallel_loop3A_615 = arith.index_cast %parallel_loop3A_536 : i32 to index
        %parallel_loop3A_616 = arith.index_cast %parallel_loop3A_538 : i32 to index
        %parallel_loop3A_617 = tpu.vector_load %arg34[%parallel_loop3A_614, %parallel_loop3A_615, %parallel_loop3A_616] {strides = array<i32>} : memref<16x16x128xf32, #tpu.memory_space<vmem>>, vector<16xf32>,
        tpu.vector_store %arg34[%parallel_loop3A_614, %parallel_loop3A_615, %parallel_loop3A_616], %parallel_loop3A_607 {strides = array<i32>} : memref<16x16x128xf32, #tpu.memory_space<vmem>>, vector<16xf32>,
        %parallel_loop3A_618 = tpu.vector_load_idx %arg9[%parallel_loop3A_543] : memref<1024xi32, #tpu.memory_space<vmem>>[vector<16xi32>], vector<16xi32>,
        %parallel_loop3A_619 = tpu.vector_load_idx %arg17[%parallel_loop3A_548] : memref<1024xi32, #tpu.memory_space<vmem>>[vector<16xi32>], vector<16xi32>,
        %parallel_loop3A_620 = tpu.vector_load_idx %arg25[%parallel_loop3A_553] : memref<1024xi32, #tpu.memory_space<vmem>>[vector<16xi32>], vector<16xi32>,
        %parallel_loop3A_621 = arith.constant 16 : i32
        %parallel_loop3A_622 = vector.broadcast %parallel_loop3A_621 : i32 to vector<16xi32>
        %parallel_loop3A_623 = arith.shli %parallel_loop3A_618, %parallel_loop3A_622 : vector<16xi32>
        %parallel_loop3A_624 = vector.bitcast %parallel_loop3A_623 : vector<16xi32> to vector<16xf32>
        %parallel_loop3A_625 = arith.constant 16 : i32
        %parallel_loop3A_626 = vector.broadcast %parallel_loop3A_625 : i32 to vector<16xi32>
        %parallel_loop3A_627 = arith.shli %parallel_loop3A_619, %parallel_loop3A_626 : vector<16xi32>
        %parallel_loop3A_628 = vector.bitcast %parallel_loop3A_627 : vector<16xi32> to vector<16xf32>
        %parallel_loop3A_629 = arith.addf %parallel_loop3A_624, %parallel_loop3A_628 : vector<16xf32>
        %parallel_loop3A_630 = arith.constant 16 : i32
        %parallel_loop3A_631 = vector.broadcast %parallel_loop3A_630 : i32 to vector<16xi32>
        %parallel_loop3A_632 = arith.shli %parallel_loop3A_620, %parallel_loop3A_631 : vector<16xi32>
        %parallel_loop3A_633 = vector.bitcast %parallel_loop3A_632 : vector<16xi32> to vector<16xf32>
        %parallel_loop3A_634 = arith.addf %parallel_loop3A_629, %parallel_loop3A_633 : vector<16xf32>
        %parallel_loop3A_635 = vector.bitcast %parallel_loop3A_618 : vector<16xi32> to vector<16xf32>
        %parallel_loop3A_636 = vector.bitcast %parallel_loop3A_619 : vector<16xi32> to vector<16xf32>
        %parallel_loop3A_637 = arith.addf %parallel_loop3A_635, %parallel_loop3A_636 : vector<16xf32>
        %parallel_loop3A_638 = vector.bitcast %parallel_loop3A_620 : vector<16xi32> to vector<16xf32>
        %parallel_loop3A_639 = arith.addf %parallel_loop3A_637, %parallel_loop3A_638 : vector<16xf32>
        %parallel_loop3A_640 = arith.constant 4 : i32
        %parallel_loop3A_641 = arith.index_cast %parallel_loop3A_640 : i32 to index
        %parallel_loop3A_642 = arith.index_cast %parallel_loop3A_536 : i32 to index
        %parallel_loop3A_643 = arith.index_cast %parallel_loop3A_538 : i32 to index
        %parallel_loop3A_644 = tpu.vector_load %arg34[%parallel_loop3A_641, %parallel_loop3A_642, %parallel_loop3A_643] {strides = array<i32>} : memref<16x16x128xf32, #tpu.memory_space<vmem>>, vector<16xf32>,
        tpu.vector_store %arg34[%parallel_loop3A_641, %parallel_loop3A_642, %parallel_loop3A_643], %parallel_loop3A_634 {strides = array<i32>} : memref<16x16x128xf32, #tpu.memory_space<vmem>>, vector<16xf32>,
        %parallel_loop3A_645 = arith.constant 5 : i32
        %parallel_loop3A_646 = arith.index_cast %parallel_loop3A_645 : i32 to index
        %parallel_loop3A_647 = arith.index_cast %parallel_loop3A_536 : i32 to index
        %parallel_loop3A_648 = arith.index_cast %parallel_loop3A_538 : i32 to index
        %parallel_loop3A_649 = tpu.vector_load %arg34[%parallel_loop3A_646, %parallel_loop3A_647, %parallel_loop3A_648] {strides = array<i32>} : memref<16x16x128xf32, #tpu.memory_space<vmem>>, vector<16xf32>,
        tpu.vector_store %arg34[%parallel_loop3A_646, %parallel_loop3A_647, %parallel_loop3A_648], %parallel_loop3A_639 {strides = array<i32>} : memref<16x16x128xf32, #tpu.memory_space<vmem>>, vector<16xf32>,
        %parallel_loop3A_650 = tpu.vector_load_idx %arg10[%parallel_loop3A_543] : memref<1024xi32, #tpu.memory_space<vmem>>[vector<16xi32>], vector<16xi32>,
        %parallel_loop3A_651 = tpu.vector_load_idx %arg18[%parallel_loop3A_548] : memref<1024xi32, #tpu.memory_space<vmem>>[vector<16xi32>], vector<16xi32>,
        %parallel_loop3A_652 = tpu.vector_load_idx %arg26[%parallel_loop3A_553] : memref<1024xi32, #tpu.memory_space<vmem>>[vector<16xi32>], vector<16xi32>,
        %parallel_loop3A_653 = arith.constant 16 : i32
        %parallel_loop3A_654 = vector.broadcast %parallel_loop3A_653 : i32 to vector<16xi32>
        %parallel_loop3A_655 = arith.shli %parallel_loop3A_650, %parallel_loop3A_654 : vector<16xi32>
        %parallel_loop3A_656 = vector.bitcast %parallel_loop3A_655 : vector<16xi32> to vector<16xf32>
        %parallel_loop3A_657 = arith.constant 16 : i32
        %parallel_loop3A_658 = vector.broadcast %parallel_loop3A_657 : i32 to vector<16xi32>
        %parallel_loop3A_659 = arith.shli %parallel_loop3A_651, %parallel_loop3A_658 : vector<16xi32>
        %parallel_loop3A_660 = vector.bitcast %parallel_loop3A_659 : vector<16xi32> to vector<16xf32>
        %parallel_loop3A_661 = arith.addf %parallel_loop3A_656, %parallel_loop3A_660 : vector<16xf32>
        %parallel_loop3A_662 = arith.constant 16 : i32
        %parallel_loop3A_663 = vector.broadcast %parallel_loop3A_662 : i32 to vector<16xi32>
        %parallel_loop3A_664 = arith.shli %parallel_loop3A_652, %parallel_loop3A_663 : vector<16xi32>
        %parallel_loop3A_665 = vector.bitcast %parallel_loop3A_664 : vector<16xi32> to vector<16xf32>
        %parallel_loop3A_666 = arith.addf %parallel_loop3A_661, %parallel_loop3A_665 : vector<16xf32>
        %parallel_loop3A_667 = vector.bitcast %parallel_loop3A_650 : vector<16xi32> to vector<16xf32>
        %parallel_loop3A_668 = vector.bitcast %parallel_loop3A_651 : vector<16xi32> to vector<16xf32>
        %parallel_loop3A_669 = arith.addf %parallel_loop3A_667, %parallel_loop3A_668 : vector<16xf32>
        %parallel_loop3A_670 = vector.bitcast %parallel_loop3A_652 : vector<16xi32> to vector<16xf32>
        %parallel_loop3A_671 = arith.addf %parallel_loop3A_669, %parallel_loop3A_670 : vector<16xf32>
        %parallel_loop3A_672 = arith.constant 6 : i32
        %parallel_loop3A_673 = arith.index_cast %parallel_loop3A_672 : i32 to index
        %parallel_loop3A_674 = arith.index_cast %parallel_loop3A_536 : i32 to index
        %parallel_loop3A_675 = arith.index_cast %parallel_loop3A_538 : i32 to index
        %parallel_loop3A_676 = tpu.vector_load %arg34[%parallel_loop3A_673, %parallel_loop3A_674, %parallel_loop3A_675] {strides = array<i32>} : memref<16x16x128xf32, #tpu.memory_space<vmem>>, vector<16xf32>,
        tpu.vector_store %arg34[%parallel_loop3A_673, %parallel_loop3A_674, %parallel_loop3A_675], %parallel_loop3A_666 {strides = array<i32>} : memref<16x16x128xf32, #tpu.memory_space<vmem>>, vector<16xf32>,
        %parallel_loop3A_677 = arith.constant 7 : i32
        %parallel_loop3A_678 = arith.index_cast %parallel_loop3A_677 : i32 to index
        %parallel_loop3A_679 = arith.index_cast %parallel_loop3A_536 : i32 to index
        %parallel_loop3A_680 = arith.index_cast %parallel_loop3A_538 : i32 to index
        %parallel_loop3A_681 = tpu.vector_load %arg34[%parallel_loop3A_678, %parallel_loop3A_679, %parallel_loop3A_680] {strides = array<i32>} : memref<16x16x128xf32, #tpu.memory_space<vmem>>, vector<16xf32>,
        tpu.vector_store %arg34[%parallel_loop3A_678, %parallel_loop3A_679, %parallel_loop3A_680], %parallel_loop3A_671 {strides = array<i32>} : memref<16x16x128xf32, #tpu.memory_space<vmem>>, vector<16xf32>,
        %parallel_loop3A_682 = tpu.vector_load_idx %arg11[%parallel_loop3A_543] : memref<1024xi32, #tpu.memory_space<vmem>>[vector<16xi32>], vector<16xi32>,
        %parallel_loop3A_683 = tpu.vector_load_idx %arg19[%parallel_loop3A_548] : memref<1024xi32, #tpu.memory_space<vmem>>[vector<16xi32>], vector<16xi32>,
        %parallel_loop3A_684 = tpu.vector_load_idx %arg27[%parallel_loop3A_553] : memref<1024xi32, #tpu.memory_space<vmem>>[vector<16xi32>], vector<16xi32>,
        %parallel_loop3A_685 = arith.constant 16 : i32
        %parallel_loop3A_686 = vector.broadcast %parallel_loop3A_685 : i32 to vector<16xi32>
        %parallel_loop3A_687 = arith.shli %parallel_loop3A_682, %parallel_loop3A_686 : vector<16xi32>
        %parallel_loop3A_688 = vector.bitcast %parallel_loop3A_687 : vector<16xi32> to vector<16xf32>
        %parallel_loop3A_689 = arith.constant 16 : i32
        %parallel_loop3A_690 = vector.broadcast %parallel_loop3A_689 : i32 to vector<16xi32>
        %parallel_loop3A_691 = arith.shli %parallel_loop3A_683, %parallel_loop3A_690 : vector<16xi32>
        %parallel_loop3A_692 = vector.bitcast %parallel_loop3A_691 : vector<16xi32> to vector<16xf32>
        %parallel_loop3A_693 = arith.addf %parallel_loop3A_688, %parallel_loop3A_692 : vector<16xf32>
        %parallel_loop3A_694 = arith.constant 16 : i32
        %parallel_loop3A_695 = vector.broadcast %parallel_loop3A_694 : i32 to vector<16xi32>
        %parallel_loop3A_696 = arith.shli %parallel_loop3A_684, %parallel_loop3A_695 : vector<16xi32>
        %parallel_loop3A_697 = vector.bitcast %parallel_loop3A_696 : vector<16xi32> to vector<16xf32>
        %parallel_loop3A_698 = arith.addf %parallel_loop3A_693, %parallel_loop3A_697 : vector<16xf32>
        %parallel_loop3A_699 = vector.bitcast %parallel_loop3A_682 : vector<16xi32> to vector<16xf32>
        %parallel_loop3A_700 = vector.bitcast %parallel_loop3A_683 : vector<16xi32> to vector<16xf32>
        %parallel_loop3A_701 = arith.addf %parallel_loop3A_699, %parallel_loop3A_700 : vector<16xf32>
        %parallel_loop3A_702 = vector.bitcast %parallel_loop3A_684 : vector<16xi32> to vector<16xf32>
        %parallel_loop3A_703 = arith.addf %parallel_loop3A_701, %parallel_loop3A_702 : vector<16xf32>
        %parallel_loop3A_704 = arith.constant 8 : i32
        %parallel_loop3A_705 = arith.index_cast %parallel_loop3A_704 : i32 to index
        %parallel_loop3A_706 = arith.index_cast %parallel_loop3A_536 : i32 to index
        %parallel_loop3A_707 = arith.index_cast %parallel_loop3A_538 : i32 to index
        %parallel_loop3A_708 = tpu.vector_load %arg34[%parallel_loop3A_705, %parallel_loop3A_706, %parallel_loop3A_707] {strides = array<i32>} : memref<16x16x128xf32, #tpu.memory_space<vmem>>, vector<16xf32>,
        tpu.vector_store %arg34[%parallel_loop3A_705, %parallel_loop3A_706, %parallel_loop3A_707], %parallel_loop3A_698 {strides = array<i32>} : memref<16x16x128xf32, #tpu.memory_space<vmem>>, vector<16xf32>,
        %parallel_loop3A_709 = arith.constant 9 : i32
        %parallel_loop3A_710 = arith.index_cast %parallel_loop3A_709 : i32 to index
        %parallel_loop3A_711 = arith.index_cast %parallel_loop3A_536 : i32 to index
        %parallel_loop3A_712 = arith.index_cast %parallel_loop3A_538 : i32 to index
        %parallel_loop3A_713 = tpu.vector_load %arg34[%parallel_loop3A_710, %parallel_loop3A_711, %parallel_loop3A_712] {strides = array<i32>} : memref<16x16x128xf32, #tpu.memory_space<vmem>>, vector<16xf32>,
        tpu.vector_store %arg34[%parallel_loop3A_710, %parallel_loop3A_711, %parallel_loop3A_712], %parallel_loop3A_703 {strides = array<i32>} : memref<16x16x128xf32, #tpu.memory_space<vmem>>, vector<16xf32>,
        %parallel_loop3A_714 = tpu.vector_load_idx %arg12[%parallel_loop3A_543] : memref<1024xi32, #tpu.memory_space<vmem>>[vector<16xi32>], vector<16xi32>,
        %parallel_loop3A_715 = tpu.vector_load_idx %arg20[%parallel_loop3A_548] : memref<1024xi32, #tpu.memory_space<vmem>>[vector<16xi32>], vector<16xi32>,
        %parallel_loop3A_716 = tpu.vector_load_idx %arg28[%parallel_loop3A_553] : memref<1024xi32, #tpu.memory_space<vmem>>[vector<16xi32>], vector<16xi32>,
        %parallel_loop3A_717 = arith.constant 16 : i32
        %parallel_loop3A_718 = vector.broadcast %parallel_loop3A_717 : i32 to vector<16xi32>
        %parallel_loop3A_719 = arith.shli %parallel_loop3A_714, %parallel_loop3A_718 : vector<16xi32>
        %parallel_loop3A_720 = vector.bitcast %parallel_loop3A_719 : vector<16xi32> to vector<16xf32>
        %parallel_loop3A_721 = arith.constant 16 : i32
        %parallel_loop3A_722 = vector.broadcast %parallel_loop3A_721 : i32 to vector<16xi32>
        %parallel_loop3A_723 = arith.shli %parallel_loop3A_715, %parallel_loop3A_722 : vector<16xi32>
        %parallel_loop3A_724 = vector.bitcast %parallel_loop3A_723 : vector<16xi32> to vector<16xf32>
        %parallel_loop3A_725 = arith.addf %parallel_loop3A_720, %parallel_loop3A_724 : vector<16xf32>
        %parallel_loop3A_726 = arith.constant 16 : i32
        %parallel_loop3A_727 = vector.broadcast %parallel_loop3A_726 : i32 to vector<16xi32>
        %parallel_loop3A_728 = arith.shli %parallel_loop3A_716, %parallel_loop3A_727 : vector<16xi32>
        %parallel_loop3A_729 = vector.bitcast %parallel_loop3A_728 : vector<16xi32> to vector<16xf32>
        %parallel_loop3A_730 = arith.addf %parallel_loop3A_725, %parallel_loop3A_729 : vector<16xf32>
        %parallel_loop3A_731 = vector.bitcast %parallel_loop3A_714 : vector<16xi32> to vector<16xf32>
        %parallel_loop3A_732 = vector.bitcast %parallel_loop3A_715 : vector<16xi32> to vector<16xf32>
        %parallel_loop3A_733 = arith.addf %parallel_loop3A_731, %parallel_loop3A_732 : vector<16xf32>
        %parallel_loop3A_734 = vector.bitcast %parallel_loop3A_716 : vector<16xi32> to vector<16xf32>
        %parallel_loop3A_735 = arith.addf %parallel_loop3A_733, %parallel_loop3A_734 : vector<16xf32>
        %parallel_loop3A_736 = arith.constant 10 : i32
        %parallel_loop3A_737 = arith.index_cast %parallel_loop3A_736 : i32 to index
        %parallel_loop3A_738 = arith.index_cast %parallel_loop3A_536 : i32 to index
        %parallel_loop3A_739 = arith.index_cast %parallel_loop3A_538 : i32 to index
        %parallel_loop3A_740 = tpu.vector_load %arg34[%parallel_loop3A_737, %parallel_loop3A_738, %parallel_loop3A_739] {strides = array<i32>} : memref<16x16x128xf32, #tpu.memory_space<vmem>>, vector<16xf32>,
        tpu.vector_store %arg34[%parallel_loop3A_737, %parallel_loop3A_738, %parallel_loop3A_739], %parallel_loop3A_730 {strides = array<i32>} : memref<16x16x128xf32, #tpu.memory_space<vmem>>, vector<16xf32>,
        %parallel_loop3A_741 = arith.constant 11 : i32
        %parallel_loop3A_742 = arith.index_cast %parallel_loop3A_741 : i32 to index
        %parallel_loop3A_743 = arith.index_cast %parallel_loop3A_536 : i32 to index
        %parallel_loop3A_744 = arith.index_cast %parallel_loop3A_538 : i32 to index
        %parallel_loop3A_745 = tpu.vector_load %arg34[%parallel_loop3A_742, %parallel_loop3A_743, %parallel_loop3A_744] {strides = array<i32>} : memref<16x16x128xf32, #tpu.memory_space<vmem>>, vector<16xf32>,
        tpu.vector_store %arg34[%parallel_loop3A_742, %parallel_loop3A_743, %parallel_loop3A_744], %parallel_loop3A_735 {strides = array<i32>} : memref<16x16x128xf32, #tpu.memory_space<vmem>>, vector<16xf32>,
        %parallel_loop3A_746 = tpu.vector_load_idx %arg13[%parallel_loop3A_543] : memref<1024xi32, #tpu.memory_space<vmem>>[vector<16xi32>], vector<16xi32>,
        %parallel_loop3A_747 = tpu.vector_load_idx %arg21[%parallel_loop3A_548] : memref<1024xi32, #tpu.memory_space<vmem>>[vector<16xi32>], vector<16xi32>,
        %parallel_loop3A_748 = tpu.vector_load_idx %arg29[%parallel_loop3A_553] : memref<1024xi32, #tpu.memory_space<vmem>>[vector<16xi32>], vector<16xi32>,
        %parallel_loop3A_749 = arith.constant 16 : i32
        %parallel_loop3A_750 = vector.broadcast %parallel_loop3A_749 : i32 to vector<16xi32>
        %parallel_loop3A_751 = arith.shli %parallel_loop3A_746, %parallel_loop3A_750 : vector<16xi32>
        %parallel_loop3A_752 = vector.bitcast %parallel_loop3A_751 : vector<16xi32> to vector<16xf32>
        %parallel_loop3A_753 = arith.constant 16 : i32
        %parallel_loop3A_754 = vector.broadcast %parallel_loop3A_753 : i32 to vector<16xi32>
        %parallel_loop3A_755 = arith.shli %parallel_loop3A_747, %parallel_loop3A_754 : vector<16xi32>
        %parallel_loop3A_756 = vector.bitcast %parallel_loop3A_755 : vector<16xi32> to vector<16xf32>
        %parallel_loop3A_757 = arith.addf %parallel_loop3A_752, %parallel_loop3A_756 : vector<16xf32>
        %parallel_loop3A_758 = arith.constant 16 : i32
        %parallel_loop3A_759 = vector.broadcast %parallel_loop3A_758 : i32 to vector<16xi32>
        %parallel_loop3A_760 = arith.shli %parallel_loop3A_748, %parallel_loop3A_759 : vector<16xi32>
        %parallel_loop3A_761 = vector.bitcast %parallel_loop3A_760 : vector<16xi32> to vector<16xf32>
        %parallel_loop3A_762 = arith.addf %parallel_loop3A_757, %parallel_loop3A_761 : vector<16xf32>
        %parallel_loop3A_763 = vector.bitcast %parallel_loop3A_746 : vector<16xi32> to vector<16xf32>
        %parallel_loop3A_764 = vector.bitcast %parallel_loop3A_747 : vector<16xi32> to vector<16xf32>
        %parallel_loop3A_765 = arith.addf %parallel_loop3A_763, %parallel_loop3A_764 : vector<16xf32>
        %parallel_loop3A_766 = vector.bitcast %parallel_loop3A_748 : vector<16xi32> to vector<16xf32>
        %parallel_loop3A_767 = arith.addf %parallel_loop3A_765, %parallel_loop3A_766 : vector<16xf32>
        %parallel_loop3A_768 = arith.constant 12 : i32
        %parallel_loop3A_769 = arith.index_cast %parallel_loop3A_768 : i32 to index
        %parallel_loop3A_770 = arith.index_cast %parallel_loop3A_536 : i32 to index
        %parallel_loop3A_771 = arith.index_cast %parallel_loop3A_538 : i32 to index
        %parallel_loop3A_772 = tpu.vector_load %arg34[%parallel_loop3A_769, %parallel_loop3A_770, %parallel_loop3A_771] {strides = array<i32>} : memref<16x16x128xf32, #tpu.memory_space<vmem>>, vector<16xf32>,
        tpu.vector_store %arg34[%parallel_loop3A_769, %parallel_loop3A_770, %parallel_loop3A_771], %parallel_loop3A_762 {strides = array<i32>} : memref<16x16x128xf32, #tpu.memory_space<vmem>>, vector<16xf32>,
        %parallel_loop3A_773 = arith.constant 13 : i32
        %parallel_loop3A_774 = arith.index_cast %parallel_loop3A_773 : i32 to index
        %parallel_loop3A_775 = arith.index_cast %parallel_loop3A_536 : i32 to index
        %parallel_loop3A_776 = arith.index_cast %parallel_loop3A_538 : i32 to index
        %parallel_loop3A_777 = tpu.vector_load %arg34[%parallel_loop3A_774, %parallel_loop3A_775, %parallel_loop3A_776] {strides = array<i32>} : memref<16x16x128xf32, #tpu.memory_space<vmem>>, vector<16xf32>,
        tpu.vector_store %arg34[%parallel_loop3A_774, %parallel_loop3A_775, %parallel_loop3A_776], %parallel_loop3A_767 {strides = array<i32>} : memref<16x16x128xf32, #tpu.memory_space<vmem>>, vector<16xf32>,
        %parallel_loop3A_778 = tpu.vector_load_idx %arg14[%parallel_loop3A_543] : memref<1024xi32, #tpu.memory_space<vmem>>[vector<16xi32>], vector<16xi32>,
        %parallel_loop3A_779 = tpu.vector_load_idx %arg22[%parallel_loop3A_548] : memref<1024xi32, #tpu.memory_space<vmem>>[vector<16xi32>], vector<16xi32>,
        %parallel_loop3A_780 = tpu.vector_load_idx %arg30[%parallel_loop3A_553] : memref<1024xi32, #tpu.memory_space<vmem>>[vector<16xi32>], vector<16xi32>,
        %parallel_loop3A_781 = arith.constant 16 : i32
        %parallel_loop3A_782 = vector.broadcast %parallel_loop3A_781 : i32 to vector<16xi32>
        %parallel_loop3A_783 = arith.shli %parallel_loop3A_778, %parallel_loop3A_782 : vector<16xi32>
        %parallel_loop3A_784 = vector.bitcast %parallel_loop3A_783 : vector<16xi32> to vector<16xf32>
        %parallel_loop3A_785 = arith.constant 16 : i32
        %parallel_loop3A_786 = vector.broadcast %parallel_loop3A_785 : i32 to vector<16xi32>
        %parallel_loop3A_787 = arith.shli %parallel_loop3A_779, %parallel_loop3A_786 : vector<16xi32>
        %parallel_loop3A_788 = vector.bitcast %parallel_loop3A_787 : vector<16xi32> to vector<16xf32>
        %parallel_loop3A_789 = arith.addf %parallel_loop3A_784, %parallel_loop3A_788 : vector<16xf32>
        %parallel_loop3A_790 = arith.constant 16 : i32
        %parallel_loop3A_791 = vector.broadcast %parallel_loop3A_790 : i32 to vector<16xi32>
        %parallel_loop3A_792 = arith.shli %parallel_loop3A_780, %parallel_loop3A_791 : vector<16xi32>
        %parallel_loop3A_793 = vector.bitcast %parallel_loop3A_792 : vector<16xi32> to vector<16xf32>
        %parallel_loop3A_794 = arith.addf %parallel_loop3A_789, %parallel_loop3A_793 : vector<16xf32>
        %parallel_loop3A_795 = vector.bitcast %parallel_loop3A_778 : vector<16xi32> to vector<16xf32>
        %parallel_loop3A_796 = vector.bitcast %parallel_loop3A_779 : vector<16xi32> to vector<16xf32>
        %parallel_loop3A_797 = arith.addf %parallel_loop3A_795, %parallel_loop3A_796 : vector<16xf32>
        %parallel_loop3A_798 = vector.bitcast %parallel_loop3A_780 : vector<16xi32> to vector<16xf32>
        %parallel_loop3A_799 = arith.addf %parallel_loop3A_797, %parallel_loop3A_798 : vector<16xf32>
        %parallel_loop3A_800 = arith.constant 14 : i32
        %parallel_loop3A_801 = arith.index_cast %parallel_loop3A_800 : i32 to index
        %parallel_loop3A_802 = arith.index_cast %parallel_loop3A_536 : i32 to index
        %parallel_loop3A_803 = arith.index_cast %parallel_loop3A_538 : i32 to index
        %parallel_loop3A_804 = tpu.vector_load %arg34[%parallel_loop3A_801, %parallel_loop3A_802, %parallel_loop3A_803] {strides = array<i32>} : memref<16x16x128xf32, #tpu.memory_space<vmem>>, vector<16xf32>,
        tpu.vector_store %arg34[%parallel_loop3A_801, %parallel_loop3A_802, %parallel_loop3A_803], %parallel_loop3A_794 {strides = array<i32>} : memref<16x16x128xf32, #tpu.memory_space<vmem>>, vector<16xf32>,
        %parallel_loop3A_805 = arith.constant 15 : i32
        %parallel_loop3A_806 = arith.index_cast %parallel_loop3A_805 : i32 to index
        %parallel_loop3A_807 = arith.index_cast %parallel_loop3A_536 : i32 to index
        %parallel_loop3A_808 = arith.index_cast %parallel_loop3A_538 : i32 to index
        %parallel_loop3A_809 = tpu.vector_load %arg34[%parallel_loop3A_806, %parallel_loop3A_807, %parallel_loop3A_808] {strides = array<i32>} : memref<16x16x128xf32, #tpu.memory_space<vmem>>, vector<16xf32>,
        tpu.vector_store %arg34[%parallel_loop3A_806, %parallel_loop3A_807, %parallel_loop3A_808], %parallel_loop3A_799 {strides = array<i32>} : memref<16x16x128xf32, #tpu.memory_space<vmem>>, vector<16xf32>,
      } {sc.loop_unroll_factor = 4 : i64, sc.parallel_access}
      %dma_start3A_489 = arith.constant 16 : i32
      %dma_start3A_490 = tpu.memref_slice %arg6[%mul3A_11, %scan3A_320, %dma_start3A_489, %mul3A_34] : memref<64x32x32x1024xf32, #tpu.memory_space<hbm>> -> memref<16x1x16x128xf32, #tpu.memory_space<hbm>>
      %dma_start3A_491 = tpu.memref_squeeze %dma_start3A_490 : memref<16x1x16x128xf32, #tpu.memory_space<hbm>> -> memref<16x16x128xf32, #tpu.memory_space<hbm>>
      %dma_start3A_492 = arith.constant 16 : i32
      %dma_start3A_493 = tpu.memref_slice %arg6[%mul3A_11, %scan3A_320, %dma_start3A_492, %mul3A_34] : memref<64x32x32x1024xf32, #tpu.memory_space<hbm>> -> memref<16x1x16x128xf32, #tpu.memory_space<hbm>>
      %dma_start3A_494 = tpu.memref_squeeze %dma_start3A_493 : memref<16x1x16x128xf32, #tpu.memory_space<hbm>> -> memref<16x16x128xf32, #tpu.memory_space<hbm>>
      tpu.enqueue_dma source(%arg34 : memref<16x16x128xf32, #tpu.memory_space<vmem>>) target(%dma_start3A_494 : memref<16x16x128xf32, #tpu.memory_space<hbm>>) target_semaphore(%arg36 : memref<!tpu.dma_semaphore, #tpu.memory_space<semaphore_mem>>)
      %scan3A_495 = arith.constant 0 : i32
      scf.yield %scan3A_495 : i32
    }
    %scan3A_305 = arith.constant 32 : i32
    %dma_wait3A_306 = arith.constant 0 : i32
    %dma_wait3A_307 = arith.constant 0 : i32
    %dma_wait3A_308 = tpu.memref_slice %arg6[%mul3A_11, %dma_wait3A_306, %dma_wait3A_307, %mul3A_34] : memref<64x32x32x1024xf32, #tpu.memory_space<hbm>> -> memref<16x1x16x128xf32, #tpu.memory_space<hbm>>
    %dma_wait3A_309 = tpu.memref_squeeze %dma_wait3A_308 : memref<16x1x16x128xf32, #tpu.memory_space<hbm>> -> memref<16x16x128xf32, #tpu.memory_space<hbm>>
    %dma_wait3A_310 = arith.constant 0 : i32
    %dma_wait3A_311 = tpu.memref_slice %arg6[%mul3A_11, %dma_wait3A_306, %dma_wait3A_310, %mul3A_34] : memref<64x32x32x1024xf32, #tpu.memory_space<hbm>> -> memref<16x1x16x128xf32, #tpu.memory_space<hbm>>
    %dma_wait3A_312 = tpu.memref_squeeze %dma_wait3A_311 : memref<16x1x16x128xf32, #tpu.memory_space<hbm>> -> memref<16x16x128xf32, #tpu.memory_space<hbm>>
    tpu.wait_dma2 semaphore(%arg36 : memref<!tpu.dma_semaphore, #tpu.memory_space<semaphore_mem>>) src(%arg33 : memref<16x16x128xf32, #tpu.memory_space<vmem>>) dst(%dma_wait3A_312 : memref<16x16x128xf32, #tpu.memory_space<hbm>>)
    %dma_wait3A_313 = arith.constant 0 : i32
    %dma_wait3A_314 = arith.constant 0 : i32
    %dma_wait3A_315 = tpu.memref_slice %arg6[%mul3A_11, %dma_wait3A_313, %dma_wait3A_314, %mul3A_34] : memref<64x32x32x1024xf32, #tpu.memory_space<hbm>> -> memref<16x1x16x128xf32, #tpu.memory_space<hbm>>
    %dma_wait3A_316 = tpu.memref_squeeze %dma_wait3A_315 : memref<16x1x16x128xf32, #tpu.memory_space<hbm>> -> memref<16x16x128xf32, #tpu.memory_space<hbm>>
    %dma_wait3A_317 = arith.constant 0 : i32
    %dma_wait3A_318 = tpu.memref_slice %arg6[%mul3A_11, %dma_wait3A_313, %dma_wait3A_317, %mul3A_34] : memref<64x32x32x1024xf32, #tpu.memory_space<hbm>> -> memref<16x1x16x128xf32, #tpu.memory_space<hbm>>
    %dma_wait3A_319 = tpu.memref_squeeze %dma_wait3A_318 : memref<16x1x16x128xf32, #tpu.memory_space<hbm>> -> memref<16x16x128xf32, #tpu.memory_space<hbm>>
    tpu.wait_dma2 semaphore(%arg36 : memref<!tpu.dma_semaphore, #tpu.memory_space<semaphore_mem>>) src(%arg34 : memref<16x16x128xf32, #tpu.memory_space<vmem>>) dst(%dma_wait3A_319 : memref<16x16x128xf32, #tpu.memory_space<hbm>>)
    return
  }
}

</mosaic_0001>

<sc_bundles>
// kernel: kernel.3.cloned.1.call-start
scs
__scs_entry_jumppad:
0x0: {  	(pc) =	sbr.rel $0x88, $3  }
0x1: {  	(tag) =	ssettag $0x0;
	lr =	simm.s32 $0x1  }
0x2: {  	[smem:$0x3F9D] =	sst lr;
	_ =	strace $0xD0000000  }
0x3: {  	_ = 	snop  }
0x4: {  	_ = 	snop  }
0x5: {  	_ = 	snop  }
0x6: {  	_ = 	snop  }
0x7: {  	_ = 	snop  }
__scs_overlays_trampoline_lowered:
0x8: {  	[smem:$0x3FAC] =	sst s0  }
0x9: {  	[smem:$0x3FAD] =	sst s1  }
0xa: {  	[smem:$0x3FAE] =	sst s2  }
0xb: {  	[smem:$0x3FAF] =	sst s3  }
0xc: {  	[smem:$0x3FB0] =	sst s4  }
0xd: {  	[smem:$0x3FB1] =	sst s5  }
0xe: {  	[smem:$0x3FB2] =	sst s6  }
0xf: {  	[smem:$0x3FB3] =	sst s7  }
0x10: {  	[smem:$0x3FB4] =	sst s8  }
0x11: {  	[smem:$0x3FB5] =	sst s9;
	s0 =	simm.s32 @!p0 $0x0  }
0x12: {  	s1 =	sld [smem:$0x3F9B];
	s0 =	simm.s32 @p0 $0x1  }
0x13: {  	[smem:$0x3FB6] =	sst s0;
	s0 =	simm.s32 @!p1 $0x0  }
0x14: {  	s2 =	sld [smem:$0x3F9A];
	s0 =	simm.s32 @p1 $0x1  }
0x15: {  	[smem:$0x3FB7] =	sst s0;
	s0 =	simm.s32 @!p2 $0x0  }
0x16: {  	s3 =	sld [smem:$0x3FDB];
	s0 =	simm.s32 @p2 $0x1  }
0x17: {  	s4 =	simm.s32 $0x1BF5;
	[smem:$0x3FB9] =	sst s0  }
0x18: {  	s0 =	sld [smem:$0x3F9C];
	_ =	swait.ge [sflag:s4], $0x0  }
0x19: {  	s7 =	sld [smem:$0x3F9D]  }
0x1a: {  	s8 =	sadd.s32 $0xFFFFE003, lr  }
0x1b: {  	s9 =	sadd.s32 $0xFFFFFEF7, lr;
	s5 =	simm.s32 $0xFFFFFFFF;
	p2 =	slt.u32 s8, $0xFFFFF086  }
0x1c: {  	p1 =	slt.u32 s9, $0xF7A;
	s5 =	simm.s32 @!p2 $0x0  }
0x1d: {  	s5 =	simm.s32 @p1 $0x1;
	p0 =	seq.s32 s7, s2  }
0x1e: {  	s7 =	smul.u32 @!p0 $0xF7A, s2;
	p2 =	seq.s32 @!p0 s5, $0x0  }
0x1f: {  	s9 =	smul.u32 $0xF7A, s1;
	s8 =	simm.s32 @!p0 $0x1BF5;
	p2 =	por !p2, p0  }
0x20: {  	[sflag:s8] =	ssyncset.s32 @!p0 $0xFFFFF086;
	s6 =	sadd.s32 @!p0 s3, s7;
	s7 =	simm.s32 @!p0 $0x108  }
0x21: {  	s3 =	sadd.s32 s3, s9;
	s6 =	sadd.s32 @!p0 $0x88, s6;
	s7 =	simm.s32 @p2 $0x1082  }
0x22: {  	[simem:s7], [sflag:s8] =	dma.local @!p0 [hbm:s6], $0xF7A  }
0x23: {  	s9 =	sor.u32 $0xD0000000, s2;
	s6 =	simm.s32 $0x108;
	_ =	swait.ge @!p0 [sflag:s8], $0x0  }
0x24: {  	s3 =	sadd.s32 $0x88, s3;
	s6 =	simm.s32 @!p1 $0x1082;
	[sflag:s4] =	ssyncset.s32 $0xFFFFF086  }
0x25: {  	[simem:s6], [sflag:s4] =	dma.local [hbm:s3], $0xF7A  }
0x26: {  	[smem:$0x3F9D] =	sst s1;
	(tag) =	ssettag s2;
	_ =	strace s9  }
0x27: {  	s1 =	sld [smem:$0x3FAD]  }
0x28: {  	s2 =	sld [smem:$0x3FAE]  }
0x29: {  	s4 =	sld [smem:$0x3FB0]  }
0x2a: {  	p0 =	seq.s32 s5, $0x0;
	s5 =	sld [smem:$0x3FB1]  }
0x2b: {  	s6 =	sld [smem:$0x3FB2]  }
0x2c: {  	s7 =	sld [smem:$0x3FB3]  }
0x2d: {  	s3 =	simm.s32 $0x108;
	s8 =	sld [smem:$0x3FB4]  }
0x2e: {  	s3 =	simm.s32 @!p0 $0x1082;
	s9 =	sld [smem:$0x3FB5]  }
0x2f: {  	lr =	sadd.s32 s0, s3;
	s0 =	sld [smem:$0x3FAC]  }
0x30: {  	s3 =	sld [smem:$0x3FAF]  }
0x31: {  	[smem:$0x3FB8] =	sst s10  }
0x32: {  	s10 =	sld [smem:$0x3FB6];
	_ =	sdelay $0x3  }
0x33: {  	p0 =	seq.s32 s10, $0x1;
	s10 =	sld [smem:$0x3FB8];
	_ =	sdelay $0x3  }
0x34: {  	[smem:$0x3FB8] =	sst s10  }
0x35: {  	s10 =	sld [smem:$0x3FB7];
	_ =	sdelay $0x3  }
0x36: {  	p1 =	seq.s32 s10, $0x1;
	s10 =	sld [smem:$0x3FB8];
	_ =	sdelay $0x3  }
0x37: {  	[smem:$0x3FB8] =	sst s10  }
0x38: {  	s10 =	sld [smem:$0x3FB9]  }
0x39: {  	_ = 	snop;
	(pc) =	sbr.ind lr, $3  }
0x3a: {  	_ = 	snop  }
0x3b: {  	_ = 	snop  }
0x3c: {  	p2 =	seq.s32 s10, $0x1;
	s10 =	sld [smem:$0x3FB8]  }
0x3d: {  	_ =	shalt  }
0x3e: {  	_ =	shalt  }
0x3f: {  	_ =	shalt  }
0x40: {  	_ =	shalt  }
0x41: {  	_ =	shalt  }
0x42: {  	_ =	shalt  }
0x43: {  	_ =	shalt  }
0x44: {  	_ =	shalt  }
0x45: {  	_ =	shalt  }
0x46: {  	_ =	shalt  }
0x47: {  	_ =	shalt  }
0x48: {  	_ =	shalt  }
0x49: {  	_ =	shalt  }
0x4a: {  	_ =	shalt  }
0x4b: {  	_ =	shalt  }
0x4c: {  	_ =	shalt  }
0x4d: {  	_ =	shalt  }
0x4e: {  	_ =	shalt  }
0x4f: {  	_ =	shalt  }
0x50: {  	_ =	shalt  }
0x51: {  	_ =	shalt  }
0x52: {  	_ =	shalt  }
0x53: {  	_ =	shalt  }
0x54: {  	_ =	shalt  }
0x55: {  	_ =	shalt  }
0x56: {  	_ =	shalt  }
0x57: {  	_ =	shalt  }
0x58: {  	_ =	shalt  }
0x59: {  	_ =	shalt  }
0x5a: {  	_ =	shalt  }
0x5b: {  	_ =	shalt  }
0x5c: {  	_ =	shalt  }
0x5d: {  	_ =	shalt  }
0x5e: {  	_ =	shalt  }
0x5f: {  	_ =	shalt  }
0x60: {  	_ =	shalt  }
0x61: {  	_ =	shalt  }
0x62: {  	_ =	shalt  }
0x63: {  	_ =	shalt  }
0x64: {  	_ =	shalt  }
0x65: {  	_ =	shalt  }
0x66: {  	_ =	shalt  }
0x67: {  	_ =	shalt  }
0x68: {  	_ =	shalt  }
0x69: {  	_ =	shalt  }
0x6a: {  	_ =	shalt  }
0x6b: {  	_ =	shalt  }
0x6c: {  	_ =	shalt  }
0x6d: {  	_ =	shalt  }
0x6e: {  	_ =	shalt  }
0x6f: {  	_ =	shalt  }
0x70: {  	_ =	shalt  }
0x71: {  	_ =	shalt  }
0x72: {  	_ =	shalt  }
0x73: {  	_ =	shalt  }
0x74: {  	_ =	shalt  }
0x75: {  	_ =	shalt  }
0x76: {  	_ =	shalt  }
0x77: {  	_ =	shalt  }
0x78: {  	_ =	shalt  }
0x79: {  	_ =	shalt  }
0x7a: {  	_ =	shalt  }
0x7b: {  	_ =	shalt  }
0x7c: {  	_ =	shalt  }
0x7d: {  	_ =	shalt  }
0x7e: {  	_ =	shalt  }
0x7f: {  	_ =	shalt  }
0x80: {  	_ =	shalt  }
0x81: {  	_ =	shalt  }
0x82: {  	_ =	shalt  }
0x83: {  	_ =	shalt  }
0x84: {  	_ =	shalt  }
0x85: {  	_ =	shalt  }
0x86: {  	_ =	shalt  }
0x87: {  	_ =	shalt  }
.Lfunc_end0:
.L_simem_size_0:
called_computation_lowered:
.L_overlay_start_0:
0x88: {  	s2 =	sld [smem:$0x3FD9]  }
0x89: {  	s3 =	sld [smem:$0x3FFE];
	_ =	sdelay $0x1  }
0x8a: {  	s1 =	srdreg.scid  }
0x8b: {  	s0 =	sand.u32 $0x1, s1  }
0x8c: {  	s17 =	sshll.u32 s0, $0xA;
	s2 =	sadd.s32 s3, s2  }
0x8d: {  	s2 =	sadd.s32 s2, s17  }
0x8e: {  	[smem:$0x3FC4] =	sst s2  }
0x8f: {  	_ = 	snop  }
0x90: {  	s2 =	sld [smem:$0x3FC9]  }
0x91: {  	s18 =	sld [smem:$0x3FD0];
	(tm) =	ssettm $0x1  }
0x92: {  	s4 =	sld [smem:$0x3FFB];
	_ =	sdelay $0x3  }
0x93: {  	_ =	strace s4  }
0x94: {  	s4 =	sld [smem:$0x3FFC];
	_ =	sdelay $0x3  }
0x95: {  	_ =	strace s4  }
0x96: {  	s4 =	sld [smem:$0x3FFD];
	_ =	sdelay $0x3  }
0x97: {  	_ =	strace s4  }
0x98: {  	_ =	strace $0x8FFFFFFF  }
0x99: {  	s19 =	sld [smem:$0x3FDB];
	_ =	sdelay $0x1  }
0x9a: {  	s5 =	simm.s32 $_scs_section_size  }
0x9b: {  	s6 =	simm.s32 $_size__tile_overlayer_lowered;
	s7 =	simm.s32 $_tile_overlayer_lowered  }
0x9c: {  	s22 =	simm.s32 $0x1BFF;
	s21 =	sshll.u32 s7, $0x1;
	s4 =	sadd.s32 s5, s19  }
0x9d: {  	s8 =	simm.s32 $0x0;
	s20 =	sshll.u32 s6, $0x1;
	s6 =	sadd.s32 s21, s4  }
0x9e: {  	[timem:s8], [sflag:s22] =	dma.local [hbm:s6], s20  }
0x9f: {  	_ =	swait.ge [sflag:s22], s20  }
0xa0: {  	s5 =	ssub.s32 $0x0, s20;
	[sflag:s22] =	ssyncset.done $0x0  }
0xa1: {  	[sflag:s22] =	ssyncadd.s32 s5;
	_ =	sdelay $0x1  }
0xa2: {  	s23 =	simm.s32 $0x1B8B  }
0xa3: {  	_ =	swait.ge [sflag:s23], $0x1  }
0xa4: {  	[sflag:s23] =	ssyncset.done $0x0  }
0xa5: {  	s25 =	simm.s32 $0x1B8E;
	s24 =	sld [smem:$0x3FFE];
	[sflag:s23] =	ssyncadd.s32 $0xFFFFFFFF  }
0xa6: {  	s26 =	simm.s32 $execute0_lowered;
	[smem:$0x3FD2] =	sst s25  }
0xa7: {  	s6 =	sshll.u32 s26, $0x1;
	_ =	strace $0x80000046;
	[dreg:$0x1] =	wrdreg $0xFFFFFFFF  }
0xa8: {  	s28 =	simm.s32 $_size_execute0_lowered;
	s4 =	sadd.s32 s4, s6;
	[dreg:$0x0] =	wrdreg $0x0  }
0xa9: {  	s6 =	sshll.u32 s28, $0x1;
	[dreg:$0x2] =	wrdreg s4  }
0xaa: {  	[dreg:$0x3] =	wrdreg s6  }
0xab: {  	[dreg:$0x4] =	wrdreg $0xC0  }
0xac: {  	_ =	task [dreg:s8], $0x5FFFF  }
0xad: {  	[dreg:$0x1] =	wrdreg $0xFFFFFFFF  }
0xae: {  	[dreg:$0x0] =	wrdreg $0x60  }
0xaf: {  	[dreg:$0x2] =	wrdreg s2  }
0xb0: {  	[dreg:$0x3] =	wrdreg s24  }
0xb1: {  	[dreg:$0x4] =	wrdreg s18  }
0xb2: {  	[dreg:$0x5] =	wrdreg $0x9  }
0xb3: {  	_ =	task.clear_ibuf [dreg:s8], $0x6FFFF;
	_ =	strace $0x90000046  }
0xb4: {  	s29 =	simm.s32 $0x9;
	_ =	strace $0x80000048  }
0xb5: {  	_ =	swait.ge [sflag:s29], $0x1  }
0xb6: {  	[sflag:s29] =	ssyncadd.s32 $0xFFFFFFFF  }
0xb7: {  	_ =	strace $0x90000048  }
0xb8: {  	_ =	sfence  }
0xb9: {  	s30 =	sld [smem:$0x0];
	_ =	sdelay $0x2  }
0xba: {  	s31 =	sshll.u32 s1, $0xD;
	s1 =	sshrl.u32 s1, $0x2  }
0xbb: {  	s3 =	sand.u32 $0x4000, s31;
	s1 =	sadd.s32 s1, s30  }
0xbc: {  	s0 =	sor.u32 s3, s0;
	s1 =	sshll.u32 s1, $0x11  }
0xbd: {  	s0 =	sor.u32 s1, s0  }
0xbe: {  	s0 =	sadd.s32 $0x8F2B, s0  }
0xbf: {  	[sflag:s0] =	ssyncadd.remote.s32 $0x1  }
0xc0: {  	_ =	sfence.sel $0xFFFF  }
0xc1: {  	[dreg:$0x0] =	wrdreg $0xFFFFFFFF;
	(pc) =	sbr.abs _section_cstart, $3  }
0xc2: {  	[dreg:$0x1] =	wrdreg $0xFFFFFFFF  }
0xc3: {  	_ =	task.clear_ibuf [dreg:s8], $0x2FFFF;
	_ =	strace $0x9FFFFFFF  }
0xc4: {  	(tm) =	ssettm $0x7FFFFFFF  }
0xc5: {  	_ =	shalt  }
tec
execute0_lowered:
.L_overlay_start_1:
0x0: {  	(tag) =	ssettag $0x1  }
0x1: {  	s2 =	srdreg.scid;
	s14 =	stileid.u32  }
0x2: {  	s2 =	sand.u32 $0x1, s2;
	s3 =	sshll.u32 s14, $0x1  }
0x3: {  	s0 =	rddreg [dreg:$0x1];
	s5 =	ssub.s32 $0x2, s2;
	s3 =	sand.u32 $0x2, s3  }
0x4: {  	s1 =	simm.s32 $0x0;
	s7 =	sshrl.u32 s5, $0x1;
	s2 =	sor.u32 s2, s3  }
0x5: {  	s4 =	sadd.s32 $0x400, s0;
	s3 =	ssub.s32 s5, s7;
	s5 =	sshll.u32 s2, $0xA  }
0x6: {  	[smem:$0x7FF] =	sst s1;
	s6 =	sadd.s32 $0x1400, s0;
	s15 =	sadd.s32 s4, s5  }
0x7: {  	s7 =	sor.u32 $0x80, s5;
	s20 =	sadd.s32 s6, s5;
	[dreg:$0x4] =	wrdreg s15  }
0x8: {  	s8 =	sor.u32 $0x100, s5;
	s26 =	sadd.s32 s4, s7;
	[dreg:$0xc] =	wrdreg s20  }
0x9: {  	s9 =	sor.u32 $0x180, s5;
	s30 =	sadd.s32 s4, s8;
	[dreg:$0x5] =	wrdreg s26  }
0xa: {  	s10 =	sor.u32 $0x200, s5;
	s16 =	sadd.s32 s4, s9;
	[dreg:$0x6] =	wrdreg s30  }
0xb: {  	s11 =	sor.u32 $0x280, s5;
	s17 =	sadd.s32 s4, s10;
	[dreg:$0x7] =	wrdreg s16  }
0xc: {  	s12 =	sor.u32 $0x300, s5;
	s18 =	sadd.s32 s4, s11;
	[dreg:$0x8] =	wrdreg s17  }
0xd: {  	s13 =	sor.u32 $0x380, s5;
	s19 =	sadd.s32 s4, s12;
	[dreg:$0x9] =	wrdreg s18  }
0xe: {  	s4 =	sadd.s32 s4, s13;
	[dreg:$0xa] =	wrdreg s19  }
0xf: {  	s21 =	sadd.s32 s6, s7;
	[dreg:$0xb] =	wrdreg s4  }
0x10: {  	s22 =	sadd.s32 s6, s8;
	[dreg:$0xd] =	wrdreg s21  }
0x11: {  	s23 =	sadd.s32 s6, s9;
	[dreg:$0xe] =	wrdreg s22  }
0x12: {  	s24 =	sadd.s32 s6, s10;
	[dreg:$0xf] =	wrdreg s23  }
0x13: {  	s0 =	sadd.s32 $0x2400, s0;
	s25 =	sadd.s32 s6, s11;
	[dreg:$0x10] =	wrdreg s24  }
0x14: {  	s29 =	simm.s32 $0x4800;
	s7 =	sadd.s32 s0, s7;
	[dreg:$0x11] =	wrdreg s25  }
0x15: {  	s31 =	simm.s32 $0x5800;
	s8 =	sadd.s32 s0, s8;
	[dreg:$0x15] =	wrdreg s7  }
0x16: {  	s28 =	simm.s32 $0x5C00;
	s9 =	sadd.s32 s0, s9;
	[dreg:$0x16] =	wrdreg s8  }
0x17: {  	s10 =	sadd.s32 s0, s10;
	s15 =	sadd.s32 s0, s11;
	[dreg:$0x17] =	wrdreg s9  }
0x18: {  	s20 =	sshll.u32 s2, $0x18;
	s11 =	simm.s32 $0x1400;
	[dreg:$0x18] =	wrdreg s10  }
0x19: {  	s26 =	sadd.s32 s6, s12;
	s30 =	sadd.s32 s6, s13;
	[dreg:$0x19] =	wrdreg s15  }
0x1a: {  	s6 =	sadd.s32 s0, s5;
	s16 =	rddreg [dreg:$0x0];
	s17 =	sadd.s32 s0, s12  }
0x1b: {  	s18 =	rddreg [dreg:$0x2];
	s19 =	sshll.u32 s14, $0x9;
	s0 =	sadd.s32 s0, s13  }
0x1c: {  	s22 =	smax.u32 s3, $0x1;
	s7 =	simm.s32 $0x400;
	[dreg:$0x12] =	wrdreg s26  }
0x1d: {  	s8 =	simm.s32 $0x800;
	s9 =	simm.s32 $0xC00;
	[dreg:$0x13] =	wrdreg s30  }
0x1e: {  	s10 =	simm.s32 $0x1000;
	s12 =	simm.s32 $0x1800;
	[dreg:$0x14] =	wrdreg s6  }
0x1f: {  	s13 =	simm.s32 $0x1C00;
	s14 =	simm.s32 $0x2000;
	[dreg:$0x1a] =	wrdreg s17  }
0x20: {  	s15 =	simm.s32 $0x2400;
	s3 =	simm.s32 $0x5400;
	[dreg:$0x1b] =	wrdreg s0  }
0x21: {  	s4 =	sand.u32 $0x1C00, s19;
	s26 =	sadd.s32 $0x800, s16;
	s30 =	sadd.s32 $0x800, s18  }
0x22: {  	s17 =	simm.s32 $0x2C00;
	_ =	strace $0x80000047;
	[dreg:$0x1f] =	wrdreg s22  }
0x23: {  	s19 =	simm.s32 $0x3000;
	s6 =	simm.s32 $0x0;
	[dreg:$0x1c] =	wrdreg s4  }
0x24: {  	s21 =	sshrl.u32 s4, $0x3;
	s0 =	sor.u32 s4, s20;
	[smem:$0x7FC] =	sst s26  }
0x25: {  	s25 =	sor.u32 $0x18000, s4;
	[smem:$0x7FD] =	sst s30;
	s20 =	simm.s32 $0x3400  }
0x26: {  	s22 =	simm.s32 $0x3C00;
	s26 =	simm.s32 $0x4400;
	[dreg:$0x1e] =	wrdreg s0  }
0x27: {  	s2 =	sadd.s32 s16, s21;
	[smem:$0x7FB] =	sst s25;
	s16 =	simm.s32 $0x2800  }
0x28: {  	s21 =	simm.s32 $0x3800;
	s23 =	sadd.s32 $0x1000, s2;
	[dreg:$0x1d] =	wrdreg s2  }
0x29: {  	s0 =	simm.s32 $0x4C00;
	s24 =	sadd.s32 $0x2000, s2;
	[smem:$0x7F9] =	sst s23  }
0x2a: {  	s2 =	simm.s32 $0x5000;
	[smem:$0x7FA] =	sst s24;
	s23 =	simm.s32 $0x4000  }
.LBB2_1:
0x2b: {  	[smem:$0x7F8] =	sst s6  }
0x2c: {  	s4 =	rddreg [dreg:$0x4]  }
0x2d: {  	[tilespmem:s1], [sflag:$0x1] =	stream.linear.gather [hbm4b:s4+s1], $0x400, $0x38;
	[tilespmem:$0x19000] =	vst v63  }
0x2e: {  	s30 =	rddreg [dreg:$0x5]  }
0x2f: {  	[tilespmem:s7], [sflag:$0x1] =	stream.linear.gather [hbm4b:s30+s1], $0x400, $0x38;
	[tilespmem:$0x19000] =	vst v63  }
0x30: {  	s5 =	rddreg [dreg:$0x6]  }
0x31: {  	[tilespmem:s8], [sflag:$0x1] =	stream.linear.gather [hbm4b:s5+s1], $0x400, $0x38;
	[tilespmem:$0x19000] =	vst v63  }
0x32: {  	s6 =	rddreg [dreg:$0x7]  }
0x33: {  	[tilespmem:s9], [sflag:$0x1] =	stream.linear.gather [hbm4b:s6+s1], $0x400, $0x38;
	[tilespmem:$0x19000] =	vst v63  }
0x34: {  	s18 =	rddreg [dreg:$0x8]  }
0x35: {  	[tilespmem:s10], [sflag:$0x1] =	stream.linear.gather [hbm4b:s18+s1], $0x400, $0x38;
	[tilespmem:$0x19000] =	vst v63  }
0x36: {  	s24 =	rddreg [dreg:$0x9]  }
0x37: {  	[tilespmem:s11], [sflag:$0x1] =	stream.linear.gather [hbm4b:s24+s1], $0x400, $0x38;
	[tilespmem:$0x19000] =	vst v63  }
0x38: {  	s25 =	rddreg [dreg:$0xa]  }
0x39: {  	[tilespmem:s12], [sflag:$0x1] =	stream.linear.gather [hbm4b:s25+s1], $0x400, $0x38;
	[tilespmem:$0x19000] =	vst v63  }
0x3a: {  	s30 =	rddreg [dreg:$0xb]  }
0x3b: {  	[tilespmem:s13], [sflag:$0x1] =	stream.linear.gather [hbm4b:s30+s1], $0x400, $0x38;
	[tilespmem:$0x19000] =	vst v63  }
0x3c: {  	s5 =	rddreg [dreg:$0xc]  }
0x3d: {  	[tilespmem:s14], [sflag:$0x1] =	stream.linear.gather [hbm4b:s5+s1], $0x400, $0x38;
	[tilespmem:$0x19000] =	vst v63  }
0x3e: {  	s6 =	rddreg [dreg:$0xd]  }
0x3f: {  	[tilespmem:s15], [sflag:$0x1] =	stream.linear.gather [hbm4b:s6+s1], $0x400, $0x38;
	[tilespmem:$0x19000] =	vst v63  }
0x40: {  	s18 =	rddreg [dreg:$0xe]  }
0x41: {  	[tilespmem:s16], [sflag:$0x1] =	stream.linear.gather [hbm4b:s18+s1], $0x400, $0x38;
	[tilespmem:$0x19000] =	vst v63  }
0x42: {  	s24 =	rddreg [dreg:$0xf];
	s5 =	simm.s32 $0x1  }
0x43: {  	[tilespmem:s17], [sflag:$0x1] =	stream.linear.gather [hbm4b:s24+s1], $0x400, $0x38;
	[tilespmem:$0x19000] =	vst v63  }
0x44: {  	_ =	swait.ge [sflag:s5], $0x400  }
0x45: {  	[sflag:s5] =	ssyncset.done $0x0  }
0x46: {  	[sflag:s5] =	ssyncadd.s32 $0xFFFFFC00  }
0x47: {  	_ =	swait.ge [sflag:s5], $0x400  }
0x48: {  	[sflag:s5] =	ssyncset.done $0x0  }
0x49: {  	[sflag:s5] =	ssyncadd.s32 $0xFFFFFC00  }
0x4a: {  	_ =	swait.ge [sflag:s5], $0x400  }
0x4b: {  	[sflag:s5] =	ssyncset.done $0x0  }
0x4c: {  	[sflag:s5] =	ssyncadd.s32 $0xFFFFFC00  }
0x4d: {  	_ =	swait.ge [sflag:s5], $0x400  }
0x4e: {  	[sflag:s5] =	ssyncset.done $0x0  }
0x4f: {  	[sflag:s5] =	ssyncadd.s32 $0xFFFFFC00  }
0x50: {  	_ =	swait.ge [sflag:s5], $0x400  }
0x51: {  	[sflag:s5] =	ssyncset.done $0x0  }
0x52: {  	[sflag:s5] =	ssyncadd.s32 $0xFFFFFC00  }
0x53: {  	_ =	swait.ge [sflag:s5], $0x400  }
0x54: {  	[sflag:s5] =	ssyncset.done $0x0  }
0x55: {  	[sflag:s5] =	ssyncadd.s32 $0xFFFFFC00  }
0x56: {  	_ =	swait.ge [sflag:s5], $0x400  }
0x57: {  	[sflag:s5] =	ssyncset.done $0x0  }
0x58: {  	[sflag:s5] =	ssyncadd.s32 $0xFFFFFC00  }
0x59: {  	_ =	swait.ge [sflag:s5], $0x400  }
0x5a: {  	[sflag:s5] =	ssyncset.done $0x0  }
0x5b: {  	[sflag:s5] =	ssyncadd.s32 $0xFFFFFC00  }
0x5c: {  	_ =	swait.ge [sflag:s5], $0x400  }
0x5d: {  	[sflag:s5] =	ssyncset.done $0x0  }
0x5e: {  	[sflag:s5] =	ssyncadd.s32 $0xFFFFFC00  }
0x5f: {  	_ =	swait.ge [sflag:s5], $0x400  }
0x60: {  	[sflag:s5] =	ssyncset.done $0x0  }
0x61: {  	[sflag:s5] =	ssyncadd.s32 $0xFFFFFC00  }
0x62: {  	_ =	swait.ge [sflag:s5], $0x400  }
0x63: {  	[sflag:s5] =	ssyncset.done $0x0  }
0x64: {  	[sflag:s5] =	ssyncadd.s32 $0xFFFFFC00  }
0x65: {  	_ =	swait.ge [sflag:s5], $0x400  }
0x66: {  	[sflag:s5] =	ssyncset.done $0x0  }
0x67: {  	s25 =	rddreg [dreg:$0x10];
	[sflag:s5] =	ssyncadd.s32 $0xFFFFFC00  }
0x68: {  	[tilespmem:s19], [sflag:$0x1] =	stream.linear.gather [hbm4b:s25+s1], $0x400, $0x38;
	[tilespmem:$0x19000] =	vst v63  }
0x69: {  	s30 =	rddreg [dreg:$0x11]  }
0x6a: {  	[tilespmem:s20], [sflag:$0x1] =	stream.linear.gather [hbm4b:s30+s1], $0x400, $0x38;
	[tilespmem:$0x19000] =	vst v63  }
0x6b: {  	s6 =	rddreg [dreg:$0x12]  }
0x6c: {  	[tilespmem:s21], [sflag:$0x1] =	stream.linear.gather [hbm4b:s6+s1], $0x400, $0x38;
	[tilespmem:$0x19000] =	vst v63  }
0x6d: {  	s18 =	rddreg [dreg:$0x13]  }
0x6e: {  	[tilespmem:s22], [sflag:$0x1] =	stream.linear.gather [hbm4b:s18+s1], $0x400, $0x38;
	[tilespmem:$0x19000] =	vst v63  }
0x6f: {  	s24 =	rddreg [dreg:$0x14]  }
0x70: {  	[tilespmem:s23], [sflag:$0x1] =	stream.linear.gather [hbm4b:s24+s1], $0x400, $0x38;
	[tilespmem:$0x19000] =	vst v63  }
0x71: {  	s25 =	rddreg [dreg:$0x15]  }
0x72: {  	[tilespmem:s26], [sflag:$0x1] =	stream.linear.gather [hbm4b:s25+s1], $0x400, $0x38;
	[tilespmem:$0x19000] =	vst v63  }
0x73: {  	s30 =	rddreg [dreg:$0x16]  }
0x74: {  	[tilespmem:s29], [sflag:$0x1] =	stream.linear.gather [hbm4b:s30+s1], $0x400, $0x38;
	[tilespmem:$0x19000] =	vst v63  }
0x75: {  	s6 =	rddreg [dreg:$0x17]  }
0x76: {  	[tilespmem:s0], [sflag:$0x1] =	stream.linear.gather [hbm4b:s6+s1], $0x400, $0x38;
	[tilespmem:$0x19000] =	vst v63  }
0x77: {  	s18 =	rddreg [dreg:$0x18]  }
0x78: {  	[tilespmem:s2], [sflag:$0x1] =	stream.linear.gather [hbm4b:s18+s1], $0x400, $0x38;
	[tilespmem:$0x19000] =	vst v63  }
0x79: {  	s24 =	rddreg [dreg:$0x19]  }
0x7a: {  	[tilespmem:s3], [sflag:$0x1] =	stream.linear.gather [hbm4b:s24+s1], $0x400, $0x38;
	[tilespmem:$0x19000] =	vst v63  }
0x7b: {  	s25 =	rddreg [dreg:$0x1a]  }
0x7c: {  	[tilespmem:s31], [sflag:$0x1] =	stream.linear.gather [hbm4b:s25+s1], $0x400, $0x38;
	[tilespmem:$0x19000] =	vst v63  }
0x7d: {  	s30 =	rddreg [dreg:$0x1b]  }
0x7e: {  	[tilespmem:s28], [sflag:$0x1] =	stream.linear.gather [hbm4b:s30+s1], $0x400, $0x38;
	[tilespmem:$0x19000] =	vst v63  }
0x7f: {  	_ =	swait.ge [sflag:s5], $0x400  }
0x80: {  	[sflag:s5] =	ssyncset.done $0x0  }
0x81: {  	[sflag:s5] =	ssyncadd.s32 $0xFFFFFC00  }
0x82: {  	_ =	swait.ge [sflag:s5], $0x400  }
0x83: {  	[sflag:s5] =	ssyncset.done $0x0  }
0x84: {  	[sflag:s5] =	ssyncadd.s32 $0xFFFFFC00  }
0x85: {  	_ =	swait.ge [sflag:s5], $0x400  }
0x86: {  	[sflag:s5] =	ssyncset.done $0x0  }
0x87: {  	[sflag:s5] =	ssyncadd.s32 $0xFFFFFC00  }
0x88: {  	_ =	swait.ge [sflag:s5], $0x400  }
0x89: {  	[sflag:s5] =	ssyncset.done $0x0  }
0x8a: {  	[sflag:s5] =	ssyncadd.s32 $0xFFFFFC00  }
0x8b: {  	_ =	swait.ge [sflag:s5], $0x400  }
0x8c: {  	[sflag:s5] =	ssyncset.done $0x0  }
0x8d: {  	[sflag:s5] =	ssyncadd.s32 $0xFFFFFC00  }
0x8e: {  	_ =	swait.ge [sflag:s5], $0x400  }
0x8f: {  	[sflag:s5] =	ssyncset.done $0x0  }
0x90: {  	[sflag:s5] =	ssyncadd.s32 $0xFFFFFC00  }
0x91: {  	_ =	swait.ge [sflag:s5], $0x400  }
0x92: {  	[sflag:s5] =	ssyncset.done $0x0  }
0x93: {  	[sflag:s5] =	ssyncadd.s32 $0xFFFFFC00  }
0x94: {  	_ =	swait.ge [sflag:s5], $0x400  }
0x95: {  	[sflag:s5] =	ssyncset.done $0x0  }
0x96: {  	[sflag:s5] =	ssyncadd.s32 $0xFFFFFC00  }
0x97: {  	_ =	swait.ge [sflag:s5], $0x400  }
0x98: {  	[sflag:s5] =	ssyncset.done $0x0  }
0x99: {  	[sflag:s5] =	ssyncadd.s32 $0xFFFFFC00  }
0x9a: {  	_ =	swait.ge [sflag:s5], $0x400  }
0x9b: {  	[sflag:s5] =	ssyncset.done $0x0  }
0x9c: {  	[sflag:s5] =	ssyncadd.s32 $0xFFFFFC00  }
0x9d: {  	_ =	swait.ge [sflag:s5], $0x400  }
0x9e: {  	[sflag:s5] =	ssyncset.done $0x0  }
0x9f: {  	[sflag:s5] =	ssyncadd.s32 $0xFFFFFC00  }
0xa0: {  	_ =	swait.ge [sflag:s5], $0x400  }
0xa1: {  	[sflag:s5] =	ssyncset.done $0x0;
	s18 =	sld [smem:$0x7F9]  }
0xa2: {  	s6 =	simm.s32 $0x6000;
	[sflag:s5] =	ssyncadd.s32 $0xFFFFFC00;
	s5 =	rddreg [dreg:$0x1d]  }
0xa3: {  	[tilespmem:s6], [sflag:$0x1] =	stream.strided.gather [hbm4b:s5+s7], $0x800, s14, s7, $0x38;
	[tilespmem:$0x19000] =	vst v63  }
0xa4: {  	s24 =	simm.s32 $0x6800;
	s25 =	sld [smem:$0x7FA]  }
0xa5: {  	[tilespmem:s24], [sflag:$0x1] =	stream.strided.gather [hbm4b:s18+s7], $0x800, s14, s7, $0x38;
	[tilespmem:$0x19000] =	vst v63  }
0xa6: {  	s30 =	simm.s32 $0x7000;
	s24 =	simm.s32 $0x0  }
0xa7: {  	[tilespmem:s30], [sflag:$0x1] =	stream.strided.gather [hbm4b:s25+s7], $0x800, s14, s7, $0x38;
	[tilespmem:$0x19000] =	vst v63  }
.LBB2_2:
0xa8: {  	s5 =	simm.s32 $0x1  }
0xa9: {  	_ =	swait.ge [sflag:s5], $0x800  }
0xaa: {  	[sflag:s5] =	ssyncset.done $0x0  }
0xab: {  	[sflag:s5] =	ssyncadd.s32 $0xFFFFF800  }
0xac: {  	_ =	swait.ge [sflag:s5], $0x800  }
0xad: {  	[sflag:s5] =	ssyncset.done $0x0  }
0xae: {  	[sflag:s5] =	ssyncadd.s32 $0xFFFFF800  }
0xaf: {  	_ =	swait.ge [sflag:s5], $0x800  }
0xb0: {  	s6 =	smul.u32 $0x18000, s24;
	s4 =	rddreg [dreg:$0x1c]  }
0xb1: {  	s18 =	sld [smem:$0x7FC]  }
0xb2: {  	[sflag:s5] =	ssyncset.done $0x0;
	s4 =	sor.u32 s4, s6  }
0xb3: {  	[sflag:s5] =	ssyncadd.s32 $0xFFFFF800;
	s4 =	sshrl.u32 s4, $0x3  }
0xb4: {  	s25 =	simm.s32 $0x7800;
	s5 =	sadd.s32 s4, s18;
	s18 =	rddreg [dreg:$0x0]  }
0xb5: {  	[tilespmem:s25], [sflag:$0x1] =	stream.strided.gather [hbm4b:s5+s7], $0x800, s14, s7, $0x38;
	[tilespmem:$0x19000] =	vst v63  }
0xb6: {  	s4 =	sadd.s32 s18, s4  }
0xb7: {  	p0 =	seq.s32 s24, $0x0;
	s25 =	simm.s32 $0x8000;
	s5 =	sadd.s32 $0x1800, s4  }
0xb8: {  	[tilespmem:s25], [sflag:$0x1] =	stream.strided.gather [hbm4b:s5+s7], $0x800, s14, s7, $0x38;
	[tilespmem:$0x19000] =	vst v63  }
0xb9: {  	[smem:$0x7F7] =	sst s6;
	s6 =	simm.s32 $0x8800;
	s4 =	sadd.s32 $0x2800, s4  }
0xba: {  	[tilespmem:s6], [sflag:$0x1] =	stream.strided.gather [hbm4b:s4+s7], $0x800, s14, s7, $0x38;
	[tilespmem:$0x19000] =	vst v63  }
0xbb: {  	s4 =	simm.s32 @!p0 $0x2  }
0xbc: {  	s18 =	simm.s32 $0x0;
	s25 =	simm.s32 $0x0;
	_ =	swait.ge @!p0 [sflag:s4], $0x8000  }
0xbd: {  	s5 =	sand.u32 $0x600, s18;
	s6 =	sand.u32 $0x70, s25;
	[sflag:s4] =	ssyncset.done @!p0 $0x0  }
0xbe: {  	s30 =	sor.u32 s6, s5;
	[sflag:s4] =	ssyncadd.s32 @!p0 $0xFFFF8000  }
0xbf: {  	v4 =	vld [tilespmem:s30+$0x6180]  }
0xc0: {  	v3 =	vld [tilespmem:s30+$0x6980];
	_ =	sdelay $0x1  }
0xc1: {  	v2 =	vld [tilespmem:s30+$0x7180];
	_ =	sdelay $0x3  }
0xc2: {  	v15 =	vld [tilespmem:s30+$0x6800]  }
0xc3: {  	v0 =	vld.idx.msk [tilespmem:v4+s1+$0x0], $0xffff  }
0xc4: {  	v1 =	vld.idx.msk [tilespmem:v3+s14+$0x0], $0xffff  }
0xc5: {  	v14 =	vld [tilespmem:s30+$0x6080]  }
0xc6: {  	v5 =	vld.idx.msk [tilespmem:v2+s23+$0x0], $0xffff  }
0xc7: {  	v16 =	vld [tilespmem:s30+$0x6000]  }
0xc8: {  	v13 =	vld [tilespmem:s30+$0x6880]  }
0xc9: {  	v12 =	vld [tilespmem:s30+$0x6100];
	v6 =	vshll.u32 v0, $0x10;
	v7 =	vshll.u32 v1, $0x10;
	v0 =	vadd.f32 v1, v0  }
0xca: {  	v11 =	vld [tilespmem:s30+$0x6900];
	v6 =	vadd.f32 v7, v6  }
0xcb: {  	v17 =	vld [tilespmem:s30+$0x7000];
	v7 =	vshll.u32 v5, $0x10;
	v5 =	vadd.f32 v5, v0  }
0xcc: {  	v8 =	vld.idx.msk [tilespmem:v15+s14+$0x0], $0xffff;
	v6 =	vadd.f32 v7, v6  }
0xcd: {  	v10 =	vld.idx.msk [tilespmem:v14+s1+$0x0], $0xffff;
	[tilespmem:s30+$0x9980] =	vst v5  }
0xce: {  	v1 =	vld [tilespmem:s30+$0x7080];
	[tilespmem:s30+$0x9180] =	vst v6  }
0xcf: {  	v6 =	vld.idx.msk [tilespmem:v4+s7+$0x0], $0xffff  }
0xd0: {  	v7 =	vld.idx.msk [tilespmem:v3+s15+$0x0], $0xffff  }
0xd1: {  	v0 =	vld [tilespmem:s30+$0x7100]  }
0xd2: {  	v9 =	vld.idx.msk [tilespmem:v2+s26+$0x0], $0xffff  }
0xd3: {  	v18 =	vld.idx.msk [tilespmem:v13+s14+$0x0], $0xffff  }
0xd4: {  	v5 =	vld.idx.msk [tilespmem:v16+s1+$0x0], $0xffff  }
0xd5: {  	v19 =	vld.idx.msk [tilespmem:v12+s1+$0x0], $0xffff;
	v20 =	vshll.u32 v6, $0x10;
	v21 =	vshll.u32 v7, $0x10;
	v6 =	vadd.f32 v7, v6  }
0xd6: {  	v7 =	vld.idx.msk [tilespmem:v11+s14+$0x0], $0xffff;
	v20 =	vadd.f32 v21, v20  }
0xd7: {  	v22 =	vshll.u32 v9, $0x10;
	v21 =	vld.idx.msk [tilespmem:v17+s23+$0x0], $0xffff;
	v6 =	vadd.f32 v9, v6  }
0xd8: {  	v9 =	vld.idx.msk [tilespmem:v1+s23+$0x0], $0xffff;
	v20 =	vadd.f32 v22, v20  }
0xd9: {  	v23 =	vshll.u32 v8, $0x10;
	v22 =	vshll.u32 v5, $0x10;
	v5 =	vadd.f32 v8, v5;
	[tilespmem:s30+$0xA980] =	vst v6  }
0xda: {  	v8 =	vshll.u32 v10, $0x10;
	v6 =	vadd.f32 v23, v22;
	v22 =	vshll.u32 v18, $0x10;
	v23 =	vld.idx.msk [tilespmem:v0+s23+$0x0], $0xffff;
	[tilespmem:s30+$0xA180] =	vst v20  }
0xdb: {  	v10 =	vadd.f32 v18, v10;
	v18 =	vshll.u32 v19, $0x10;
	v8 =	vadd.f32 v22, v8;
	v20 =	vld.idx.msk [tilespmem:v4+s8+$0x0], $0xffff  }
0xdc: {  	v22 =	vshll.u32 v7, $0x10;
	v24 =	vshll.u32 v21, $0x10;
	v5 =	vadd.f32 v21, v5;
	v21 =	vld.idx.msk [tilespmem:v3+s16+$0x0], $0xffff  }
0xdd: {  	v7 =	vadd.f32 v7, v19;
	v6 =	vadd.f32 v24, v6;
	v19 =	vshll.u32 v9, $0x10  }
0xde: {  	v18 =	vadd.f32 v22, v18;
	[tilespmem:s30+$0x9800] =	vst v5;
	v5 =	vadd.f32 v19, v8;
	v8 =	vld.idx.msk [tilespmem:v2+s29+$0x0], $0xffff  }
0xdf: {  	v9 =	vadd.f32 v9, v10;
	v10 =	vshll.u32 v23, $0x10;
	[tilespmem:s30+$0x9000] =	vst v6  }
0xe0: {  	v6 =	vadd.f32 v23, v7;
	v7 =	vadd.f32 v10, v18;
	[tilespmem:s30+$0x9080] =	vst v5;
	v5 =	vld.idx.msk [tilespmem:v16+s7+$0x0], $0xffff  }
0xe1: {  	[tilespmem:s30+$0x9880] =	vst v9;
	v9 =	vld.idx.msk [tilespmem:v15+s15+$0x0], $0xffff;
	v10 =	vshll.u32 v20, $0x10;
	v18 =	vshll.u32 v21, $0x10;
	v19 =	vadd.f32 v21, v20  }
0xe2: {  	[tilespmem:s30+$0x9900] =	vst v6;
	v6 =	vld.idx.msk [tilespmem:v13+s15+$0x0], $0xffff;
	v10 =	vadd.f32 v18, v10  }
0xe3: {  	[tilespmem:s30+$0x9100] =	vst v7;
	v7 =	vld.idx.msk [tilespmem:v14+s7+$0x0], $0xffff;
	v18 =	vshll.u32 v8, $0x10;
	v8 =	vadd.f32 v8, v19  }
0xe4: {  	v19 =	vld.idx.msk [tilespmem:v12+s7+$0x0], $0xffff;
	v10 =	vadd.f32 v18, v10  }
0xe5: {  	v18 =	vld.idx.msk [tilespmem:v17+s26+$0x0], $0xffff;
	[tilespmem:s30+$0xB980] =	vst v8  }
0xe6: {  	v8 =	vld.idx.msk [tilespmem:v1+s26+$0x0], $0xffff;
	[tilespmem:s30+$0xB180] =	vst v10  }
0xe7: {  	v10 =	vld.idx.msk [tilespmem:v4+s9+$0x0], $0xffff  }
0xe8: {  	v20 =	vshll.u32 v5, $0x10;
	v21 =	vshll.u32 v9, $0x10;
	v5 =	vadd.f32 v9, v5;
	v9 =	vld.idx.msk [tilespmem:v3+s17+$0x0], $0xffff  }
0xe9: {  	v22 =	vld.idx.msk [tilespmem:v11+s15+$0x0], $0xffff;
	v20 =	vadd.f32 v21, v20;
	v23 =	vshll.u32 v6, $0x10;
	v21 =	vshll.u32 v7, $0x10  }
0xea: {  	v21 =	vadd.f32 v23, v21;
	v23 =	vshll.u32 v18, $0x10;
	v5 =	vadd.f32 v18, v5;
	v18 =	vld.idx.msk [tilespmem:v2+s0+$0x0], $0xffff  }
0xeb: {  	v24 =	vld.idx.msk [tilespmem:v0+s26+$0x0], $0xffff;
	v20 =	vadd.f32 v23, v20;
	v23 =	vshll.u32 v8, $0x10  }
0xec: {  	v6 =	vadd.f32 v6, v7;
	v7 =	vshll.u32 v19, $0x10;
	[tilespmem:s30+$0xA800] =	vst v5;
	v5 =	vadd.f32 v23, v21  }
0xed: {  	[tilespmem:s30+$0xA000] =	vst v20;
	v20 =	vshll.u32 v10, $0x10;
	v21 =	vshll.u32 v9, $0x10;
	v9 =	vadd.f32 v9, v10  }
0xee: {  	v6 =	vadd.f32 v8, v6;
	v10 =	vshll.u32 v22, $0x10;
	v8 =	vld.idx.msk [tilespmem:v16+s8+$0x0], $0xffff;
	v20 =	vadd.f32 v21, v20  }
0xef: {  	v7 =	vadd.f32 v10, v7;
	[tilespmem:s30+$0xA080] =	vst v5;
	v5 =	vld.idx.msk [tilespmem:v15+s16+$0x0], $0xffff;
	v10 =	vshll.u32 v18, $0x10;
	v9 =	vadd.f32 v18, v9  }
0xf0: {  	[tilespmem:s30+$0xA880] =	vst v6;
	v21 =	vld.idx.msk [tilespmem:v17+s29+$0x0], $0xffff;
	v18 =	vadd.f32 v22, v19;
	v19 =	vshll.u32 v24, $0x10;
	v6 =	vadd.f32 v10, v20  }
0xf1: {  	v7 =	vadd.f32 v19, v7;
	v10 =	vld.idx.msk [tilespmem:v14+s8+$0x0], $0xffff;
	[tilespmem:s30+$0xC980] =	vst v9  }
0xf2: {  	v9 =	vadd.f32 v24, v18;
	v18 =	vld.idx.msk [tilespmem:v13+s16+$0x0], $0xffff;
	[tilespmem:s30+$0xC180] =	vst v6  }
0xf3: {  	[tilespmem:s30+$0xA100] =	vst v7;
	v6 =	vld.idx.msk [tilespmem:v4+s10+$0x0], $0xffff  }
0xf4: {  	[tilespmem:s30+$0xA900] =	vst v9;
	v7 =	vld.idx.msk [tilespmem:v3+s19+$0x0], $0xffff  }
0xf5: {  	v19 =	vshll.u32 v8, $0x10;
	v20 =	vshll.u32 v5, $0x10;
	v9 =	vld.idx.msk [tilespmem:v12+s8+$0x0], $0xffff  }
0xf6: {  	v5 =	vadd.f32 v5, v8;
	v8 =	vadd.f32 v20, v19;
	v19 =	vld.idx.msk [tilespmem:v2+s2+$0x0], $0xffff  }
0xf7: {  	v22 =	vshll.u32 v21, $0x10;
	v20 =	vld.idx.msk [tilespmem:v11+s16+$0x0], $0xffff  }
0xf8: {  	v5 =	vadd.f32 v21, v5;
	v21 =	vld.idx.msk [tilespmem:v1+s29+$0x0], $0xffff;
	v8 =	vadd.f32 v22, v8  }
0xf9: {  	v22 =	vshll.u32 v6, $0x10;
	v23 =	vshll.u32 v7, $0x10;
	v6 =	vadd.f32 v7, v6  }
0xfa: {  	v24 =	vshll.u32 v18, $0x10;
	[tilespmem:s30+$0xB800] =	vst v5;
	v5 =	vld.idx.msk [tilespmem:v0+s29+$0x0], $0xffff;
	v7 =	vshll.u32 v10, $0x10;
	v22 =	vadd.f32 v23, v22  }
0xfb: {  	v10 =	vadd.f32 v18, v10;
	[tilespmem:s30+$0xB000] =	vst v8;
	v8 =	vshll.u32 v19, $0x10;
	v6 =	vadd.f32 v19, v6  }
0xfc: {  	v7 =	vadd.f32 v24, v7;
	v18 =	vshll.u32 v9, $0x10;
	v23 =	vld.idx.msk [tilespmem:v15+s17+$0x0], $0xffff;
	v8 =	vadd.f32 v8, v22  }
0xfd: {  	v19 =	vld.idx.msk [tilespmem:v16+s9+$0x0], $0xffff;
	v24 =	vshll.u32 v21, $0x10;
	v10 =	vadd.f32 v21, v10;
	v22 =	vshll.u32 v20, $0x10;
	[tilespmem:s30+$0xD980] =	vst v6  }
0xfe: {  	v7 =	vadd.f32 v24, v7;
	v6 =	vadd.f32 v22, v18;
	v18 =	vld.idx.msk [tilespmem:v17+s0+$0x0], $0xffff;
	[tilespmem:s30+$0xD180] =	vst v8  }
0xff: {  	[tilespmem:s30+$0xB880] =	vst v10;
	v8 =	vadd.f32 v20, v9;
	v9 =	vshll.u32 v5, $0x10;
	v10 =	vld.idx.msk [tilespmem:v4+s11+$0x0], $0xffff  }
0x100: {  	[tilespmem:s30+$0xB080] =	vst v7;
	v6 =	vadd.f32 v9, v6;
	v7 =	vld.idx.msk [tilespmem:v3+s20+$0x0], $0xffff  }
0x101: {  	v5 =	vadd.f32 v5, v8;
	v8 =	vld.idx.msk [tilespmem:v14+s9+$0x0], $0xffff  }
0x102: {  	v20 =	vshll.u32 v23, $0x10;
	v9 =	vshll.u32 v19, $0x10;
	[tilespmem:s30+$0xB100] =	vst v6;
	v6 =	vld.idx.msk [tilespmem:v2+s3+$0x0], $0xffff  }
0x103: {  	v19 =	vadd.f32 v23, v19;
	v9 =	vadd.f32 v20, v9;
	[tilespmem:s30+$0xB900] =	vst v5;
	v5 =	vld.idx.msk [tilespmem:v13+s17+$0x0], $0xffff  }
0x104: {  	v20 =	vshll.u32 v18, $0x10;
	v21 =	vld.idx.msk [tilespmem:v12+s9+$0x0], $0xffff  }
0x105: {  	v18 =	vadd.f32 v18, v19;
	v9 =	vadd.f32 v20, v9;
	v19 =	vld.idx.msk [tilespmem:v11+s17+$0x0], $0xffff  }
0x106: {  	v20 =	vld.idx.msk [tilespmem:v1+s0+$0x0], $0xffff;
	v22 =	vshll.u32 v10, $0x10;
	v23 =	vshll.u32 v7, $0x10;
	v7 =	vadd.f32 v7, v10  }
0x107: {  	[tilespmem:s30+$0xC800] =	vst v18;
	v10 =	vld.idx.msk [tilespmem:v0+s0+$0x0], $0xffff;
	v18 =	vadd.f32 v23, v22  }
0x108: {  	[tilespmem:s30+$0xC000] =	vst v9;
	v9 =	vshll.u32 v8, $0x10;
	v22 =	vshll.u32 v6, $0x10;
	v6 =	vadd.f32 v6, v7  }
0x109: {  	v7 =	vld.idx.msk [tilespmem:v16+s10+$0x0], $0xffff;
	v23 =	vshll.u32 v5, $0x10;
	v5 =	vadd.f32 v5, v8;
	v8 =	vadd.f32 v22, v18  }
0x10a: {  	v18 =	vld.idx.msk [tilespmem:v15+s19+$0x0], $0xffff;
	v9 =	vadd.f32 v23, v9;
	v22 =	vshll.u32 v21, $0x10;
	[tilespmem:s30+$0xE980] =	vst v6;
	v6 =	vshll.u32 v19, $0x10  }
0x10b: {  	v23 =	vld.idx.msk [tilespmem:v17+s2+$0x0], $0xffff;
	[tilespmem:s30+$0xE180] =	vst v8;
	v8 =	vshll.u32 v20, $0x10;
	v5 =	vadd.f32 v20, v5;
	v6 =	vadd.f32 v6, v22  }
0x10c: {  	v19 =	vadd.f32 v19, v21;
	v20 =	vld.idx.msk [tilespmem:v4+s12+$0x0], $0xffff;
	v8 =	vadd.f32 v8, v9;
	v9 =	vshll.u32 v10, $0x10  }
0x10d: {  	v21 =	vld.idx.msk [tilespmem:v3+s21+$0x0], $0xffff;
	[tilespmem:s30+$0xC880] =	vst v5;
	v5 =	vadd.f32 v9, v6  }
0x10e: {  	v6 =	vadd.f32 v10, v19;
	[tilespmem:s30+$0xC080] =	vst v8;
	v8 =	vld.idx.msk [tilespmem:v2+s31+$0x0], $0xffff  }
0x10f: {  	v9 =	vshll.u32 v7, $0x10;
	v10 =	vshll.u32 v18, $0x10;
	v19 =	vld.idx.msk [tilespmem:v14+s10+$0x0], $0xffff;
	[tilespmem:s30+$0xC100] =	vst v5;
	v5 =	vadd.f32 v18, v7  }
0x110: {  	v7 =	vadd.f32 v10, v9;
	v9 =	vld.idx.msk [tilespmem:v13+s19+$0x0], $0xffff;
	[tilespmem:s30+$0xC900] =	vst v6  }
0x111: {  	v6 =	vshll.u32 v23, $0x10;
	v10 =	vld.idx.msk [tilespmem:v12+s10+$0x0], $0xffff;
	v5 =	vadd.f32 v23, v5  }
0x112: {  	v6 =	vadd.f32 v6, v7;
	v7 =	vld.idx.msk [tilespmem:v11+s19+$0x0], $0xffff  }
0x113: {  	v18 =	vshll.u32 v20, $0x10;
	v22 =	vshll.u32 v21, $0x10;
	v20 =	vadd.f32 v21, v20;
	v21 =	vld.idx.msk [tilespmem:v1+s2+$0x0], $0xffff;
	[tilespmem:s30+$0xD800] =	vst v5  }
0x114: {  	v5 =	vadd.f32 v22, v18;
	v18 =	vld.idx.msk [tilespmem:v0+s2+$0x0], $0xffff;
	[tilespmem:s30+$0xD000] =	vst v6  }
0x115: {  	s25 =	simm.s32 $0x200;
	s6 =	simm.s32 $0x4;
	v24 =	vld.idx.msk [tilespmem:v16+s11+$0x0], $0xffff  }
0x116: {  	s18 =	sand.u32 $0x600, s25;
	s5 =	sand.u32 $0x70, s6;
	v6 =	vshll.u32 v8, $0x10;
	v8 =	vadd.f32 v8, v20;
	v25 =	vld.idx.msk [tilespmem:v15+s20+$0x0], $0xffff  }
0x117: {  	s5 =	sor.u32 s5, s18;
	v20 =	vshll.u32 v19, $0x10;
	v26 =	vld.idx.msk [tilespmem:v17+s3+$0x0], $0xffff;
	v5 =	vadd.f32 v6, v5;
	v6 =	vshll.u32 v9, $0x10  }
0x118: {  	v9 =	vadd.f32 v9, v19;
	v6 =	vadd.f32 v6, v20;
	v20 =	vld [tilespmem:s5+$0x6180]  }
0x119: {  	[tilespmem:s30+$0xF980] =	vst v8;
	v8 =	vshll.u32 v10, $0x10;
	v19 =	vshll.u32 v7, $0x10;
	v7 =	vadd.f32 v7, v10;
	v10 =	vld [tilespmem:s5+$0x6900]  }
0x11a: {  	[tilespmem:s30+$0xF180] =	vst v5;
	v8 =	vadd.f32 v19, v8;
	v19 =	vld [tilespmem:s5+$0x6980]  }
0x11b: {  	v22 =	vld.idx.msk [tilespmem:v4+s13+$0x0], $0xffff  }
0x11c: {  	v23 =	vld.idx.msk [tilespmem:v3+s22+$0x0], $0xffff  }
0x11d: {  	v5 =	vshll.u32 v21, $0x10;
	v9 =	vadd.f32 v21, v9;
	v21 =	vld.idx.msk [tilespmem:v2+s28+$0x0], $0xffff  }
0x11e: {  	v4 =	vadd.f32 v5, v6;
	v6 =	vld [tilespmem:s5+$0x6080]  }
0x11f: {  	v2 =	vld [tilespmem:s5+$0x7100]  }
0x120: {  	v5 =	vshll.u32 v18, $0x10;
	[tilespmem:s30+$0xD880] =	vst v9;
	v9 =	vld [tilespmem:s5+$0x6000]  }
0x121: {  	v3 =	vadd.f32 v5, v8;
	v5 =	vadd.f32 v18, v7;
	v18 =	vld [tilespmem:s5+$0x7180]  }
0x122: {  	v7 =	vld [tilespmem:s5+$0x6800]  }
0x123: {  	v8 =	vld [tilespmem:s5+$0x7000]  }
0x124: {  	[tilespmem:s30+$0xD080] =	vst v4;
	v4 =	vld [tilespmem:s5+$0x6100]  }
0x125: {  	v27 =	vld.idx.msk [tilespmem:v14+s11+$0x0], $0xffff  }
0x126: {  	v28 =	vld.idx.msk [tilespmem:v13+s20+$0x0], $0xffff  }
0x127: {  	[tilespmem:s30+$0xD900] =	vst v5;
	v5 =	vld [tilespmem:s5+$0x6880]  }
0x128: {  	[tilespmem:s30+$0xD100] =	vst v3;
	v3 =	vld [tilespmem:s5+$0x7080]  }
0x129: {  	v29 =	vld.idx.msk [tilespmem:v12+s11+$0x0], $0xffff  }
0x12a: {  	v31 =	vld.idx.msk [tilespmem:v20+s1+$0x0], $0xffff  }
0x12b: {  	v32 =	vld.idx.msk [tilespmem:v19+s14+$0x0], $0xffff  }
0x12c: {  	v40 =	vld.idx.msk [tilespmem:v10+s14+$0x0], $0xffff  }
0x12d: {  	v33 =	vld.idx.msk [tilespmem:v18+s23+$0x0], $0xffff  }
0x12e: {  	v54 =	vld.idx.msk [tilespmem:v6+s1+$0x0], $0xffff  }
0x12f: {  	v42 =	vld.idx.msk [tilespmem:v2+s23+$0x0], $0xffff  }
0x130: {  	v52 =	vld.idx.msk [tilespmem:v9+s1+$0x0], $0xffff;
	v34 =	vshll.u32 v31, $0x10;
	v35 =	vshll.u32 v32, $0x10;
	v31 =	vadd.f32 v32, v31  }
0x131: {  	v38 =	vshll.u32 v24, $0x10;
	v53 =	vld.idx.msk [tilespmem:v7+s14+$0x0], $0xffff;
	v34 =	vadd.f32 v35, v34  }
0x132: {  	v24 =	vadd.f32 v25, v24;
	v41 =	vld.idx.msk [tilespmem:v8+s23+$0x0], $0xffff;
	v36 =	vshll.u32 v33, $0x10;
	v31 =	vadd.f32 v33, v31  }
0x133: {  	v55 =	vld.idx.msk [tilespmem:v5+s14+$0x0], $0xffff;
	v34 =	vadd.f32 v36, v34  }
0x134: {  	v24 =	vadd.f32 v26, v24;
	v56 =	vld.idx.msk [tilespmem:v4+s1+$0x0], $0xffff;
	[tilespmem:s5+$0x9980] =	vst v31  }
0x135: {  	v39 =	vshll.u32 v25, $0x10;
	v58 =	vshll.u32 v26, $0x10;
	v59 =	vld.idx.msk [tilespmem:v3+s23+$0x0], $0xffff;
	[tilespmem:s5+$0x9180] =	vst v34  }
0x136: {  	[tilespmem:s30+$0xE800] =	vst v24;
	v26 =	vshll.u32 v52, $0x10;
	v24 =	vshll.u32 v53, $0x10;
	v32 =	vadd.f32 v53, v52;
	v34 =	vld.idx.msk [tilespmem:v20+s7+$0x0], $0xffff  }
0x137: {  	v25 =	vadd.f32 v39, v38;
	v60 =	vshll.u32 v54, $0x10;
	v24 =	vadd.f32 v24, v26;
	v37 =	vld.idx.msk [tilespmem:v19+s15+$0x0], $0xffff  }
0x138: {  	v30 =	vld.idx.msk [tilespmem:v11+s20+$0x0], $0xffff;
	v62 =	vshll.u32 v41, $0x10;
	v33 =	vadd.f32 v55, v54;
	v32 =	vadd.f32 v41, v32  }
0x139: {  	v61 =	vshll.u32 v55, $0x10;
	v31 =	vadd.f32 v40, v56;
	v36 =	vadd.f32 v62, v24;
	v57 =	vld.idx.msk [tilespmem:v18+s26+$0x0], $0xffff  }
0x13a: {  	v25 =	vadd.f32 v58, v25;
	v35 =	vld.idx.msk [tilespmem:v1+s3+$0x0], $0xffff;
	v63 =	vadd.f32 v61, v60;
	[tilespmem:s5+$0x9800] =	vst v32  }
0x13b: {  	v26 =	vld.idx.msk [tilespmem:v0+s3+$0x0], $0xffff;
	v47 =	vshll.u32 v59, $0x10;
	v33 =	vadd.f32 v59, v33;
	v31 =	vadd.f32 v42, v31;
	[tilespmem:s5+$0x9000] =	vst v36  }
0x13c: {  	[tilespmem:s30+$0xE000] =	vst v25;
	v51 =	vld.idx.msk [tilespmem:v9+s7+$0x0], $0xffff;
	v43 =	vshll.u32 v34, $0x10;
	v34 =	vadd.f32 v37, v34;
	v37 =	vshll.u32 v37, $0x10  }
0x13d: {  	v45 =	vshll.u32 v56, $0x10;
	v32 =	vadd.f32 v47, v63;
	[tilespmem:s5+$0x9880] =	vst v33;
	v56 =	vld.idx.msk [tilespmem:v7+s15+$0x0], $0xffff;
	v37 =	vadd.f32 v37, v43  }
0x13e: {  	v58 =	vshll.u32 v29, $0x10;
	v41 =	vld.idx.msk [tilespmem:v15+s21+$0x0], $0xffff;
	[tilespmem:s5+$0x9900] =	vst v31;
	v25 =	vshll.u32 v57, $0x10;
	v34 =	vadd.f32 v57, v34  }
0x13f: {  	v52 =	vshll.u32 v27, $0x10;
	v27 =	vadd.f32 v28, v27;
	v63 =	vld.idx.msk [tilespmem:v8+s26+$0x0], $0xffff;
	[tilespmem:s5+$0x9080] =	vst v32;
	v37 =	vadd.f32 v25, v37  }
0x140: {  	v29 =	vadd.f32 v30, v29;
	v46 =	vshll.u32 v40, $0x10;
	v24 =	vld.idx.msk [tilespmem:v17+s31+$0x0], $0xffff;
	v61 =	vshll.u32 v30, $0x10;
	[tilespmem:s5+$0xA980] =	vst v34  }
0x141: {  	v53 =	vshll.u32 v28, $0x10;
	v27 =	vadd.f32 v35, v27;
	v28 =	vadd.f32 v61, v58;
	v31 =	vld.idx.msk [tilespmem:v5+s15+$0x0], $0xffff;
	[tilespmem:s5+$0xA180] =	vst v37  }
0x142: {  	v47 =	vshll.u32 v26, $0x10;
	v26 =	vadd.f32 v26, v29;
	v33 =	vadd.f32 v56, v51;
	v48 =	vld.idx.msk [tilespmem:v20+s8+$0x0], $0xffff  }
0x143: {  	[tilespmem:s30+$0xE880] =	vst v27;
	v28 =	vadd.f32 v47, v28;
	v37 =	vadd.f32 v46, v45;
	v49 =	vld.idx.msk [tilespmem:v19+s16+$0x0], $0xffff  }
0x144: {  	v50 =	vshll.u32 v42, $0x10;
	v27 =	vld.idx.msk [tilespmem:v3+s26+$0x0], $0xffff;
	[tilespmem:s30+$0xE900] =	vst v26;
	v30 =	vadd.f32 v63, v33  }
0x145: {  	[tilespmem:s30+$0xE100] =	vst v28;
	v54 =	vld.idx.msk [tilespmem:v18+s29+$0x0], $0xffff;
	v36 =	vadd.f32 v50, v37  }
0x146: {  	v25 =	vld.idx.msk [tilespmem:v16+s12+$0x0], $0xffff;
	[tilespmem:s5+$0xA800] =	vst v30  }
0x147: {  	v55 =	vadd.f32 v53, v52;
	v57 =	vshll.u32 v35, $0x10;
	v30 =	vld.idx.msk [tilespmem:v12+s12+$0x0], $0xffff;
	[tilespmem:s5+$0x9100] =	vst v36  }
0x148: {  	v39 =	vld.idx.msk [tilespmem:v4+s7+$0x0], $0xffff;
	v59 =	vshll.u32 v48, $0x10;
	v60 =	vshll.u32 v49, $0x10;
	v34 =	vadd.f32 v49, v48  }
0x149: {  	v37 =	vadd.f32 v57, v55;
	v62 =	vld.idx.msk [tilespmem:v10+s15+$0x0], $0xffff;
	v40 =	vadd.f32 v60, v59  }
0x14a: {  	v36 =	vld.idx.msk [tilespmem:v6+s7+$0x0], $0xffff;
	v45 =	vshll.u32 v54, $0x10;
	v32 =	vadd.f32 v54, v34  }
0x14b: {  	[tilespmem:s30+$0xE080] =	vst v37;
	v48 =	vld.idx.msk [tilespmem:v2+s26+$0x0], $0xffff;
	v46 =	vadd.f32 v45, v40  }
0x14c: {  	v50 =	vshll.u32 v56, $0x10;
	v29 =	vld.idx.msk [tilespmem:v14+s12+$0x0], $0xffff;
	v49 =	vshll.u32 v51, $0x10;
	[tilespmem:s5+$0xB980] =	vst v32  }
0x14d: {  	v33 =	vld.idx.msk [tilespmem:v13+s21+$0x0], $0xffff;
	v32 =	vadd.f32 v50, v49;
	[tilespmem:s5+$0xB180] =	vst v46  }
0x14e: {  	v56 =	vshll.u32 v63, $0x10;
	v35 =	vadd.f32 v62, v39;
	v51 =	vld.idx.msk [tilespmem:v20+s9+$0x0], $0xffff  }
0x14f: {  	v53 =	vshll.u32 v31, $0x10;
	v54 =	vld.idx.msk [tilespmem:v19+s17+$0x0], $0xffff;
	v32 =	vadd.f32 v56, v32  }
0x150: {  	v52 =	vshll.u32 v36, $0x10;
	v31 =	vadd.f32 v31, v36;
	v58 =	vld.idx.msk [tilespmem:v18+s0+$0x0], $0xffff;
	v35 =	vadd.f32 v48, v35  }
0x151: {  	v55 =	vadd.f32 v53, v52;
	v26 =	vshll.u32 v39, $0x10;
	v57 =	vshll.u32 v62, $0x10;
	[tilespmem:s5+$0xA000] =	vst v32;
	v32 =	vld.idx.msk [tilespmem:v11+s21+$0x0], $0xffff  }
0x152: {  	v59 =	vshll.u32 v27, $0x10;
	v26 =	vadd.f32 v57, v26;
	v27 =	vadd.f32 v27, v31;
	[tilespmem:s5+$0xA900] =	vst v35;
	v35 =	vld.idx.msk [tilespmem:v0+s31+$0x0], $0xffff  }
0x153: {  	v60 =	vshll.u32 v48, $0x10;
	v28 =	vadd.f32 v59, v55;
	v61 =	vld.idx.msk [tilespmem:v9+s8+$0x0], $0xffff  }
0x154: {  	v26 =	vadd.f32 v60, v26;
	[tilespmem:s5+$0xA880] =	vst v27;
	v62 =	vld.idx.msk [tilespmem:v7+s16+$0x0], $0xffff  }
0x155: {  	[tilespmem:s5+$0xA080] =	vst v28;
	v44 =	vld.idx.msk [tilespmem:v8+s29+$0x0], $0xffff  }
0x156: {  	[tilespmem:s5+$0xA100] =	vst v26;
	v26 =	vld.idx.msk [tilespmem:v6+s8+$0x0], $0xffff;
	v63 =	vshll.u32 v51, $0x10;
	v43 =	vshll.u32 v54, $0x10;
	v37 =	vadd.f32 v54, v51  }
0x157: {  	v46 =	vld.idx.msk [tilespmem:v5+s16+$0x0], $0xffff;
	v27 =	vadd.f32 v43, v63  }
0x158: {  	v55 =	vshll.u32 v41, $0x10;
	v53 =	vld.idx.msk [tilespmem:v3+s29+$0x0], $0xffff;
	v45 =	vshll.u32 v58, $0x10;
	v34 =	vadd.f32 v58, v37  }
0x159: {  	v36 =	vld.idx.msk [tilespmem:v4+s8+$0x0], $0xffff;
	v54 =	vshll.u32 v25, $0x10;
	v25 =	vadd.f32 v41, v25;
	v27 =	vadd.f32 v45, v27  }
0x15a: {  	v57 =	vshll.u32 v23, $0x10;
	v47 =	vld.idx.msk [tilespmem:v10+s16+$0x0], $0xffff;
	v51 =	vshll.u32 v22, $0x10;
	v42 =	vadd.f32 v55, v54;
	[tilespmem:s5+$0xC980] =	vst v34  }
0x15b: {  	v22 =	vadd.f32 v23, v22;
	v23 =	vshll.u32 v24, $0x10;
	v58 =	vld.idx.msk [tilespmem:v2+s29+$0x0], $0xffff;
	v24 =	vadd.f32 v24, v25;
	[tilespmem:s5+$0xC180] =	vst v27  }
0x15c: {  	v48 =	vshll.u32 v62, $0x10;
	v23 =	vadd.f32 v23, v42;
	v27 =	vshll.u32 v61, $0x10;
	v49 =	vld.idx.msk [tilespmem:v20+s10+$0x0], $0xffff  }
0x15d: {  	v28 =	vadd.f32 v62, v61;
	v52 =	vshll.u32 v44, $0x10;
	[tilespmem:s30+$0xF800] =	vst v24;
	v27 =	vadd.f32 v48, v27;
	v50 =	vld.idx.msk [tilespmem:v19+s19+$0x0], $0xffff  }
0x15e: {  	v62 =	vshll.u32 v46, $0x10;
	v24 =	vadd.f32 v46, v26;
	v46 =	vshll.u32 v21, $0x10;
	[tilespmem:s30+$0xF000] =	vst v23;
	v56 =	vld.idx.msk [tilespmem:v18+s2+$0x0], $0xffff  }
0x15f: {  	v21 =	vadd.f32 v21, v22;
	v22 =	vshll.u32 v29, $0x10;
	v16 =	vld.idx.msk [tilespmem:v16+s13+$0x0], $0xffff;
	v27 =	vadd.f32 v52, v27  }
0x160: {  	v29 =	vadd.f32 v33, v29;
	v28 =	vadd.f32 v44, v28;
	v23 =	vshll.u32 v26, $0x10;
	v15 =	vld.idx.msk [tilespmem:v15+s22+$0x0], $0xffff  }
0x161: {  	v39 =	vshll.u32 v53, $0x10;
	v23 =	vadd.f32 v62, v23;
	v24 =	vadd.f32 v53, v24;
	[tilespmem:s5+$0xB000] =	vst v27;
	v27 =	vld.idx.msk [tilespmem:v1+s31+$0x0], $0xffff  }
0x162: {  	v17 =	vld.idx.msk [tilespmem:v17+s28+$0x0], $0xffff;
	[tilespmem:s5+$0xB800] =	vst v28;
	v60 =	vshll.u32 v49, $0x10;
	v61 =	vshll.u32 v50, $0x10;
	v31 =	vadd.f32 v50, v49  }
0x163: {  	v45 =	vshll.u32 v47, $0x10;
	v23 =	vadd.f32 v39, v23;
	v25 =	vld.idx.msk [tilespmem:v9+s9+$0x0], $0xffff;
	v42 =	vadd.f32 v61, v60  }
0x164: {  	v48 =	vshll.u32 v33, $0x10;
	[tilespmem:s5+$0xB880] =	vst v24;
	v59 =	vld.idx.msk [tilespmem:v7+s17+$0x0], $0xffff;
	v26 =	vshll.u32 v56, $0x10;
	v31 =	vadd.f32 v56, v31  }
0x165: {  	v44 =	vshll.u32 v36, $0x10;
	v22 =	vadd.f32 v48, v22;
	[tilespmem:s5+$0xB080] =	vst v23;
	v63 =	vld.idx.msk [tilespmem:v8+s0+$0x0], $0xffff;
	v26 =	vadd.f32 v26, v42  }
0x166: {  	v49 =	vld.idx.msk [tilespmem:v6+s9+$0x0], $0xffff;
	[tilespmem:s5+$0xD980] =	vst v31;
	v31 =	vadd.f32 v45, v44;
	v54 =	vshll.u32 v27, $0x10;
	v27 =	vadd.f32 v27, v29  }
0x167: {  	v34 =	vadd.f32 v47, v36;
	v24 =	vshll.u32 v58, $0x10;
	v53 =	vld.idx.msk [tilespmem:v5+s17+$0x0], $0xffff;
	[tilespmem:s5+$0xD180] =	vst v26;
	v22 =	vadd.f32 v54, v22  }
0x168: {  	v38 =	vadd.f32 v57, v51;
	v47 =	vld.idx.msk [tilespmem:v20+s11+$0x0], $0xffff;
	v24 =	vadd.f32 v24, v31;
	[tilespmem:s30+$0xF880] =	vst v27  }
0x169: {  	v57 =	vshll.u32 v30, $0x10;
	v30 =	vadd.f32 v32, v30;
	v28 =	vadd.f32 v58, v34;
	v23 =	vld.idx.msk [tilespmem:v19+s20+$0x0], $0xffff;
	[tilespmem:s30+$0xF080] =	vst v22  }
0x16a: {  	v50 =	vshll.u32 v25, $0x10;
	v51 =	vshll.u32 v59, $0x10;
	v25 =	vadd.f32 v59, v25;
	[tilespmem:s5+$0xB100] =	vst v24;
	v24 =	vld.idx.msk [tilespmem:v18+s3+$0x0], $0xffff  }
0x16b: {  	[tilespmem:s5+$0xB900] =	vst v28;
	v52 =	vadd.f32 v51, v50;
	v14 =	vld.idx.msk [tilespmem:v14+s13+$0x0], $0xffff  }
0x16c: {  	v30 =	vadd.f32 v35, v30;
	v55 =	vshll.u32 v63, $0x10;
	v25 =	vadd.f32 v63, v25;
	v56 =	vld.idx.msk [tilespmem:v4+s9+$0x0], $0xffff  }
0x16d: {  	v26 =	vadd.f32 v46, v38;
	v31 =	vadd.f32 v55, v52;
	v58 =	vld.idx.msk [tilespmem:v10+s17+$0x0], $0xffff  }
0x16e: {  	[tilespmem:s5+$0xC800] =	vst v25;
	v25 =	vld.idx.msk [tilespmem:v3+s0+$0x0], $0xffff;
	v59 =	vshll.u32 v47, $0x10;
	v60 =	vshll.u32 v23, $0x10;
	v23 =	vadd.f32 v23, v47  }
0x16f: {  	v40 =	vshll.u32 v49, $0x10;
	v41 =	vshll.u32 v53, $0x10;
	v62 =	vld.idx.msk [tilespmem:v2+s0+$0x0], $0xffff;
	[tilespmem:s5+$0xC000] =	vst v31;
	v63 =	vadd.f32 v60, v59  }
0x170: {  	v28 =	vadd.f32 v53, v49;
	v22 =	vld.idx.msk [tilespmem:v9+s10+$0x0], $0xffff;
	v37 =	vshll.u32 v24, $0x10;
	v23 =	vadd.f32 v24, v23  }
0x171: {  	v54 =	vshll.u32 v16, $0x10;
	v16 =	vadd.f32 v15, v16;
	v27 =	vld.idx.msk [tilespmem:v7+s19+$0x0], $0xffff;
	v31 =	vadd.f32 v37, v63  }
0x172: {  	v13 =	vld.idx.msk [tilespmem:v13+s22+$0x0], $0xffff;
	v43 =	vshll.u32 v56, $0x10;
	v44 =	vshll.u32 v58, $0x10;
	[tilespmem:s5+$0xE980] =	vst v23;
	v23 =	vadd.f32 v41, v40  }
0x173: {  	v42 =	vld.idx.msk [tilespmem:v8+s2+$0x0], $0xffff;
	v45 =	vshll.u32 v25, $0x10;
	v25 =	vadd.f32 v25, v28;
	v34 =	vadd.f32 v58, v56;
	[tilespmem:s5+$0xE180] =	vst v31  }
0x174: {  	[tilespmem:s30+$0x10980] =	vst v21;
	v15 =	vshll.u32 v15, $0x10;
	v46 =	vadd.f32 v44, v43;
	v47 =	vld.idx.msk [tilespmem:v20+s12+$0x0], $0xffff;
	v23 =	vadd.f32 v45, v23  }
0x175: {  	v15 =	vadd.f32 v15, v54;
	v48 =	vshll.u32 v62, $0x10;
	[tilespmem:s5+$0xC880] =	vst v25;
	v51 =	vadd.f32 v62, v34;
	v49 =	vld.idx.msk [tilespmem:v19+s21+$0x0], $0xffff  }
0x176: {  	v52 =	vshll.u32 v22, $0x10;
	v53 =	vshll.u32 v27, $0x10;
	v25 =	vadd.f32 v48, v46;
	[tilespmem:s5+$0xC080] =	vst v23;
	v23 =	vld.idx.msk [tilespmem:v18+s31+$0x0], $0xffff  }
0x177: {  	v61 =	vshll.u32 v32, $0x10;
	v22 =	vadd.f32 v27, v22;
	v27 =	vadd.f32 v53, v52;
	[tilespmem:s5+$0xC900] =	vst v51;
	v55 =	vld.idx.msk [tilespmem:v6+s10+$0x0], $0xffff  }
0x178: {  	v16 =	vadd.f32 v17, v16;
	v24 =	vadd.f32 v61, v57;
	[tilespmem:s5+$0xC100] =	vst v25;
	v25 =	vshll.u32 v42, $0x10;
	v56 =	vld.idx.msk [tilespmem:v5+s19+$0x0], $0xffff  }
0x179: {  	v50 =	vshll.u32 v35, $0x10;
	[tilespmem:s30+$0x10180] =	vst v26;
	v22 =	vadd.f32 v42, v22;
	v25 =	vadd.f32 v25, v27;
	v26 =	vld.idx.msk [tilespmem:v4+s10+$0x0], $0xffff  }
0x17a: {  	[tilespmem:s30+$0xF900] =	vst v30;
	v27 =	vld.idx.msk [tilespmem:v10+s19+$0x0], $0xffff;
	v21 =	vshll.u32 v47, $0x10;
	v57 =	vshll.u32 v49, $0x10;
	v32 =	vadd.f32 v49, v47  }
0x17b: {  	v24 =	vadd.f32 v50, v24;
	[tilespmem:s5+$0xD800] =	vst v22;
	v22 =	vld.idx.msk [tilespmem:v3+s2+$0x0], $0xffff;
	v21 =	vadd.f32 v57, v21  }
0x17c: {  	v58 =	vshll.u32 v17, $0x10;
	[tilespmem:s5+$0xD000] =	vst v25;
	v25 =	vld.idx.msk [tilespmem:v2+s2+$0x0], $0xffff;
	v17 =	vshll.u32 v23, $0x10;
	v23 =	vadd.f32 v23, v32  }
0x17d: {  	v59 =	vshll.u32 v14, $0x10;
	v60 =	vshll.u32 v13, $0x10;
	[tilespmem:s30+$0xF100] =	vst v24;
	v24 =	vld.idx.msk [tilespmem:v9+s11+$0x0], $0xffff;
	v28 =	vadd.f32 v17, v21  }
0x17e: {  	v15 =	vadd.f32 v58, v15;
	v61 =	vld.idx.msk [tilespmem:v7+s20+$0x0], $0xffff;
	v21 =	vadd.f32 v13, v14;
	v13 =	vshll.u32 v55, $0x10;
	[tilespmem:s5+$0xF980] =	vst v23  }
0x17f: {  	v14 =	vshll.u32 v56, $0x10;
	v17 =	vld.idx.msk [tilespmem:v8+s3+$0x0], $0xffff;
	v63 =	vshll.u32 v27, $0x10;
	v23 =	vadd.f32 v56, v55;
	[tilespmem:s5+$0xF180] =	vst v28  }
0x180: {  	[tilespmem:s30+$0x10000] =	vst v15;
	v15 =	vadd.f32 v27, v26;
	v62 =	vadd.f32 v14, v13;
	v13 =	vshll.u32 v26, $0x10;
	v14 =	vld.idx.msk [tilespmem:v20+s13+$0x0], $0xffff  }
0x181: {  	[tilespmem:s30+$0x10800] =	vst v16;
	v16 =	vshll.u32 v22, $0x10;
	v20 =	vadd.f32 v22, v23;
	v22 =	vadd.f32 v63, v13;
	v13 =	vld.idx.msk [tilespmem:v19+s22+$0x0], $0xffff  }
0x182: {  	v26 =	vshll.u32 v25, $0x10;
	v23 =	vadd.f32 v16, v62;
	v16 =	vld.idx.msk [tilespmem:v12+s13+$0x0], $0xffff;
	v19 =	vadd.f32 v60, v59  }
0x183: {  	v12 =	vld.idx.msk [tilespmem:v18+s28+$0x0], $0xffff;
	v18 =	vadd.f32 v25, v15;
	[tilespmem:s5+$0xD880] =	vst v20;
	v26 =	vadd.f32 v26, v22  }
0x184: {  	v15 =	vld.idx.msk [tilespmem:v11+s22+$0x0], $0xffff;
	v20 =	vshll.u32 v24, $0x10;
	v22 =	vshll.u32 v61, $0x10;
	[tilespmem:s5+$0xD080] =	vst v23;
	v24 =	vadd.f32 v61, v24  }
0x185: {  	v11 =	vmov v10;
	v23 =	vshll.u32 v17, $0x10;
	v22 =	vadd.f32 v22, v20;
	v20 =	vld.idx.msk [tilespmem:v6+s11+$0x0], $0xffff;
	[tilespmem:s5+$0xD100] =	vst v26  }
.LBB2_3:
0x186: {  	s6 =	sadd.s32 $0x4, s6;
	v17 =	vadd.f32 v17, v24;
	v25 =	vld.idx.msk [tilespmem:v5+s20+$0x0], $0xffff;
	[tilespmem:s5+$0xD900] =	vst v18;
	s25 =	sadd.s32 $0x200, s25  }
0x187: {  	v24 =	vshll.u32 v13, $0x10;
	s4 =	sand.u32 $0x70, s6;
	s18 =	sand.u32 $0x600, s25;
	p0 =	slt.u32 s6, $0x7C;
	v18 =	vadd.f32 v23, v22;
	v22 =	vld.idx.msk [tilespmem:v4+s11+$0x0], $0xffff;
	v23 =	vshll.u32 v14, $0x10  }
0x188: {  	v26 =	vshll.u32 v16, $0x10;
	s4 =	sor.u32 s4, s18;
	[tilespmem:s5+$0xE800] =	vst v17;
	v10 =	vld.idx.msk [tilespmem:v10+s20+$0x0], $0xffff;
	v17 =	vadd.f32 v24, v23;
	v24 =	vadd.f32 v13, v14  }
0x189: {  	v14 =	vld [tilespmem:s4+$0x6180];
	[tilespmem:s5+$0xE000] =	vst v18;
	v18 =	vshll.u32 v12, $0x10  }
0x18a: {  	v27 =	vshll.u32 v15, $0x10;
	v23 =	vadd.f32 v15, v16;
	v13 =	vld [tilespmem:s4+$0x6980];
	v17 =	vadd.f32 v18, v17  }
0x18b: {  	v15 =	vshll.u32 v20, $0x10;
	v16 =	vadd.f32 v12, v24;
	v24 =	vadd.f32 v27, v26;
	v18 =	vld [tilespmem:s4+$0x6000]  }
0x18c: {  	v26 =	vshll.u32 v25, $0x10;
	v25 =	vadd.f32 v25, v20;
	v12 =	vld [tilespmem:s4+$0x7180];
	[tilespmem:s5+$0x10180] =	vst v17  }
0x18d: {  	v26 =	vadd.f32 v26, v15;
	v15 =	vshll.u32 v22, $0x10;
	v20 =	vld [tilespmem:s4+$0x6800];
	[tilespmem:s5+$0x10980] =	vst v16  }
0x18e: {  	v27 =	vshll.u32 v10, $0x10;
	v28 =	vadd.f32 v10, v22;
	v17 =	vld [tilespmem:s4+$0x6080]  }
0x18f: {  	v27 =	vadd.f32 v27, v15;
	v16 =	vld [tilespmem:s4+$0x6880]  }
0x190: {  	v15 =	vld [tilespmem:s4+$0x6100]  }
0x191: {  	v29 =	vld.idx.msk [tilespmem:v14+s1+$0x0], $0xffff  }
0x192: {  	v30 =	vld.idx.msk [tilespmem:v13+s14+$0x0], $0xffff  }
0x193: {  	v10 =	vld [tilespmem:s4+$0x6900]  }
0x194: {  	v31 =	vld.idx.msk [tilespmem:v12+s23+$0x0], $0xffff  }
0x195: {  	v22 =	vld [tilespmem:s4+$0x7000]  }
0x196: {  	v32 =	vld [tilespmem:s4+$0x7080]  }
0x197: {  	v33 =	vld [tilespmem:s4+$0x7100]  }
0x198: {  	v35 =	vshll.u32 v29, $0x10;
	v36 =	vshll.u32 v30, $0x10;
	v29 =	vadd.f32 v30, v29;
	v34 =	vld.idx.msk [tilespmem:v18+s1+$0x0], $0xffff  }
0x199: {  	v35 =	vadd.f32 v36, v35;
	v30 =	vld.idx.msk [tilespmem:v20+s14+$0x0], $0xffff  }
0x19a: {  	v37 =	vshll.u32 v31, $0x10;
	v29 =	vadd.f32 v31, v29;
	v36 =	vld.idx.msk [tilespmem:v17+s1+$0x0], $0xffff  }
0x19b: {  	v35 =	vadd.f32 v37, v35;
	v31 =	vld.idx.msk [tilespmem:v16+s14+$0x0], $0xffff  }
0x19c: {  	v37 =	vld.idx.msk [tilespmem:v15+s1+$0x0], $0xffff;
	[tilespmem:s4+$0x9980] =	vst v29  }
0x19d: {  	v29 =	vld.idx.msk [tilespmem:v10+s14+$0x0], $0xffff;
	[tilespmem:s4+$0x9180] =	vst v35  }
0x19e: {  	v35 =	vshll.u32 v34, $0x10;
	v38 =	vld.idx.msk [tilespmem:v14+s7+$0x0], $0xffff  }
0x19f: {  	v39 =	vshll.u32 v30, $0x10;
	v30 =	vadd.f32 v30, v34;
	v34 =	vld.idx.msk [tilespmem:v13+s15+$0x0], $0xffff  }
0x1a0: {  	v35 =	vadd.f32 v39, v35;
	v39 =	vshll.u32 v36, $0x10;
	v40 =	vld.idx.msk [tilespmem:v22+s23+$0x0], $0xffff  }
0x1a1: {  	v41 =	vshll.u32 v31, $0x10;
	v31 =	vadd.f32 v31, v36;
	v36 =	vld.idx.msk [tilespmem:v12+s26+$0x0], $0xffff  }
0x1a2: {  	v39 =	vadd.f32 v41, v39;
	v41 =	vshll.u32 v37, $0x10;
	v42 =	vld.idx.msk [tilespmem:v32+s23+$0x0], $0xffff  }
0x1a3: {  	v44 =	vshll.u32 v29, $0x10;
	v29 =	vadd.f32 v29, v37;
	v43 =	vld.idx.msk [tilespmem:v33+s23+$0x0], $0xffff  }
0x1a4: {  	v37 =	vadd.f32 v44, v41;
	v41 =	vld.idx.msk [tilespmem:v3+s3+$0x0], $0xffff  }
0x1a5: {  	v44 =	vshll.u32 v38, $0x10;
	v45 =	vshll.u32 v34, $0x10;
	v34 =	vadd.f32 v34, v38;
	v38 =	vld.idx.msk [tilespmem:v2+s3+$0x0], $0xffff  }
0x1a6: {  	v46 =	vshll.u32 v40, $0x10;
	v30 =	vadd.f32 v40, v30;
	v40 =	vadd.f32 v45, v44;
	v44 =	vld.idx.msk [tilespmem:v9+s12+$0x0], $0xffff  }
0x1a7: {  	v35 =	vadd.f32 v46, v35;
	v45 =	vshll.u32 v36, $0x10;
	v34 =	vadd.f32 v36, v34;
	v36 =	vld.idx.msk [tilespmem:v7+s21+$0x0], $0xffff  }
0x1a8: {  	v31 =	vadd.f32 v42, v31;
	v40 =	vadd.f32 v45, v40;
	[tilespmem:s4+$0x9800] =	vst v30;
	v30 =	vshll.u32 v42, $0x10;
	v42 =	vld.idx.msk [tilespmem:v8+s31+$0x0], $0xffff  }
0x1a9: {  	v29 =	vadd.f32 v43, v29;
	v30 =	vadd.f32 v30, v39;
	v39 =	vshll.u32 v43, $0x10;
	[tilespmem:s4+$0xA980] =	vst v34;
	v34 =	vld.idx.msk [tilespmem:v1+s28+$0x0], $0xffff  }
0x1aa: {  	v25 =	vadd.f32 v41, v25;
	v37 =	vadd.f32 v39, v37;
	[tilespmem:s4+$0xA180] =	vst v40;
	v40 =	vshll.u32 v41, $0x10;
	v39 =	vld.idx.msk [tilespmem:v0+s28+$0x0], $0xffff  }
0x1ab: {  	v28 =	vadd.f32 v38, v28;
	[tilespmem:s4+$0x9000] =	vst v35;
	v35 =	vld.idx.msk [tilespmem:v14+s8+$0x0], $0xffff;
	v26 =	vadd.f32 v40, v26;
	v40 =	vshll.u32 v38, $0x10  }
0x1ac: {  	v1 =	vmovc v3;
	v3 =	vmov v32;
	v38 =	vshll.u32 v44, $0x10;
	[tilespmem:s4+$0x9080] =	vst v30;
	v30 =	vld.idx.msk [tilespmem:v13+s16+$0x0], $0xffff;
	v27 =	vadd.f32 v40, v27  }
0x1ad: {  	v0 =	vmovc v2;
	v2 =	vmov v33;
	v32 =	vld.idx.msk [tilespmem:v18+s7+$0x0], $0xffff;
	[tilespmem:s4+$0x9100] =	vst v37;
	v37 =	vshll.u32 v36, $0x10;
	v36 =	vadd.f32 v36, v44  }
0x1ae: {  	[tilespmem:s4+$0x9880] =	vst v31;
	v31 =	vld.idx.msk [tilespmem:v12+s29+$0x0], $0xffff;
	v33 =	vadd.f32 v37, v38;
	v37 =	vshll.u32 v42, $0x10  }
0x1af: {  	v21 =	vadd.f32 v34, v21;
	v38 =	vld.idx.msk [tilespmem:v20+s15+$0x0], $0xffff;
	[tilespmem:s4+$0x9900] =	vst v29;
	v29 =	vadd.f32 v42, v36;
	v36 =	vshll.u32 v34, $0x10  }
0x1b0: {  	v34 =	vld.idx.msk [tilespmem:v17+s7+$0x0], $0xffff;
	v33 =	vadd.f32 v37, v33;
	[tilespmem:s5+$0xE080] =	vst v26;
	v19 =	vadd.f32 v36, v19;
	v26 =	vshll.u32 v39, $0x10  }
0x1b1: {  	v23 =	vadd.f32 v39, v23;
	v36 =	vld.idx.msk [tilespmem:v16+s15+$0x0], $0xffff;
	[tilespmem:s5+$0xE100] =	vst v27;
	v24 =	vadd.f32 v26, v24  }
0x1b2: {  	v27 =	vshll.u32 v35, $0x10;
	v37 =	vshll.u32 v30, $0x10;
	v30 =	vadd.f32 v30, v35;
	v26 =	vld.idx.msk [tilespmem:v15+s7+$0x0], $0xffff;
	[tilespmem:s5+$0xE880] =	vst v25  }
0x1b3: {  	v25 =	vshll.u32 v32, $0x10;
	v27 =	vadd.f32 v37, v27;
	v35 =	vld.idx.msk [tilespmem:v10+s15+$0x0], $0xffff;
	[tilespmem:s5+$0xE900] =	vst v28  }
0x1b4: {  	v37 =	vshll.u32 v31, $0x10;
	v30 =	vadd.f32 v31, v30;
	v28 =	vld.idx.msk [tilespmem:v22+s26+$0x0], $0xffff;
	[tilespmem:s5+$0xF000] =	vst v33  }
0x1b5: {  	v31 =	vshll.u32 v38, $0x10;
	v32 =	vadd.f32 v38, v32;
	v27 =	vadd.f32 v37, v27;
	v33 =	vld.idx.msk [tilespmem:v3+s26+$0x0], $0xffff;
	[tilespmem:s5+$0xF800] =	vst v29  }
0x1b6: {  	v25 =	vadd.f32 v31, v25;
	v29 =	vshll.u32 v34, $0x10;
	v31 =	vld.idx.msk [tilespmem:v2+s26+$0x0], $0xffff;
	[tilespmem:s4+$0xB980] =	vst v30  }
0x1b7: {  	v30 =	vshll.u32 v36, $0x10;
	v34 =	vadd.f32 v36, v34;
	[tilespmem:s4+$0xB180] =	vst v27;
	v27 =	vld.idx.msk [tilespmem:v6+s12+$0x0], $0xffff  }
0x1b8: {  	v29 =	vadd.f32 v30, v29;
	v30 =	vshll.u32 v26, $0x10;
	v36 =	vld.idx.msk [tilespmem:v14+s9+$0x0], $0xffff;
	[tilespmem:s30+$0x10080] =	vst v19  }
0x1b9: {  	v19 =	vshll.u32 v35, $0x10;
	v26 =	vadd.f32 v35, v26;
	v35 =	vld.idx.msk [tilespmem:v13+s17+$0x0], $0xffff;
	[tilespmem:s30+$0x10100] =	vst v24  }
0x1ba: {  	v24 =	vshll.u32 v28, $0x10;
	v28 =	vadd.f32 v28, v32;
	v19 =	vadd.f32 v19, v30;
	v30 =	vld.idx.msk [tilespmem:v5+s21+$0x0], $0xffff;
	[tilespmem:s30+$0x10880] =	vst v21  }
0x1bb: {  	v21 =	vadd.f32 v24, v25;
	v24 =	vshll.u32 v33, $0x10;
	v25 =	vadd.f32 v33, v34;
	v32 =	vld.idx.msk [tilespmem:v12+s0+$0x0], $0xffff;
	[tilespmem:s30+$0x10900] =	vst v23;
	s30 =	smov.u32 s5;
	s5 =	smov.u32 s4  }
0x1bc: {  	v23 =	vadd.f32 v24, v29;
	v24 =	vshll.u32 v31, $0x10;
	v26 =	vadd.f32 v31, v26;
	[tilespmem:s5+$0xA800] =	vst v28;
	v28 =	vld.idx.msk [tilespmem:v4+s12+$0x0], $0xffff  }
0x1bd: {  	v19 =	vadd.f32 v24, v19;
	[tilespmem:s5+$0xA000] =	vst v21;
	v21 =	vshll.u32 v27, $0x10;
	v24 =	vld.idx.msk [tilespmem:v11+s21+$0x0], $0xffff  }
0x1be: {  	v29 =	vld.idx.msk [tilespmem:v18+s8+$0x0], $0xffff;
	[tilespmem:s5+$0xA080] =	vst v23  }
0x1bf: {  	v31 =	vshll.u32 v35, $0x10;
	v33 =	vadd.f32 v35, v36;
	v23 =	vld.idx.msk [tilespmem:v20+s16+$0x0], $0xffff;
	[tilespmem:s5+$0xA100] =	vst v19;
	v19 =	vshll.u32 v36, $0x10  }
0x1c0: {  	v27 =	vadd.f32 v30, v27;
	v34 =	vld.idx.msk [tilespmem:v22+s29+$0x0], $0xffff;
	[tilespmem:s5+$0xA880] =	vst v25;
	v19 =	vadd.f32 v31, v19;
	v25 =	vshll.u32 v30, $0x10  }
0x1c1: {  	v31 =	vadd.f32 v32, v33;
	v30 =	vld.idx.msk [tilespmem:v17+s8+$0x0], $0xffff;
	[tilespmem:s5+$0xA900] =	vst v26;
	v26 =	vshll.u32 v32, $0x10;
	v21 =	vadd.f32 v25, v21  }
0x1c2: {  	v25 =	vld.idx.msk [tilespmem:v16+s16+$0x0], $0xffff;
	v19 =	vadd.f32 v26, v19;
	v26 =	vshll.u32 v28, $0x10  }
0x1c3: {  	v32 =	vld.idx.msk [tilespmem:v15+s8+$0x0], $0xffff;
	[tilespmem:s5+$0xC980] =	vst v31;
	v31 =	vshll.u32 v24, $0x10;
	v24 =	vadd.f32 v24, v28  }
0x1c4: {  	v28 =	vshll.u32 v29, $0x10;
	v33 =	vld.idx.msk [tilespmem:v10+s16+$0x0], $0xffff;
	[tilespmem:s5+$0xC180] =	vst v19;
	v19 =	vadd.f32 v31, v26  }
0x1c5: {  	v26 =	vshll.u32 v23, $0x10;
	v23 =	vadd.f32 v23, v29;
	v29 =	vld.idx.msk [tilespmem:v14+s10+$0x0], $0xffff  }
0x1c6: {  	v26 =	vadd.f32 v26, v28;
	v28 =	vshll.u32 v34, $0x10;
	v31 =	vld.idx.msk [tilespmem:v13+s19+$0x0], $0xffff  }
0x1c7: {  	v23 =	vadd.f32 v34, v23;
	v35 =	vshll.u32 v30, $0x10;
	v34 =	vld.idx.msk [tilespmem:v3+s29+$0x0], $0xffff  }
0x1c8: {  	v26 =	vadd.f32 v28, v26;
	v28 =	vshll.u32 v25, $0x10;
	v25 =	vadd.f32 v25, v30;
	v30 =	vld.idx.msk [tilespmem:v12+s2+$0x0], $0xffff  }
0x1c9: {  	[tilespmem:s5+$0xB800] =	vst v23;
	v23 =	vadd.f32 v28, v35;
	v28 =	vld.idx.msk [tilespmem:v2+s29+$0x0], $0xffff;
	v35 =	vshll.u32 v32, $0x10  }
0x1ca: {  	v32 =	vadd.f32 v33, v32;
	[tilespmem:s5+$0xB000] =	vst v26;
	v26 =	vshll.u32 v33, $0x10;
	v33 =	vld.idx.msk [tilespmem:v1+s31+$0x0], $0xffff  }
0x1cb: {  	v36 =	vld.idx.msk [tilespmem:v18+s9+$0x0], $0xffff;
	v26 =	vadd.f32 v26, v35  }
0x1cc: {  	v37 =	vshll.u32 v29, $0x10;
	v38 =	vshll.u32 v31, $0x10;
	v29 =	vadd.f32 v31, v29;
	v35 =	vld.idx.msk [tilespmem:v20+s17+$0x0], $0xffff  }
0x1cd: {  	v39 =	vshll.u32 v34, $0x10;
	v25 =	vadd.f32 v34, v25;
	v34 =	vadd.f32 v38, v37;
	v31 =	vld.idx.msk [tilespmem:v22+s0+$0x0], $0xffff  }
0x1ce: {  	v23 =	vadd.f32 v39, v23;
	v37 =	vshll.u32 v30, $0x10;
	v29 =	vadd.f32 v30, v29;
	v30 =	vld.idx.msk [tilespmem:v0+s31+$0x0], $0xffff  }
0x1cf: {  	[tilespmem:s5+$0xB880] =	vst v25;
	v25 =	vshll.u32 v28, $0x10;
	v28 =	vadd.f32 v28, v32;
	v32 =	vadd.f32 v37, v34;
	v34 =	vld.idx.msk [tilespmem:v9+s13+$0x0], $0xffff  }
0x1d0: {  	v37 =	vshll.u32 v33, $0x10;
	v27 =	vadd.f32 v33, v27;
	v25 =	vadd.f32 v25, v26;
	[tilespmem:s5+$0xD980] =	vst v29;
	v26 =	vld.idx.msk [tilespmem:v7+s22+$0x0], $0xffff  }
0x1d1: {  	v9 =	vmovc v18;
	v29 =	vshll.u32 v36, $0x10;
	v21 =	vadd.f32 v37, v21;
	v7 =	vmov v20;
	[tilespmem:s5+$0xD180] =	vst v32;
	v32 =	vld.idx.msk [tilespmem:v8+s28+$0x0], $0xffff  }
0x1d2: {  	v18 =	vshll.u32 v35, $0x10;
	v20 =	vadd.f32 v35, v36;
	v8 =	vmov v22;
	[tilespmem:s5+$0xB080] =	vst v23;
	v23 =	vld.idx.msk [tilespmem:v14+s11+$0x0], $0xffff  }
0x1d3: {  	v18 =	vadd.f32 v18, v29;
	v22 =	vshll.u32 v31, $0x10;
	[tilespmem:s5+$0xB100] =	vst v25;
	v25 =	vld.idx.msk [tilespmem:v13+s20+$0x0], $0xffff  }
0x1d4: {  	v20 =	vadd.f32 v31, v20;
	v24 =	vadd.f32 v30, v24;
	v29 =	vld.idx.msk [tilespmem:v17+s9+$0x0], $0xffff;
	[tilespmem:s5+$0xB900] =	vst v28;
	v28 =	vshll.u32 v30, $0x10  }
0x1d5: {  	v18 =	vadd.f32 v22, v18;
	v30 =	vshll.u32 v34, $0x10;
	v22 =	vld.idx.msk [tilespmem:v12+s3+$0x0], $0xffff;
	[tilespmem:s30+$0xF080] =	vst v21;
	v19 =	vadd.f32 v28, v19  }
0x1d6: {  	v21 =	vshll.u32 v26, $0x10;
	v26 =	vadd.f32 v26, v34;
	[tilespmem:s5+$0xC800] =	vst v20;
	v20 =	vld.idx.msk [tilespmem:v16+s17+$0x0], $0xffff  }
0x1d7: {  	v21 =	vadd.f32 v21, v30;
	v28 =	vshll.u32 v32, $0x10;
	[tilespmem:s5+$0xC000] =	vst v18;
	v18 =	vld.idx.msk [tilespmem:v15+s9+$0x0], $0xffff  }
0x1d8: {  	v26 =	vadd.f32 v32, v26;
	v30 =	vld.idx.msk [tilespmem:v10+s17+$0x0], $0xffff;
	[tilespmem:s30+$0xF100] =	vst v19  }
0x1d9: {  	v31 =	vshll.u32 v23, $0x10;
	v32 =	vshll.u32 v25, $0x10;
	v23 =	vadd.f32 v25, v23;
	v19 =	vld.idx.msk [tilespmem:v3+s0+$0x0], $0xffff;
	[tilespmem:s30+$0xF880] =	vst v27  }
0x1da: {  	v21 =	vadd.f32 v28, v21;
	v25 =	vshll.u32 v29, $0x10;
	v31 =	vadd.f32 v32, v31;
	v27 =	vld.idx.msk [tilespmem:v2+s0+$0x0], $0xffff;
	[tilespmem:s30+$0xF900] =	vst v24  }
0x1db: {  	v28 =	vshll.u32 v22, $0x10;
	v22 =	vadd.f32 v22, v23;
	v24 =	vld.idx.msk [tilespmem:v9+s10+$0x0], $0xffff;
	[tilespmem:s30+$0x10800] =	vst v26  }
0x1dc: {  	v26 =	vshll.u32 v20, $0x10;
	v20 =	vadd.f32 v20, v29;
	v28 =	vadd.f32 v28, v31;
	v23 =	vld.idx.msk [tilespmem:v7+s19+$0x0], $0xffff;
	[tilespmem:s30+$0x10000] =	vst v21  }
0x1dd: {  	v25 =	vadd.f32 v26, v25;
	v26 =	vshll.u32 v18, $0x10;
	v21 =	vld.idx.msk [tilespmem:v8+s2+$0x0], $0xffff;
	[tilespmem:s5+$0xE980] =	vst v22  }
0x1de: {  	v22 =	vshll.u32 v30, $0x10;
	v18 =	vadd.f32 v30, v18;
	[tilespmem:s5+$0xE180] =	vst v28;
	v28 =	vld.idx.msk [tilespmem:v6+s13+$0x0], $0xffff;
	v6 =	vmov v17  }
0x1df: {  	v17 =	vshll.u32 v19, $0x10;
	v19 =	vadd.f32 v19, v20;
	v20 =	vadd.f32 v22, v26;
	v22 =	vld.idx.msk [tilespmem:v14+s12+$0x0], $0xffff  }
0x1e0: {  	v17 =	vadd.f32 v17, v25;
	v25 =	vshll.u32 v27, $0x10;
	v18 =	vadd.f32 v27, v18;
	v26 =	vld.idx.msk [tilespmem:v13+s21+$0x0], $0xffff  }
0x1e1: {  	v27 =	vshll.u32 v24, $0x10;
	[tilespmem:s5+$0xC880] =	vst v19;
	v19 =	vadd.f32 v25, v20;
	v20 =	vld.idx.msk [tilespmem:v5+s22+$0x0], $0xffff;
	v5 =	vmov v16  }
0x1e2: {  	v25 =	vshll.u32 v23, $0x10;
	v23 =	vadd.f32 v23, v24;
	[tilespmem:s5+$0xC080] =	vst v17;
	v17 =	vld.idx.msk [tilespmem:v12+s31+$0x0], $0xffff  }
0x1e3: {  	v24 =	vadd.f32 v25, v27;
	v25 =	vshll.u32 v21, $0x10;
	v27 =	vld.idx.msk [tilespmem:v6+s10+$0x0], $0xffff;
	[tilespmem:s5+$0xC100] =	vst v19  }
0x1e4: {  	v19 =	vadd.f32 v21, v23;
	v16 =	vld.idx.msk [tilespmem:v16+s19+$0x0], $0xffff;
	[tilespmem:s5+$0xC900] =	vst v18;
	v18 =	vshll.u32 v28, $0x10  }
0x1e5: {  	v21 =	vadd.f32 v25, v24;
	v23 =	vld.idx.msk [tilespmem:v15+s10+$0x0], $0xffff  }
0x1e6: {  	v25 =	vshll.u32 v26, $0x10;
	[tilespmem:s5+$0xD800] =	vst v19;
	v24 =	vld.idx.msk [tilespmem:v10+s19+$0x0], $0xffff;
	v19 =	vshll.u32 v22, $0x10;
	v22 =	vadd.f32 v26, v22  }
0x1e7: {  	[tilespmem:s5+$0xD000] =	vst v21;
	v26 =	vld.idx.msk [tilespmem:v3+s2+$0x0], $0xffff;
	v25 =	vadd.f32 v25, v19;
	v19 =	vshll.u32 v20, $0x10;
	v21 =	vadd.f32 v20, v28  }
0x1e8: {  	v28 =	vshll.u32 v17, $0x10;
	v20 =	vld.idx.msk [tilespmem:v2+s2+$0x0], $0xffff;
	v17 =	vadd.f32 v17, v22;
	v19 =	vadd.f32 v19, v18  }
0x1e9: {  	v18 =	vshll.u32 v27, $0x10;
	v22 =	vld.idx.msk [tilespmem:v9+s11+$0x0], $0xffff;
	v25 =	vadd.f32 v28, v25  }
0x1ea: {  	v29 =	vshll.u32 v16, $0x10;
	v16 =	vadd.f32 v16, v27;
	v28 =	vld.idx.msk [tilespmem:v7+s20+$0x0], $0xffff;
	[tilespmem:s5+$0xF980] =	vst v17  }
0x1eb: {  	v18 =	vadd.f32 v29, v18;
	v27 =	vshll.u32 v23, $0x10;
	v17 =	vld.idx.msk [tilespmem:v8+s3+$0x0], $0xffff;
	[tilespmem:s5+$0xF180] =	vst v25  }
0x1ec: {  	v25 =	vshll.u32 v24, $0x10;
	v23 =	vadd.f32 v24, v23;
	v14 =	vld.idx.msk [tilespmem:v14+s13+$0x0], $0xffff  }
.Ltmp0:
0x1ed: {  	v24 =	vshll.u32 v26, $0x10;
	v26 =	vadd.f32 v26, v16;
	v25 =	vadd.f32 v25, v27;
	v13 =	vld.idx.msk [tilespmem:v13+s22+$0x0], $0xffff;
	(pc) =	sbr.rel @p0 .LBB2_3-.Ltmp0, $4  }
0x1ee: {  	v27 =	vadd.f32 v24, v18;
	v24 =	vshll.u32 v20, $0x10;
	v18 =	vadd.f32 v20, v23;
	v16 =	vld.idx.msk [tilespmem:v4+s13+$0x0], $0xffff;
	v4 =	vmovc v15  }
0x1ef: {  	v20 =	vshll.u32 v22, $0x10;
	v25 =	vadd.f32 v24, v25;
	[tilespmem:s5+$0xD880] =	vst v26;
	v12 =	vld.idx.msk [tilespmem:v12+s28+$0x0], $0xffff  }
0x1f0: {  	v23 =	vshll.u32 v28, $0x10;
	v24 =	vadd.f32 v28, v22;
	[tilespmem:s5+$0xD080] =	vst v27;
	v15 =	vld.idx.msk [tilespmem:v11+s22+$0x0], $0xffff;
	v11 =	vmov v10  }
0x1f1: {  	v22 =	vadd.f32 v23, v20;
	v23 =	vshll.u32 v17, $0x10;
	v20 =	vld.idx.msk [tilespmem:v6+s11+$0x0], $0xffff;
	[tilespmem:s5+$0xD100] =	vst v25  }
0x1f2: {  	_ =	sdelay $0x3  }
0x1f3: {  	v25 =	vld.idx.msk [tilespmem:v5+s20+$0x0], $0xffff;
	[tilespmem:s5+$0xD900] =	vst v18  }
0x1f4: {  	v18 =	vld.idx.msk [tilespmem:v4+s11+$0x0], $0xffff  }
0x1f5: {  	v10 =	vld.idx.msk [tilespmem:v10+s20+$0x0], $0xffff  }
0x1f6: {  	v26 =	vld.idx.msk [tilespmem:v3+s3+$0x0], $0xffff  }
0x1f7: {  	v17 =	vadd.f32 v17, v24;
	v24 =	vld.idx.msk [tilespmem:v2+s3+$0x0], $0xffff  }
0x1f8: {  	v22 =	vadd.f32 v23, v22  }
0x1f9: {  	v23 =	vshll.u32 v20, $0x10;
	v27 =	vshll.u32 v25, $0x10;
	v20 =	vadd.f32 v25, v20  }
0x1fa: {  	[tilespmem:s5+$0xE800] =	vst v17;
	v23 =	vadd.f32 v27, v23;
	v17 =	vshll.u32 v18, $0x10;
	v25 =	vshll.u32 v10, $0x10  }
0x1fb: {  	[tilespmem:s5+$0xE000] =	vst v22;
	v27 =	vshll.u32 v26, $0x10;
	v17 =	vadd.f32 v25, v17;
	v20 =	vadd.f32 v26, v20  }
0x1fc: {  	v10 =	vadd.f32 v10, v18;
	v18 =	vld.idx.msk [tilespmem:v9+s12+$0x0], $0xffff;
	v22 =	vadd.f32 v27, v23;
	v23 =	vshll.u32 v24, $0x10  }
0x1fd: {  	v25 =	vld.idx.msk [tilespmem:v7+s21+$0x0], $0xffff;
	v17 =	vadd.f32 v23, v17;
	[tilespmem:s5+$0xE880] =	vst v20  }
0x1fe: {  	v10 =	vadd.f32 v24, v10;
	[tilespmem:s5+$0xE080] =	vst v22;
	v22 =	vld.idx.msk [tilespmem:v8+s31+$0x0], $0xffff  }
0x1ff: {  	[tilespmem:s5+$0xE100] =	vst v17;
	v17 =	vld.idx.msk [tilespmem:v6+s12+$0x0], $0xffff  }
0x200: {  	[tilespmem:s5+$0xE900] =	vst v10;
	v10 =	vld.idx.msk [tilespmem:v5+s21+$0x0], $0xffff  }
0x201: {  	v23 =	vld.idx.msk [tilespmem:v11+s21+$0x0], $0xffff  }
0x202: {  	v24 =	vshll.u32 v18, $0x10;
	v26 =	vshll.u32 v25, $0x10;
	v18 =	vadd.f32 v25, v18;
	v25 =	vld.idx.msk [tilespmem:v3+s31+$0x0], $0xffff  }
0x203: {  	v20 =	vld.idx.msk [tilespmem:v4+s12+$0x0], $0xffff;
	v24 =	vadd.f32 v26, v24  }
0x204: {  	v26 =	vshll.u32 v22, $0x10  }
0x205: {  	v18 =	vadd.f32 v22, v18;
	v22 =	vld.idx.msk [tilespmem:v2+s31+$0x0], $0xffff;
	v24 =	vadd.f32 v26, v24  }
0x206: {  	v26 =	vshll.u32 v17, $0x10;
	v27 =	vshll.u32 v10, $0x10;
	v10 =	vadd.f32 v10, v17  }
0x207: {  	v1 =	vld.idx.msk [tilespmem:v1+s28+$0x0], $0xffff;
	v17 =	vadd.f32 v27, v26;
	v26 =	vshll.u32 v23, $0x10;
	v27 =	vshll.u32 v25, $0x10;
	[tilespmem:s5+$0xF800] =	vst v18  }
0x208: {  	v0 =	vld.idx.msk [tilespmem:v0+s28+$0x0], $0xffff;
	[tilespmem:s5+$0xF000] =	vst v24;
	v24 =	vshll.u32 v20, $0x10;
	v20 =	vadd.f32 v23, v20;
	v10 =	vadd.f32 v25, v10  }
0x209: {  	v18 =	vadd.f32 v26, v24;
	v17 =	vadd.f32 v27, v17;
	v9 =	vld.idx.msk [tilespmem:v9+s13+$0x0], $0xffff  }
0x20a: {  	v25 =	vshll.u32 v13, $0x10;
	v7 =	vld.idx.msk [tilespmem:v7+s22+$0x0], $0xffff;
	v23 =	vshll.u32 v22, $0x10;
	v20 =	vadd.f32 v22, v20;
	[tilespmem:s5+$0xF880] =	vst v10  }
0x20b: {  	v24 =	vshll.u32 v14, $0x10;
	v8 =	vld.idx.msk [tilespmem:v8+s28+$0x0], $0xffff;
	v10 =	vadd.f32 v13, v14;
	[tilespmem:s5+$0xF080] =	vst v17;
	v17 =	vadd.f32 v23, v18  }
0x20c: {  	v18 =	vadd.f32 v25, v24;
	v6 =	vld.idx.msk [tilespmem:v6+s13+$0x0], $0xffff;
	[tilespmem:s5+$0xF900] =	vst v20  }
0x20d: {  	v13 =	vshll.u32 v16, $0x10;
	v14 =	vshll.u32 v12, $0x10;
	v5 =	vld.idx.msk [tilespmem:v5+s22+$0x0], $0xffff;
	v10 =	vadd.f32 v12, v10;
	[tilespmem:s5+$0xF100] =	vst v17  }
0x20e: {  	v14 =	vadd.f32 v14, v18;
	v17 =	vshll.u32 v15, $0x10;
	v15 =	vadd.f32 v15, v16;
	v4 =	vld.idx.msk [tilespmem:v4+s13+$0x0], $0xffff  }
0x20f: {  	v16 =	vshll.u32 v0, $0x10;
	v12 =	vadd.f32 v17, v13;
	v13 =	vshll.u32 v1, $0x10;
	v11 =	vld.idx.msk [tilespmem:v11+s22+$0x0], $0xffff  }
0x210: {  	v3 =	vld.idx.msk [tilespmem:v3+s28+$0x0], $0xffff;
	v1 =	vadd.f32 v1, v21;
	[tilespmem:s5+$0x10980] =	vst v10;
	v10 =	vshll.u32 v9, $0x10;
	v13 =	vadd.f32 v13, v19  }
0x211: {  	v2 =	vld.idx.msk [tilespmem:v2+s28+$0x0], $0xffff;
	[tilespmem:s5+$0x10180] =	vst v14;
	v14 =	vshll.u32 v7, $0x10;
	v7 =	vadd.f32 v7, v9;
	v12 =	vadd.f32 v16, v12  }
0x212: {  	v0 =	vadd.f32 v0, v15;
	v9 =	vadd.f32 v14, v10;
	v10 =	vshll.u32 v8, $0x10;
	[tilespmem:s30+$0x10880] =	vst v1  }
0x213: {  	v7 =	vadd.f32 v8, v7;
	v8 =	vshll.u32 v6, $0x10;
	[tilespmem:s30+$0x10100] =	vst v12;
	v12 =	vshll.u32 v5, $0x10  }
0x214: {  	[tilespmem:s30+$0x10080] =	vst v13;
	v1 =	vadd.f32 v12, v8;
	v8 =	vshll.u32 v4, $0x10;
	v12 =	vshll.u32 v11, $0x10  }
0x215: {  	[tilespmem:s30+$0x10900] =	vst v0;
	v0 =	vadd.f32 v10, v9;
	v9 =	vshll.u32 v3, $0x10;
	v8 =	vadd.f32 v12, v8  }
0x216: {  	v5 =	vadd.f32 v5, v6;
	[tilespmem:s5+$0x10800] =	vst v7;
	v6 =	vshll.u32 v2, $0x10;
	v1 =	vadd.f32 v9, v1  }
0x217: {  	[tilespmem:s5+$0x10000] =	vst v0;
	v0 =	vadd.f32 v11, v4;
	v4 =	vadd.f32 v6, v8  }
0x218: {  	[tilespmem:s5+$0x10080] =	vst v1  }
0x219: {  	[tilespmem:s5+$0x10100] =	vst v4  }
0x21a: {  	s4 =	sshll.u32 s24, $0xF;
	v3 =	vadd.f32 v3, v5;
	s6 =	rddreg [dreg:$0x1e]  }
0x21b: {  	v0 =	vadd.f32 v2, v0;
	s4 =	sadd.s32 s6, s4  }
0x21c: {  	s25 =	rddreg [dreg:$0x2];
	[tilespmem:s5+$0x10880] =	vst v3;
	s6 =	sshrl.u32 s4, $0x3  }
0x21d: {  	s30 =	simm.s32 $0x9000;
	[tilespmem:s5+$0x10900] =	vst v0;
	s4 =	sadd.s32 s25, s6  }
0x21e: {  	[hbm4b:s4+s7] =	stream.strided.scatter [tilespmem:s30], [sflag:$0x2], $0x800, s14, s7, $0x38;
	[tilespmem:$0x19000] =	vst v63  }
0x21f: {  	s18 =	simm.s32 $0x9800;
	[smem:$0x7F6] =	sst s6;
	s6 =	sadd.s32 $0x20000, s4  }
0x220: {  	[hbm4b:s6+s7] =	stream.strided.scatter [tilespmem:s18], [sflag:$0x2], $0x800, s14, s7, $0x38;
	[tilespmem:$0x19000] =	vst v63  }
0x221: {  	s25 =	sadd.s32 $0x40000, s4;
	s30 =	simm.s32 $0xA000  }
0x222: {  	[hbm4b:s25+s7] =	stream.strided.scatter [tilespmem:s30], [sflag:$0x2], $0x800, s14, s7, $0x38;
	[tilespmem:$0x19000] =	vst v63  }
0x223: {  	s6 =	sadd.s32 $0x60000, s4;
	s18 =	simm.s32 $0xA800  }
0x224: {  	[hbm4b:s6+s7] =	stream.strided.scatter [tilespmem:s18], [sflag:$0x2], $0x800, s14, s7, $0x38;
	[tilespmem:$0x19000] =	vst v63  }
0x225: {  	s25 =	sadd.s32 $0x80000, s4;
	s30 =	simm.s32 $0xB000  }
0x226: {  	[hbm4b:s25+s7] =	stream.strided.scatter [tilespmem:s30], [sflag:$0x2], $0x800, s14, s7, $0x38;
	[tilespmem:$0x19000] =	vst v63  }
0x227: {  	s6 =	sadd.s32 $0xA0000, s4;
	s18 =	simm.s32 $0xB800  }
0x228: {  	[hbm4b:s6+s7] =	stream.strided.scatter [tilespmem:s18], [sflag:$0x2], $0x800, s14, s7, $0x38;
	[tilespmem:$0x19000] =	vst v63  }
0x229: {  	s25 =	sadd.s32 $0xC0000, s4;
	s30 =	simm.s32 $0xC000  }
0x22a: {  	[hbm4b:s25+s7] =	stream.strided.scatter [tilespmem:s30], [sflag:$0x2], $0x800, s14, s7, $0x38;
	[tilespmem:$0x19000] =	vst v63  }
0x22b: {  	s6 =	sadd.s32 $0xE0000, s4;
	s18 =	simm.s32 $0xC800  }
0x22c: {  	[hbm4b:s6+s7] =	stream.strided.scatter [tilespmem:s18], [sflag:$0x2], $0x800, s14, s7, $0x38;
	[tilespmem:$0x19000] =	vst v63  }
0x22d: {  	s25 =	sadd.s32 $0x100000, s4;
	s30 =	simm.s32 $0xD000  }
0x22e: {  	[hbm4b:s25+s7] =	stream.strided.scatter [tilespmem:s30], [sflag:$0x2], $0x800, s14, s7, $0x38;
	[tilespmem:$0x19000] =	vst v63  }
0x22f: {  	s6 =	sadd.s32 $0x120000, s4;
	s18 =	simm.s32 $0xD800  }
0x230: {  	[hbm4b:s6+s7] =	stream.strided.scatter [tilespmem:s18], [sflag:$0x2], $0x800, s14, s7, $0x38;
	[tilespmem:$0x19000] =	vst v63  }
0x231: {  	s25 =	sadd.s32 $0x140000, s4;
	s30 =	simm.s32 $0xE000  }
0x232: {  	[hbm4b:s25+s7] =	stream.strided.scatter [tilespmem:s30], [sflag:$0x2], $0x800, s14, s7, $0x38;
	[tilespmem:$0x19000] =	vst v63  }
0x233: {  	s6 =	sadd.s32 $0x160000, s4;
	s18 =	simm.s32 $0xE800  }
0x234: {  	[hbm4b:s6+s7] =	stream.strided.scatter [tilespmem:s18], [sflag:$0x2], $0x800, s14, s7, $0x38;
	[tilespmem:$0x19000] =	vst v63  }
0x235: {  	s25 =	sadd.s32 $0x180000, s4;
	s30 =	simm.s32 $0xF000  }
0x236: {  	[hbm4b:s25+s7] =	stream.strided.scatter [tilespmem:s30], [sflag:$0x2], $0x800, s14, s7, $0x38;
	[tilespmem:$0x19000] =	vst v63  }
0x237: {  	s6 =	sadd.s32 $0x1A0000, s4;
	s18 =	simm.s32 $0xF800  }
0x238: {  	[hbm4b:s6+s7] =	stream.strided.scatter [tilespmem:s18], [sflag:$0x2], $0x800, s14, s7, $0x38;
	[tilespmem:$0x19000] =	vst v63  }
0x239: {  	s25 =	sadd.s32 $0x1C0000, s4;
	s30 =	simm.s32 $0x10000  }
0x23a: {  	[hbm4b:s25+s7] =	stream.strided.scatter [tilespmem:s30], [sflag:$0x2], $0x800, s14, s7, $0x38;
	[tilespmem:$0x19000] =	vst v63  }
0x23b: {  	s4 =	sadd.s32 $0x1E0000, s4;
	s18 =	simm.s32 $0x10800;
	s25 =	simm.s32 $0x1  }
0x23c: {  	[hbm4b:s4+s7] =	stream.strided.scatter [tilespmem:s18], [sflag:$0x2], $0x800, s14, s7, $0x38;
	[tilespmem:$0x19000] =	vst v63  }
0x23d: {  	_ =	swait.ge [sflag:s25], $0x800  }
0x23e: {  	[sflag:s25] =	ssyncset.done $0x0  }
0x23f: {  	[sflag:s25] =	ssyncadd.s32 $0xFFFFF800  }
0x240: {  	_ =	swait.ge [sflag:s25], $0x800  }
0x241: {  	[sflag:s25] =	ssyncset.done $0x0  }
0x242: {  	[sflag:s25] =	ssyncadd.s32 $0xFFFFF800  }
0x243: {  	_ =	swait.ge [sflag:s25], $0x800  }
0x244: {  	s4 =	sld [smem:$0x7FB]  }
0x245: {  	s6 =	sld [smem:$0x7F7];
	_ =	sdelay $0x1  }
0x246: {  	p0 =	seq.s32 s24, $0x1F;
	[sflag:s25] =	ssyncset.done $0x0  }
0x247: {  	[sflag:s25] =	ssyncadd.s32 $0xFFFFF800;
	s4 =	sadd.s32 @!p0 s4, s6  }
0x248: {  	s18 =	simm.s32 @!p0 $0x6000;
	s5 =	rddreg [dreg:$0x0];
	s4 =	sshrl.u32 @!p0 s4, $0x3  }
0x249: {  	s6 =	simm.s32 @!p0 $0x2000;
	s4 =	sadd.s32 @!p0 s5, s4;
	s5 =	simm.s32 @!p0 $0x400  }
0x24a: {  	[tilespmem:s18], [sflag:$0x1] =	stream.strided.gather @!p0 [hbm4b:s4+s5], $0x800, s6, s5, $0x38;
	[tilespmem:$0x19000] =	vst v63  }
0x24b: {  	s25 =	simm.s32 @!p0 $0x6800;
	s18 =	sadd.s32 @!p0 $0x1000, s4  }
0x24c: {  	[tilespmem:s25], [sflag:$0x1] =	stream.strided.gather @!p0 [hbm4b:s18+s5], $0x800, s6, s5, $0x38;
	[tilespmem:$0x19000] =	vst v63  }
0x24d: {  	p1 =	seq.s32 @!p0 s24, $0x0;
	s4 =	sadd.s32 @!p0 $0x2000, s4;
	s18 =	simm.s32 @!p0 $0x7000  }
0x24e: {  	[tilespmem:s18], [sflag:$0x1] =	stream.strided.gather @!p0 [hbm4b:s4+s5], $0x800, s6, s5, $0x38;
	[tilespmem:$0x19000] =	vst v63  }
0x24f: {  	p0 =	por p0, !p1  }
0x250: {  	s4 =	simm.s32 @p0 $0x2  }
0x251: {  	_ =	swait.ge @p0 [sflag:s4], $0x8000  }
0x252: {  	s30 =	simm.s32 $0x0;
	s6 =	simm.s32 $0x0;
	[sflag:s4] =	ssyncset.done @p0 $0x0  }
0x253: {  	s5 =	sand.u32 $0x70, s6;
	[sflag:s4] =	ssyncadd.s32 @p0 $0xFFFF8000;
	s4 =	sand.u32 $0x600, s30  }
0x254: {  	s4 =	sor.u32 s5, s4  }
0x255: {  	v4 =	vld [tilespmem:s4+$0x7980]  }
0x256: {  	v3 =	vld [tilespmem:s4+$0x8180];
	_ =	sdelay $0x1  }
0x257: {  	v2 =	vld [tilespmem:s4+$0x8980];
	_ =	sdelay $0x3  }
0x258: {  	v15 =	vld [tilespmem:s4+$0x8000]  }
0x259: {  	v0 =	vld.idx.msk [tilespmem:v4+s1+$0x0], $0xffff  }
0x25a: {  	v1 =	vld.idx.msk [tilespmem:v3+s14+$0x0], $0xffff  }
0x25b: {  	v14 =	vld [tilespmem:s4+$0x7880]  }
0x25c: {  	v5 =	vld.idx.msk [tilespmem:v2+s23+$0x0], $0xffff  }
0x25d: {  	v16 =	vld [tilespmem:s4+$0x7800]  }
0x25e: {  	v13 =	vld [tilespmem:s4+$0x8080]  }
0x25f: {  	v12 =	vld [tilespmem:s4+$0x7900];
	v6 =	vshll.u32 v0, $0x10;
	v7 =	vshll.u32 v1, $0x10;
	v0 =	vadd.f32 v1, v0  }
0x260: {  	v11 =	vld [tilespmem:s4+$0x8100];
	v6 =	vadd.f32 v7, v6  }
0x261: {  	v17 =	vld [tilespmem:s4+$0x8800];
	v7 =	vshll.u32 v5, $0x10;
	v5 =	vadd.f32 v5, v0  }
0x262: {  	v8 =	vld.idx.msk [tilespmem:v15+s14+$0x0], $0xffff;
	v6 =	vadd.f32 v7, v6  }
0x263: {  	v10 =	vld.idx.msk [tilespmem:v14+s1+$0x0], $0xffff;
	[tilespmem:s4+$0x11980] =	vst v5  }
0x264: {  	v1 =	vld [tilespmem:s4+$0x8880];
	[tilespmem:s4+$0x11180] =	vst v6  }
0x265: {  	v6 =	vld.idx.msk [tilespmem:v4+s7+$0x0], $0xffff  }
0x266: {  	v7 =	vld.idx.msk [tilespmem:v3+s15+$0x0], $0xffff  }
0x267: {  	v0 =	vld [tilespmem:s4+$0x8900]  }
0x268: {  	v9 =	vld.idx.msk [tilespmem:v2+s26+$0x0], $0xffff  }
0x269: {  	v18 =	vld.idx.msk [tilespmem:v13+s14+$0x0], $0xffff  }
0x26a: {  	v5 =	vld.idx.msk [tilespmem:v16+s1+$0x0], $0xffff  }
0x26b: {  	v19 =	vld.idx.msk [tilespmem:v12+s1+$0x0], $0xffff;
	v20 =	vshll.u32 v6, $0x10;
	v21 =	vshll.u32 v7, $0x10;
	v6 =	vadd.f32 v7, v6  }
0x26c: {  	v7 =	vld.idx.msk [tilespmem:v11+s14+$0x0], $0xffff;
	v20 =	vadd.f32 v21, v20  }
0x26d: {  	v22 =	vshll.u32 v9, $0x10;
	v21 =	vld.idx.msk [tilespmem:v17+s23+$0x0], $0xffff;
	v6 =	vadd.f32 v9, v6  }
0x26e: {  	v9 =	vld.idx.msk [tilespmem:v1+s23+$0x0], $0xffff;
	v20 =	vadd.f32 v22, v20  }
0x26f: {  	v23 =	vshll.u32 v8, $0x10;
	v22 =	vshll.u32 v5, $0x10;
	v5 =	vadd.f32 v8, v5;
	[tilespmem:s4+$0x12980] =	vst v6  }
0x270: {  	v8 =	vshll.u32 v10, $0x10;
	v6 =	vadd.f32 v23, v22;
	v22 =	vshll.u32 v18, $0x10;
	v23 =	vld.idx.msk [tilespmem:v0+s23+$0x0], $0xffff;
	[tilespmem:s4+$0x12180] =	vst v20  }
0x271: {  	v10 =	vadd.f32 v18, v10;
	v18 =	vshll.u32 v19, $0x10;
	v8 =	vadd.f32 v22, v8;
	v20 =	vld.idx.msk [tilespmem:v4+s8+$0x0], $0xffff  }
0x272: {  	v22 =	vshll.u32 v7, $0x10;
	v24 =	vshll.u32 v21, $0x10;
	v5 =	vadd.f32 v21, v5;
	v21 =	vld.idx.msk [tilespmem:v3+s16+$0x0], $0xffff  }
0x273: {  	v7 =	vadd.f32 v7, v19;
	v6 =	vadd.f32 v24, v6;
	v19 =	vshll.u32 v9, $0x10  }
0x274: {  	v18 =	vadd.f32 v22, v18;
	[tilespmem:s4+$0x11800] =	vst v5;
	v5 =	vadd.f32 v19, v8;
	v8 =	vld.idx.msk [tilespmem:v2+s29+$0x0], $0xffff  }
0x275: {  	v9 =	vadd.f32 v9, v10;
	v10 =	vshll.u32 v23, $0x10;
	[tilespmem:s4+$0x11000] =	vst v6  }
0x276: {  	v6 =	vadd.f32 v23, v7;
	v7 =	vadd.f32 v10, v18;
	[tilespmem:s4+$0x11080] =	vst v5;
	v5 =	vld.idx.msk [tilespmem:v16+s7+$0x0], $0xffff  }
0x277: {  	[tilespmem:s4+$0x11880] =	vst v9;
	v9 =	vld.idx.msk [tilespmem:v15+s15+$0x0], $0xffff;
	v10 =	vshll.u32 v20, $0x10;
	v18 =	vshll.u32 v21, $0x10;
	v19 =	vadd.f32 v21, v20  }
0x278: {  	[tilespmem:s4+$0x11900] =	vst v6;
	v6 =	vld.idx.msk [tilespmem:v13+s15+$0x0], $0xffff;
	v10 =	vadd.f32 v18, v10  }
0x279: {  	[tilespmem:s4+$0x11100] =	vst v7;
	v7 =	vld.idx.msk [tilespmem:v14+s7+$0x0], $0xffff;
	v18 =	vshll.u32 v8, $0x10;
	v8 =	vadd.f32 v8, v19  }
0x27a: {  	v19 =	vld.idx.msk [tilespmem:v12+s7+$0x0], $0xffff;
	v10 =	vadd.f32 v18, v10  }
0x27b: {  	v18 =	vld.idx.msk [tilespmem:v17+s26+$0x0], $0xffff;
	[tilespmem:s4+$0x13980] =	vst v8  }
0x27c: {  	v8 =	vld.idx.msk [tilespmem:v1+s26+$0x0], $0xffff;
	[tilespmem:s4+$0x13180] =	vst v10  }
0x27d: {  	v10 =	vld.idx.msk [tilespmem:v4+s9+$0x0], $0xffff  }
0x27e: {  	v20 =	vshll.u32 v5, $0x10;
	v21 =	vshll.u32 v9, $0x10;
	v5 =	vadd.f32 v9, v5;
	v9 =	vld.idx.msk [tilespmem:v3+s17+$0x0], $0xffff  }
0x27f: {  	v22 =	vld.idx.msk [tilespmem:v11+s15+$0x0], $0xffff;
	v20 =	vadd.f32 v21, v20;
	v23 =	vshll.u32 v6, $0x10;
	v21 =	vshll.u32 v7, $0x10  }
0x280: {  	v21 =	vadd.f32 v23, v21;
	v23 =	vshll.u32 v18, $0x10;
	v5 =	vadd.f32 v18, v5;
	v18 =	vld.idx.msk [tilespmem:v2+s0+$0x0], $0xffff  }
0x281: {  	v24 =	vld.idx.msk [tilespmem:v0+s26+$0x0], $0xffff;
	v20 =	vadd.f32 v23, v20;
	v23 =	vshll.u32 v8, $0x10  }
0x282: {  	v6 =	vadd.f32 v6, v7;
	v7 =	vshll.u32 v19, $0x10;
	[tilespmem:s4+$0x12800] =	vst v5;
	v5 =	vadd.f32 v23, v21  }
0x283: {  	[tilespmem:s4+$0x12000] =	vst v20;
	v20 =	vshll.u32 v10, $0x10;
	v21 =	vshll.u32 v9, $0x10;
	v9 =	vadd.f32 v9, v10  }
0x284: {  	v6 =	vadd.f32 v8, v6;
	v10 =	vshll.u32 v22, $0x10;
	v8 =	vld.idx.msk [tilespmem:v16+s8+$0x0], $0xffff;
	v20 =	vadd.f32 v21, v20  }
0x285: {  	v7 =	vadd.f32 v10, v7;
	[tilespmem:s4+$0x12080] =	vst v5;
	v5 =	vld.idx.msk [tilespmem:v15+s16+$0x0], $0xffff;
	v10 =	vshll.u32 v18, $0x10;
	v9 =	vadd.f32 v18, v9  }
0x286: {  	[tilespmem:s4+$0x12880] =	vst v6;
	v21 =	vld.idx.msk [tilespmem:v17+s29+$0x0], $0xffff;
	v18 =	vadd.f32 v22, v19;
	v19 =	vshll.u32 v24, $0x10;
	v6 =	vadd.f32 v10, v20  }
0x287: {  	v7 =	vadd.f32 v19, v7;
	v10 =	vld.idx.msk [tilespmem:v14+s8+$0x0], $0xffff;
	[tilespmem:s4+$0x14980] =	vst v9  }
0x288: {  	v9 =	vadd.f32 v24, v18;
	v18 =	vld.idx.msk [tilespmem:v13+s16+$0x0], $0xffff;
	[tilespmem:s4+$0x14180] =	vst v6  }
0x289: {  	[tilespmem:s4+$0x12100] =	vst v7;
	v6 =	vld.idx.msk [tilespmem:v4+s10+$0x0], $0xffff  }
0x28a: {  	[tilespmem:s4+$0x12900] =	vst v9;
	v7 =	vld.idx.msk [tilespmem:v3+s19+$0x0], $0xffff  }
0x28b: {  	v19 =	vshll.u32 v8, $0x10;
	v20 =	vshll.u32 v5, $0x10;
	v9 =	vld.idx.msk [tilespmem:v12+s8+$0x0], $0xffff  }
0x28c: {  	v5 =	vadd.f32 v5, v8;
	v8 =	vadd.f32 v20, v19;
	v19 =	vld.idx.msk [tilespmem:v2+s2+$0x0], $0xffff  }
0x28d: {  	v22 =	vshll.u32 v21, $0x10;
	v20 =	vld.idx.msk [tilespmem:v11+s16+$0x0], $0xffff  }
0x28e: {  	v5 =	vadd.f32 v21, v5;
	v21 =	vld.idx.msk [tilespmem:v1+s29+$0x0], $0xffff;
	v8 =	vadd.f32 v22, v8  }
0x28f: {  	v22 =	vshll.u32 v6, $0x10;
	v23 =	vshll.u32 v7, $0x10;
	v6 =	vadd.f32 v7, v6  }
0x290: {  	v24 =	vshll.u32 v18, $0x10;
	[tilespmem:s4+$0x13800] =	vst v5;
	v5 =	vld.idx.msk [tilespmem:v0+s29+$0x0], $0xffff;
	v7 =	vshll.u32 v10, $0x10;
	v22 =	vadd.f32 v23, v22  }
0x291: {  	v10 =	vadd.f32 v18, v10;
	[tilespmem:s4+$0x13000] =	vst v8;
	v8 =	vshll.u32 v19, $0x10;
	v6 =	vadd.f32 v19, v6  }
0x292: {  	v7 =	vadd.f32 v24, v7;
	v18 =	vshll.u32 v9, $0x10;
	v23 =	vld.idx.msk [tilespmem:v15+s17+$0x0], $0xffff;
	v8 =	vadd.f32 v8, v22  }
0x293: {  	v19 =	vld.idx.msk [tilespmem:v16+s9+$0x0], $0xffff;
	v24 =	vshll.u32 v21, $0x10;
	v10 =	vadd.f32 v21, v10;
	v22 =	vshll.u32 v20, $0x10;
	[tilespmem:s4+$0x15980] =	vst v6  }
0x294: {  	v7 =	vadd.f32 v24, v7;
	v6 =	vadd.f32 v22, v18;
	v18 =	vld.idx.msk [tilespmem:v17+s0+$0x0], $0xffff;
	[tilespmem:s4+$0x15180] =	vst v8  }
0x295: {  	[tilespmem:s4+$0x13880] =	vst v10;
	v8 =	vadd.f32 v20, v9;
	v9 =	vshll.u32 v5, $0x10;
	v10 =	vld.idx.msk [tilespmem:v4+s11+$0x0], $0xffff  }
0x296: {  	[tilespmem:s4+$0x13080] =	vst v7;
	v6 =	vadd.f32 v9, v6;
	v7 =	vld.idx.msk [tilespmem:v3+s20+$0x0], $0xffff  }
0x297: {  	v5 =	vadd.f32 v5, v8;
	v8 =	vld.idx.msk [tilespmem:v14+s9+$0x0], $0xffff  }
0x298: {  	v20 =	vshll.u32 v23, $0x10;
	v9 =	vshll.u32 v19, $0x10;
	[tilespmem:s4+$0x13100] =	vst v6;
	v6 =	vld.idx.msk [tilespmem:v2+s3+$0x0], $0xffff  }
0x299: {  	v19 =	vadd.f32 v23, v19;
	v9 =	vadd.f32 v20, v9;
	[tilespmem:s4+$0x13900] =	vst v5;
	v5 =	vld.idx.msk [tilespmem:v13+s17+$0x0], $0xffff  }
0x29a: {  	v20 =	vshll.u32 v18, $0x10;
	v21 =	vld.idx.msk [tilespmem:v12+s9+$0x0], $0xffff  }
0x29b: {  	v18 =	vadd.f32 v18, v19;
	v9 =	vadd.f32 v20, v9;
	v19 =	vld.idx.msk [tilespmem:v11+s17+$0x0], $0xffff  }
0x29c: {  	v20 =	vld.idx.msk [tilespmem:v1+s0+$0x0], $0xffff;
	v22 =	vshll.u32 v10, $0x10;
	v23 =	vshll.u32 v7, $0x10;
	v7 =	vadd.f32 v7, v10  }
0x29d: {  	[tilespmem:s4+$0x14800] =	vst v18;
	v10 =	vld.idx.msk [tilespmem:v0+s0+$0x0], $0xffff;
	v18 =	vadd.f32 v23, v22  }
0x29e: {  	[tilespmem:s4+$0x14000] =	vst v9;
	v9 =	vshll.u32 v8, $0x10;
	v22 =	vshll.u32 v6, $0x10;
	v6 =	vadd.f32 v6, v7  }
0x29f: {  	v7 =	vld.idx.msk [tilespmem:v16+s10+$0x0], $0xffff;
	v23 =	vshll.u32 v5, $0x10;
	v5 =	vadd.f32 v5, v8;
	v8 =	vadd.f32 v22, v18  }
0x2a0: {  	v18 =	vld.idx.msk [tilespmem:v15+s19+$0x0], $0xffff;
	v9 =	vadd.f32 v23, v9;
	v22 =	vshll.u32 v21, $0x10;
	[tilespmem:s4+$0x16980] =	vst v6;
	v6 =	vshll.u32 v19, $0x10  }
0x2a1: {  	v23 =	vld.idx.msk [tilespmem:v17+s2+$0x0], $0xffff;
	[tilespmem:s4+$0x16180] =	vst v8;
	v8 =	vshll.u32 v20, $0x10;
	v5 =	vadd.f32 v20, v5;
	v6 =	vadd.f32 v6, v22  }
0x2a2: {  	v19 =	vadd.f32 v19, v21;
	v20 =	vld.idx.msk [tilespmem:v4+s12+$0x0], $0xffff;
	v8 =	vadd.f32 v8, v9;
	v9 =	vshll.u32 v10, $0x10  }
0x2a3: {  	v21 =	vld.idx.msk [tilespmem:v3+s21+$0x0], $0xffff;
	[tilespmem:s4+$0x14880] =	vst v5;
	v5 =	vadd.f32 v9, v6  }
0x2a4: {  	v6 =	vadd.f32 v10, v19;
	[tilespmem:s4+$0x14080] =	vst v8;
	v8 =	vld.idx.msk [tilespmem:v2+s31+$0x0], $0xffff  }
0x2a5: {  	v9 =	vshll.u32 v7, $0x10;
	v10 =	vshll.u32 v18, $0x10;
	v19 =	vld.idx.msk [tilespmem:v14+s10+$0x0], $0xffff;
	[tilespmem:s4+$0x14100] =	vst v5;
	v5 =	vadd.f32 v18, v7  }
0x2a6: {  	v7 =	vadd.f32 v10, v9;
	v9 =	vld.idx.msk [tilespmem:v13+s19+$0x0], $0xffff;
	[tilespmem:s4+$0x14900] =	vst v6  }
0x2a7: {  	v6 =	vshll.u32 v23, $0x10;
	v10 =	vld.idx.msk [tilespmem:v12+s10+$0x0], $0xffff;
	v5 =	vadd.f32 v23, v5  }
0x2a8: {  	v6 =	vadd.f32 v6, v7;
	v7 =	vld.idx.msk [tilespmem:v11+s19+$0x0], $0xffff  }
0x2a9: {  	v18 =	vshll.u32 v20, $0x10;
	v22 =	vshll.u32 v21, $0x10;
	v20 =	vadd.f32 v21, v20;
	v21 =	vld.idx.msk [tilespmem:v1+s2+$0x0], $0xffff;
	[tilespmem:s4+$0x15800] =	vst v5  }
0x2aa: {  	v5 =	vadd.f32 v22, v18;
	v18 =	vld.idx.msk [tilespmem:v0+s2+$0x0], $0xffff;
	[tilespmem:s4+$0x15000] =	vst v6  }
0x2ab: {  	s25 =	simm.s32 $0x200;
	s6 =	simm.s32 $0x4;
	v24 =	vld.idx.msk [tilespmem:v16+s11+$0x0], $0xffff  }
0x2ac: {  	s18 =	sand.u32 $0x70, s6;
	s30 =	sand.u32 $0x600, s25;
	v6 =	vshll.u32 v8, $0x10;
	v8 =	vadd.f32 v8, v20;
	v20 =	vshll.u32 v19, $0x10;
	v25 =	vld.idx.msk [tilespmem:v15+s20+$0x0], $0xffff  }
0x2ad: {  	s5 =	sor.u32 s18, s30;
	v26 =	vld.idx.msk [tilespmem:v17+s3+$0x0], $0xffff;
	v5 =	vadd.f32 v6, v5;
	v6 =	vshll.u32 v9, $0x10;
	v9 =	vadd.f32 v9, v19  }
0x2ae: {  	[tilespmem:s4+$0x17980] =	vst v8;
	v8 =	vshll.u32 v10, $0x10;
	v19 =	vshll.u32 v7, $0x10;
	v7 =	vadd.f32 v7, v10;
	v10 =	vld [tilespmem:s5+$0x8100]  }
0x2af: {  	[tilespmem:s4+$0x17180] =	vst v5;
	v5 =	vshll.u32 v21, $0x10;
	v9 =	vadd.f32 v21, v9;
	v21 =	vld [tilespmem:s5+$0x7980]  }
0x2b0: {  	v8 =	vadd.f32 v19, v8;
	v19 =	vld [tilespmem:s5+$0x8180]  }
0x2b1: {  	v22 =	vld.idx.msk [tilespmem:v4+s13+$0x0], $0xffff  }
0x2b2: {  	v6 =	vadd.f32 v6, v20;
	v23 =	vld.idx.msk [tilespmem:v3+s22+$0x0], $0xffff  }
0x2b3: {  	v20 =	vld.idx.msk [tilespmem:v2+s28+$0x0], $0xffff  }
0x2b4: {  	v4 =	vadd.f32 v5, v6;
	v6 =	vld [tilespmem:s5+$0x7880]  }
0x2b5: {  	v2 =	vld [tilespmem:s5+$0x8900]  }
0x2b6: {  	v5 =	vshll.u32 v18, $0x10;
	[tilespmem:s4+$0x15880] =	vst v9;
	v9 =	vld [tilespmem:s5+$0x7800]  }
0x2b7: {  	v3 =	vadd.f32 v5, v8;
	v5 =	vadd.f32 v18, v7;
	v18 =	vld [tilespmem:s5+$0x8980]  }
0x2b8: {  	v7 =	vld [tilespmem:s5+$0x8000]  }
0x2b9: {  	v8 =	vld [tilespmem:s5+$0x8800]  }
0x2ba: {  	[tilespmem:s4+$0x15080] =	vst v4;
	v4 =	vld [tilespmem:s5+$0x7900]  }
0x2bb: {  	v27 =	vld.idx.msk [tilespmem:v14+s11+$0x0], $0xffff  }
0x2bc: {  	v28 =	vld.idx.msk [tilespmem:v13+s20+$0x0], $0xffff  }
0x2bd: {  	[tilespmem:s4+$0x15900] =	vst v5;
	v5 =	vld [tilespmem:s5+$0x8080]  }
0x2be: {  	[tilespmem:s4+$0x15100] =	vst v3;
	v3 =	vld [tilespmem:s5+$0x8880]  }
0x2bf: {  	v29 =	vld.idx.msk [tilespmem:v12+s11+$0x0], $0xffff  }
0x2c0: {  	v31 =	vld.idx.msk [tilespmem:v21+s1+$0x0], $0xffff  }
0x2c1: {  	v32 =	vld.idx.msk [tilespmem:v19+s14+$0x0], $0xffff  }
0x2c2: {  	v40 =	vld.idx.msk [tilespmem:v10+s14+$0x0], $0xffff  }
0x2c3: {  	v33 =	vld.idx.msk [tilespmem:v18+s23+$0x0], $0xffff  }
0x2c4: {  	v54 =	vld.idx.msk [tilespmem:v6+s1+$0x0], $0xffff  }
0x2c5: {  	v42 =	vld.idx.msk [tilespmem:v2+s23+$0x0], $0xffff  }
0x2c6: {  	v52 =	vld.idx.msk [tilespmem:v9+s1+$0x0], $0xffff;
	v34 =	vshll.u32 v31, $0x10;
	v35 =	vshll.u32 v32, $0x10;
	v31 =	vadd.f32 v32, v31  }
0x2c7: {  	v38 =	vshll.u32 v24, $0x10;
	v53 =	vld.idx.msk [tilespmem:v7+s14+$0x0], $0xffff;
	v34 =	vadd.f32 v35, v34  }
0x2c8: {  	v24 =	vadd.f32 v25, v24;
	v41 =	vld.idx.msk [tilespmem:v8+s23+$0x0], $0xffff;
	v36 =	vshll.u32 v33, $0x10;
	v31 =	vadd.f32 v33, v31  }
0x2c9: {  	v55 =	vld.idx.msk [tilespmem:v5+s14+$0x0], $0xffff;
	v34 =	vadd.f32 v36, v34  }
0x2ca: {  	v24 =	vadd.f32 v26, v24;
	v56 =	vld.idx.msk [tilespmem:v4+s1+$0x0], $0xffff;
	[tilespmem:s5+$0x11980] =	vst v31  }
0x2cb: {  	v39 =	vshll.u32 v25, $0x10;
	v58 =	vshll.u32 v26, $0x10;
	v59 =	vld.idx.msk [tilespmem:v3+s23+$0x0], $0xffff;
	[tilespmem:s5+$0x11180] =	vst v34  }
0x2cc: {  	[tilespmem:s4+$0x16800] =	vst v24;
	v26 =	vshll.u32 v52, $0x10;
	v24 =	vshll.u32 v53, $0x10;
	v32 =	vadd.f32 v53, v52;
	v34 =	vld.idx.msk [tilespmem:v21+s7+$0x0], $0xffff  }
0x2cd: {  	v25 =	vadd.f32 v39, v38;
	v60 =	vshll.u32 v54, $0x10;
	v24 =	vadd.f32 v24, v26;
	v37 =	vld.idx.msk [tilespmem:v19+s15+$0x0], $0xffff  }
0x2ce: {  	v30 =	vld.idx.msk [tilespmem:v11+s20+$0x0], $0xffff;
	v62 =	vshll.u32 v41, $0x10;
	v33 =	vadd.f32 v55, v54;
	v32 =	vadd.f32 v41, v32  }
0x2cf: {  	v61 =	vshll.u32 v55, $0x10;
	v31 =	vadd.f32 v40, v56;
	v36 =	vadd.f32 v62, v24;
	v57 =	vld.idx.msk [tilespmem:v18+s26+$0x0], $0xffff  }
0x2d0: {  	v25 =	vadd.f32 v58, v25;
	v35 =	vld.idx.msk [tilespmem:v1+s3+$0x0], $0xffff;
	v63 =	vadd.f32 v61, v60;
	[tilespmem:s5+$0x11800] =	vst v32  }
0x2d1: {  	v26 =	vld.idx.msk [tilespmem:v0+s3+$0x0], $0xffff;
	v47 =	vshll.u32 v59, $0x10;
	v33 =	vadd.f32 v59, v33;
	v31 =	vadd.f32 v42, v31;
	[tilespmem:s5+$0x11000] =	vst v36  }
0x2d2: {  	[tilespmem:s4+$0x16000] =	vst v25;
	v51 =	vld.idx.msk [tilespmem:v9+s7+$0x0], $0xffff;
	v43 =	vshll.u32 v34, $0x10;
	v34 =	vadd.f32 v37, v34;
	v37 =	vshll.u32 v37, $0x10  }
0x2d3: {  	v45 =	vshll.u32 v56, $0x10;
	v32 =	vadd.f32 v47, v63;
	[tilespmem:s5+$0x11880] =	vst v33;
	v56 =	vld.idx.msk [tilespmem:v7+s15+$0x0], $0xffff;
	v37 =	vadd.f32 v37, v43  }
0x2d4: {  	v58 =	vshll.u32 v29, $0x10;
	v41 =	vld.idx.msk [tilespmem:v15+s21+$0x0], $0xffff;
	[tilespmem:s5+$0x11900] =	vst v31;
	v25 =	vshll.u32 v57, $0x10;
	v34 =	vadd.f32 v57, v34  }
0x2d5: {  	v52 =	vshll.u32 v27, $0x10;
	v27 =	vadd.f32 v28, v27;
	v63 =	vld.idx.msk [tilespmem:v8+s26+$0x0], $0xffff;
	[tilespmem:s5+$0x11080] =	vst v32;
	v37 =	vadd.f32 v25, v37  }
0x2d6: {  	v29 =	vadd.f32 v30, v29;
	v46 =	vshll.u32 v40, $0x10;
	v24 =	vld.idx.msk [tilespmem:v17+s31+$0x0], $0xffff;
	v61 =	vshll.u32 v30, $0x10;
	[tilespmem:s5+$0x12980] =	vst v34  }
0x2d7: {  	v53 =	vshll.u32 v28, $0x10;
	v27 =	vadd.f32 v35, v27;
	v28 =	vadd.f32 v61, v58;
	v31 =	vld.idx.msk [tilespmem:v5+s15+$0x0], $0xffff;
	[tilespmem:s5+$0x12180] =	vst v37  }
0x2d8: {  	v47 =	vshll.u32 v26, $0x10;
	v26 =	vadd.f32 v26, v29;
	v33 =	vadd.f32 v56, v51;
	v48 =	vld.idx.msk [tilespmem:v21+s8+$0x0], $0xffff  }
0x2d9: {  	[tilespmem:s4+$0x16880] =	vst v27;
	v28 =	vadd.f32 v47, v28;
	v37 =	vadd.f32 v46, v45;
	v49 =	vld.idx.msk [tilespmem:v19+s16+$0x0], $0xffff  }
0x2da: {  	v50 =	vshll.u32 v42, $0x10;
	v27 =	vld.idx.msk [tilespmem:v3+s26+$0x0], $0xffff;
	[tilespmem:s4+$0x16900] =	vst v26;
	v30 =	vadd.f32 v63, v33  }
0x2db: {  	[tilespmem:s4+$0x16100] =	vst v28;
	v54 =	vld.idx.msk [tilespmem:v18+s29+$0x0], $0xffff;
	v36 =	vadd.f32 v50, v37  }
0x2dc: {  	v25 =	vld.idx.msk [tilespmem:v16+s12+$0x0], $0xffff;
	[tilespmem:s5+$0x12800] =	vst v30  }
0x2dd: {  	v55 =	vadd.f32 v53, v52;
	v57 =	vshll.u32 v35, $0x10;
	v30 =	vld.idx.msk [tilespmem:v12+s12+$0x0], $0xffff;
	[tilespmem:s5+$0x11100] =	vst v36  }
0x2de: {  	v39 =	vld.idx.msk [tilespmem:v4+s7+$0x0], $0xffff;
	v59 =	vshll.u32 v48, $0x10;
	v60 =	vshll.u32 v49, $0x10;
	v34 =	vadd.f32 v49, v48  }
0x2df: {  	v37 =	vadd.f32 v57, v55;
	v62 =	vld.idx.msk [tilespmem:v10+s15+$0x0], $0xffff;
	v40 =	vadd.f32 v60, v59  }
0x2e0: {  	v36 =	vld.idx.msk [tilespmem:v6+s7+$0x0], $0xffff;
	v45 =	vshll.u32 v54, $0x10;
	v32 =	vadd.f32 v54, v34  }
0x2e1: {  	[tilespmem:s4+$0x16080] =	vst v37;
	v48 =	vld.idx.msk [tilespmem:v2+s26+$0x0], $0xffff;
	v46 =	vadd.f32 v45, v40  }
0x2e2: {  	v50 =	vshll.u32 v56, $0x10;
	v29 =	vld.idx.msk [tilespmem:v14+s12+$0x0], $0xffff;
	v49 =	vshll.u32 v51, $0x10;
	[tilespmem:s5+$0x13980] =	vst v32  }
0x2e3: {  	v33 =	vld.idx.msk [tilespmem:v13+s21+$0x0], $0xffff;
	v32 =	vadd.f32 v50, v49;
	[tilespmem:s5+$0x13180] =	vst v46  }
0x2e4: {  	v56 =	vshll.u32 v63, $0x10;
	v35 =	vadd.f32 v62, v39;
	v51 =	vld.idx.msk [tilespmem:v21+s9+$0x0], $0xffff  }
0x2e5: {  	v53 =	vshll.u32 v31, $0x10;
	v54 =	vld.idx.msk [tilespmem:v19+s17+$0x0], $0xffff;
	v32 =	vadd.f32 v56, v32  }
0x2e6: {  	v52 =	vshll.u32 v36, $0x10;
	v31 =	vadd.f32 v31, v36;
	v58 =	vld.idx.msk [tilespmem:v18+s0+$0x0], $0xffff;
	v35 =	vadd.f32 v48, v35  }
0x2e7: {  	v55 =	vadd.f32 v53, v52;
	v26 =	vshll.u32 v39, $0x10;
	v57 =	vshll.u32 v62, $0x10;
	[tilespmem:s5+$0x12000] =	vst v32;
	v32 =	vld.idx.msk [tilespmem:v11+s21+$0x0], $0xffff  }
0x2e8: {  	v59 =	vshll.u32 v27, $0x10;
	v26 =	vadd.f32 v57, v26;
	v27 =	vadd.f32 v27, v31;
	[tilespmem:s5+$0x12900] =	vst v35;
	v35 =	vld.idx.msk [tilespmem:v0+s31+$0x0], $0xffff  }
0x2e9: {  	v60 =	vshll.u32 v48, $0x10;
	v28 =	vadd.f32 v59, v55;
	v61 =	vld.idx.msk [tilespmem:v9+s8+$0x0], $0xffff  }
0x2ea: {  	v26 =	vadd.f32 v60, v26;
	[tilespmem:s5+$0x12880] =	vst v27;
	v62 =	vld.idx.msk [tilespmem:v7+s16+$0x0], $0xffff  }
0x2eb: {  	[tilespmem:s5+$0x12080] =	vst v28;
	v44 =	vld.idx.msk [tilespmem:v8+s29+$0x0], $0xffff  }
0x2ec: {  	[tilespmem:s5+$0x12100] =	vst v26;
	v26 =	vld.idx.msk [tilespmem:v6+s8+$0x0], $0xffff;
	v63 =	vshll.u32 v51, $0x10;
	v43 =	vshll.u32 v54, $0x10;
	v37 =	vadd.f32 v54, v51  }
0x2ed: {  	v46 =	vld.idx.msk [tilespmem:v5+s16+$0x0], $0xffff;
	v27 =	vadd.f32 v43, v63  }
0x2ee: {  	v55 =	vshll.u32 v41, $0x10;
	v53 =	vld.idx.msk [tilespmem:v3+s29+$0x0], $0xffff;
	v45 =	vshll.u32 v58, $0x10;
	v34 =	vadd.f32 v58, v37  }
0x2ef: {  	v36 =	vld.idx.msk [tilespmem:v4+s8+$0x0], $0xffff;
	v54 =	vshll.u32 v25, $0x10;
	v25 =	vadd.f32 v41, v25;
	v27 =	vadd.f32 v45, v27  }
0x2f0: {  	v57 =	vshll.u32 v23, $0x10;
	v47 =	vld.idx.msk [tilespmem:v10+s16+$0x0], $0xffff;
	v51 =	vshll.u32 v22, $0x10;
	v42 =	vadd.f32 v55, v54;
	[tilespmem:s5+$0x14980] =	vst v34  }
0x2f1: {  	v22 =	vadd.f32 v23, v22;
	v23 =	vshll.u32 v24, $0x10;
	v58 =	vld.idx.msk [tilespmem:v2+s29+$0x0], $0xffff;
	v24 =	vadd.f32 v24, v25;
	[tilespmem:s5+$0x14180] =	vst v27  }
0x2f2: {  	v48 =	vshll.u32 v62, $0x10;
	v23 =	vadd.f32 v23, v42;
	v27 =	vshll.u32 v61, $0x10;
	v49 =	vld.idx.msk [tilespmem:v21+s10+$0x0], $0xffff  }
0x2f3: {  	v28 =	vadd.f32 v62, v61;
	v52 =	vshll.u32 v44, $0x10;
	[tilespmem:s4+$0x17800] =	vst v24;
	v27 =	vadd.f32 v48, v27;
	v50 =	vld.idx.msk [tilespmem:v19+s19+$0x0], $0xffff  }
0x2f4: {  	v62 =	vshll.u32 v46, $0x10;
	v24 =	vadd.f32 v46, v26;
	v46 =	vshll.u32 v20, $0x10;
	[tilespmem:s4+$0x17000] =	vst v23;
	v56 =	vld.idx.msk [tilespmem:v18+s2+$0x0], $0xffff  }
0x2f5: {  	v20 =	vadd.f32 v20, v22;
	v22 =	vshll.u32 v29, $0x10;
	v16 =	vld.idx.msk [tilespmem:v16+s13+$0x0], $0xffff;
	v27 =	vadd.f32 v52, v27  }
0x2f6: {  	v29 =	vadd.f32 v33, v29;
	v28 =	vadd.f32 v44, v28;
	v23 =	vshll.u32 v26, $0x10;
	v15 =	vld.idx.msk [tilespmem:v15+s22+$0x0], $0xffff  }
0x2f7: {  	v39 =	vshll.u32 v53, $0x10;
	v23 =	vadd.f32 v62, v23;
	v24 =	vadd.f32 v53, v24;
	[tilespmem:s5+$0x13000] =	vst v27;
	v27 =	vld.idx.msk [tilespmem:v1+s31+$0x0], $0xffff  }
0x2f8: {  	v17 =	vld.idx.msk [tilespmem:v17+s28+$0x0], $0xffff;
	[tilespmem:s5+$0x13800] =	vst v28;
	v60 =	vshll.u32 v49, $0x10;
	v61 =	vshll.u32 v50, $0x10;
	v31 =	vadd.f32 v50, v49  }
0x2f9: {  	v45 =	vshll.u32 v47, $0x10;
	v23 =	vadd.f32 v39, v23;
	v25 =	vld.idx.msk [tilespmem:v9+s9+$0x0], $0xffff;
	v42 =	vadd.f32 v61, v60  }
0x2fa: {  	v48 =	vshll.u32 v33, $0x10;
	[tilespmem:s5+$0x13880] =	vst v24;
	v59 =	vld.idx.msk [tilespmem:v7+s17+$0x0], $0xffff;
	v26 =	vshll.u32 v56, $0x10;
	v31 =	vadd.f32 v56, v31  }
0x2fb: {  	v44 =	vshll.u32 v36, $0x10;
	v22 =	vadd.f32 v48, v22;
	[tilespmem:s5+$0x13080] =	vst v23;
	v63 =	vld.idx.msk [tilespmem:v8+s0+$0x0], $0xffff;
	v26 =	vadd.f32 v26, v42  }
0x2fc: {  	v49 =	vld.idx.msk [tilespmem:v6+s9+$0x0], $0xffff;
	[tilespmem:s5+$0x15980] =	vst v31;
	v31 =	vadd.f32 v45, v44;
	v54 =	vshll.u32 v27, $0x10;
	v27 =	vadd.f32 v27, v29  }
0x2fd: {  	v34 =	vadd.f32 v47, v36;
	v24 =	vshll.u32 v58, $0x10;
	v53 =	vld.idx.msk [tilespmem:v5+s17+$0x0], $0xffff;
	[tilespmem:s5+$0x15180] =	vst v26;
	v22 =	vadd.f32 v54, v22  }
0x2fe: {  	v38 =	vadd.f32 v57, v51;
	v47 =	vld.idx.msk [tilespmem:v21+s11+$0x0], $0xffff;
	v24 =	vadd.f32 v24, v31;
	[tilespmem:s4+$0x17880] =	vst v27  }
0x2ff: {  	v57 =	vshll.u32 v30, $0x10;
	v30 =	vadd.f32 v32, v30;
	v28 =	vadd.f32 v58, v34;
	v23 =	vld.idx.msk [tilespmem:v19+s20+$0x0], $0xffff;
	[tilespmem:s4+$0x17080] =	vst v22  }
0x300: {  	v50 =	vshll.u32 v25, $0x10;
	v51 =	vshll.u32 v59, $0x10;
	v25 =	vadd.f32 v59, v25;
	[tilespmem:s5+$0x13100] =	vst v24;
	v24 =	vld.idx.msk [tilespmem:v18+s3+$0x0], $0xffff  }
0x301: {  	[tilespmem:s5+$0x13900] =	vst v28;
	v52 =	vadd.f32 v51, v50;
	v14 =	vld.idx.msk [tilespmem:v14+s13+$0x0], $0xffff  }
0x302: {  	v30 =	vadd.f32 v35, v30;
	v55 =	vshll.u32 v63, $0x10;
	v25 =	vadd.f32 v63, v25;
	v56 =	vld.idx.msk [tilespmem:v4+s9+$0x0], $0xffff  }
0x303: {  	v26 =	vadd.f32 v46, v38;
	v31 =	vadd.f32 v55, v52;
	v58 =	vld.idx.msk [tilespmem:v10+s17+$0x0], $0xffff  }
0x304: {  	[tilespmem:s5+$0x14800] =	vst v25;
	v25 =	vld.idx.msk [tilespmem:v3+s0+$0x0], $0xffff;
	v59 =	vshll.u32 v47, $0x10;
	v60 =	vshll.u32 v23, $0x10;
	v23 =	vadd.f32 v23, v47  }
0x305: {  	v40 =	vshll.u32 v49, $0x10;
	v41 =	vshll.u32 v53, $0x10;
	v62 =	vld.idx.msk [tilespmem:v2+s0+$0x0], $0xffff;
	[tilespmem:s5+$0x14000] =	vst v31;
	v63 =	vadd.f32 v60, v59  }
0x306: {  	v28 =	vadd.f32 v53, v49;
	v22 =	vld.idx.msk [tilespmem:v9+s10+$0x0], $0xffff;
	v37 =	vshll.u32 v24, $0x10;
	v23 =	vadd.f32 v24, v23  }
0x307: {  	v54 =	vshll.u32 v16, $0x10;
	v16 =	vadd.f32 v15, v16;
	v27 =	vld.idx.msk [tilespmem:v7+s19+$0x0], $0xffff;
	v31 =	vadd.f32 v37, v63  }
0x308: {  	v13 =	vld.idx.msk [tilespmem:v13+s22+$0x0], $0xffff;
	v43 =	vshll.u32 v56, $0x10;
	v44 =	vshll.u32 v58, $0x10;
	[tilespmem:s5+$0x16980] =	vst v23;
	v23 =	vadd.f32 v41, v40  }
0x309: {  	v42 =	vld.idx.msk [tilespmem:v8+s2+$0x0], $0xffff;
	v45 =	vshll.u32 v25, $0x10;
	v25 =	vadd.f32 v25, v28;
	v34 =	vadd.f32 v58, v56;
	[tilespmem:s5+$0x16180] =	vst v31  }
0x30a: {  	[tilespmem:s4+$0x18980] =	vst v20;
	v15 =	vshll.u32 v15, $0x10;
	v46 =	vadd.f32 v44, v43;
	v47 =	vld.idx.msk [tilespmem:v21+s12+$0x0], $0xffff;
	v23 =	vadd.f32 v45, v23  }
0x30b: {  	v15 =	vadd.f32 v15, v54;
	v48 =	vshll.u32 v62, $0x10;
	[tilespmem:s5+$0x14880] =	vst v25;
	v51 =	vadd.f32 v62, v34;
	v49 =	vld.idx.msk [tilespmem:v19+s21+$0x0], $0xffff  }
0x30c: {  	v52 =	vshll.u32 v22, $0x10;
	v53 =	vshll.u32 v27, $0x10;
	v25 =	vadd.f32 v48, v46;
	[tilespmem:s5+$0x14080] =	vst v23;
	v23 =	vld.idx.msk [tilespmem:v18+s31+$0x0], $0xffff  }
0x30d: {  	v61 =	vshll.u32 v32, $0x10;
	v22 =	vadd.f32 v27, v22;
	v27 =	vadd.f32 v53, v52;
	[tilespmem:s5+$0x14900] =	vst v51;
	v55 =	vld.idx.msk [tilespmem:v6+s10+$0x0], $0xffff  }
0x30e: {  	v16 =	vadd.f32 v17, v16;
	v24 =	vadd.f32 v61, v57;
	[tilespmem:s5+$0x14100] =	vst v25;
	v25 =	vshll.u32 v42, $0x10;
	v56 =	vld.idx.msk [tilespmem:v5+s19+$0x0], $0xffff  }
0x30f: {  	v50 =	vshll.u32 v35, $0x10;
	[tilespmem:s4+$0x18180] =	vst v26;
	v22 =	vadd.f32 v42, v22;
	v25 =	vadd.f32 v25, v27;
	v26 =	vld.idx.msk [tilespmem:v4+s10+$0x0], $0xffff  }
0x310: {  	[tilespmem:s4+$0x17900] =	vst v30;
	v27 =	vld.idx.msk [tilespmem:v10+s19+$0x0], $0xffff;
	v20 =	vshll.u32 v47, $0x10;
	v57 =	vshll.u32 v49, $0x10;
	v32 =	vadd.f32 v49, v47  }
0x311: {  	v24 =	vadd.f32 v50, v24;
	[tilespmem:s5+$0x15800] =	vst v22;
	v22 =	vld.idx.msk [tilespmem:v3+s2+$0x0], $0xffff;
	v20 =	vadd.f32 v57, v20  }
0x312: {  	v58 =	vshll.u32 v17, $0x10;
	[tilespmem:s5+$0x15000] =	vst v25;
	v25 =	vld.idx.msk [tilespmem:v2+s2+$0x0], $0xffff;
	v17 =	vshll.u32 v23, $0x10;
	v23 =	vadd.f32 v23, v32  }
0x313: {  	v59 =	vshll.u32 v14, $0x10;
	v60 =	vshll.u32 v13, $0x10;
	[tilespmem:s4+$0x17100] =	vst v24;
	v24 =	vld.idx.msk [tilespmem:v9+s11+$0x0], $0xffff;
	v28 =	vadd.f32 v17, v20  }
0x314: {  	v15 =	vadd.f32 v58, v15;
	v61 =	vld.idx.msk [tilespmem:v7+s20+$0x0], $0xffff;
	v20 =	vadd.f32 v13, v14;
	v13 =	vshll.u32 v55, $0x10;
	[tilespmem:s5+$0x17980] =	vst v23  }
0x315: {  	v14 =	vshll.u32 v56, $0x10;
	v17 =	vld.idx.msk [tilespmem:v8+s3+$0x0], $0xffff;
	v63 =	vshll.u32 v27, $0x10;
	v23 =	vadd.f32 v56, v55;
	[tilespmem:s5+$0x17180] =	vst v28  }
0x316: {  	[tilespmem:s4+$0x18000] =	vst v15;
	v15 =	vadd.f32 v27, v26;
	v62 =	vadd.f32 v14, v13;
	v13 =	vshll.u32 v26, $0x10;
	v14 =	vld.idx.msk [tilespmem:v21+s13+$0x0], $0xffff  }
0x317: {  	[tilespmem:s4+$0x18800] =	vst v16;
	v16 =	vshll.u32 v22, $0x10;
	v21 =	vadd.f32 v22, v23;
	v22 =	vadd.f32 v63, v13;
	v13 =	vld.idx.msk [tilespmem:v19+s22+$0x0], $0xffff  }
0x318: {  	v26 =	vshll.u32 v25, $0x10;
	v23 =	vadd.f32 v16, v62;
	v16 =	vld.idx.msk [tilespmem:v12+s13+$0x0], $0xffff;
	v19 =	vadd.f32 v60, v59  }
0x319: {  	v12 =	vld.idx.msk [tilespmem:v18+s28+$0x0], $0xffff;
	v18 =	vadd.f32 v25, v15;
	[tilespmem:s5+$0x15880] =	vst v21;
	v26 =	vadd.f32 v26, v22  }
0x31a: {  	v15 =	vld.idx.msk [tilespmem:v11+s22+$0x0], $0xffff;
	v21 =	vshll.u32 v24, $0x10;
	v22 =	vshll.u32 v61, $0x10;
	[tilespmem:s5+$0x15080] =	vst v23;
	v24 =	vadd.f32 v61, v24  }
0x31b: {  	v11 =	vmov v10;
	v23 =	vshll.u32 v17, $0x10;
	v22 =	vadd.f32 v22, v21;
	v21 =	vld.idx.msk [tilespmem:v6+s11+$0x0], $0xffff;
	[tilespmem:s5+$0x15100] =	vst v26  }
.LBB2_5:
0x31c: {  	s6 =	sadd.s32 $0x4, s6;
	v17 =	vadd.f32 v17, v24;
	v25 =	vld.idx.msk [tilespmem:v5+s20+$0x0], $0xffff;
	[tilespmem:s5+$0x15900] =	vst v18;
	s25 =	sadd.s32 $0x200, s25  }
0x31d: {  	v24 =	vshll.u32 v13, $0x10;
	s18 =	sand.u32 $0x70, s6;
	s30 =	sand.u32 $0x600, s25;
	p0 =	slt.u32 s6, $0x7C;
	v18 =	vadd.f32 v23, v22;
	v22 =	vld.idx.msk [tilespmem:v4+s11+$0x0], $0xffff;
	v23 =	vshll.u32 v14, $0x10  }
0x31e: {  	v26 =	vshll.u32 v16, $0x10;
	s30 =	sor.u32 s18, s30;
	[tilespmem:s5+$0x16800] =	vst v17;
	v10 =	vld.idx.msk [tilespmem:v10+s20+$0x0], $0xffff;
	v17 =	vadd.f32 v24, v23;
	v24 =	vadd.f32 v13, v14  }
0x31f: {  	v14 =	vld [tilespmem:s30+$0x7980];
	[tilespmem:s5+$0x16000] =	vst v18;
	v18 =	vshll.u32 v12, $0x10  }
0x320: {  	v27 =	vshll.u32 v15, $0x10;
	v23 =	vadd.f32 v15, v16;
	v13 =	vld [tilespmem:s30+$0x8180];
	v17 =	vadd.f32 v18, v17  }
0x321: {  	v15 =	vshll.u32 v21, $0x10;
	v16 =	vadd.f32 v12, v24;
	v24 =	vadd.f32 v27, v26;
	v18 =	vld [tilespmem:s30+$0x7800]  }
0x322: {  	v26 =	vshll.u32 v25, $0x10;
	v25 =	vadd.f32 v25, v21;
	v12 =	vld [tilespmem:s30+$0x8980];
	[tilespmem:s5+$0x18180] =	vst v17  }
0x323: {  	v26 =	vadd.f32 v26, v15;
	v15 =	vshll.u32 v22, $0x10;
	v21 =	vld [tilespmem:s30+$0x8000];
	[tilespmem:s5+$0x18980] =	vst v16  }
0x324: {  	v27 =	vshll.u32 v10, $0x10;
	v28 =	vadd.f32 v10, v22;
	v17 =	vld [tilespmem:s30+$0x7880]  }
0x325: {  	v27 =	vadd.f32 v27, v15;
	v16 =	vld [tilespmem:s30+$0x8080]  }
0x326: {  	v15 =	vld [tilespmem:s30+$0x7900]  }
0x327: {  	v29 =	vld.idx.msk [tilespmem:v14+s1+$0x0], $0xffff  }
0x328: {  	v30 =	vld.idx.msk [tilespmem:v13+s14+$0x0], $0xffff  }
0x329: {  	v10 =	vld [tilespmem:s30+$0x8100]  }
0x32a: {  	v31 =	vld.idx.msk [tilespmem:v12+s23+$0x0], $0xffff  }
0x32b: {  	v22 =	vld [tilespmem:s30+$0x8800]  }
0x32c: {  	v32 =	vld [tilespmem:s30+$0x8880]  }
0x32d: {  	v33 =	vld [tilespmem:s30+$0x8900]  }
0x32e: {  	v35 =	vshll.u32 v29, $0x10;
	v36 =	vshll.u32 v30, $0x10;
	v29 =	vadd.f32 v30, v29;
	v34 =	vld.idx.msk [tilespmem:v18+s1+$0x0], $0xffff  }
0x32f: {  	v35 =	vadd.f32 v36, v35;
	v30 =	vld.idx.msk [tilespmem:v21+s14+$0x0], $0xffff  }
0x330: {  	v37 =	vshll.u32 v31, $0x10;
	v29 =	vadd.f32 v31, v29;
	v36 =	vld.idx.msk [tilespmem:v17+s1+$0x0], $0xffff  }
0x331: {  	v35 =	vadd.f32 v37, v35;
	v31 =	vld.idx.msk [tilespmem:v16+s14+$0x0], $0xffff  }
0x332: {  	v37 =	vld.idx.msk [tilespmem:v15+s1+$0x0], $0xffff;
	[tilespmem:s30+$0x11980] =	vst v29  }
0x333: {  	v29 =	vld.idx.msk [tilespmem:v10+s14+$0x0], $0xffff;
	[tilespmem:s30+$0x11180] =	vst v35  }
0x334: {  	v35 =	vshll.u32 v34, $0x10;
	v38 =	vld.idx.msk [tilespmem:v14+s7+$0x0], $0xffff  }
0x335: {  	v39 =	vshll.u32 v30, $0x10;
	v30 =	vadd.f32 v30, v34;
	v34 =	vld.idx.msk [tilespmem:v13+s15+$0x0], $0xffff  }
0x336: {  	v35 =	vadd.f32 v39, v35;
	v39 =	vshll.u32 v36, $0x10;
	v40 =	vld.idx.msk [tilespmem:v22+s23+$0x0], $0xffff  }
0x337: {  	v41 =	vshll.u32 v31, $0x10;
	v31 =	vadd.f32 v31, v36;
	v36 =	vld.idx.msk [tilespmem:v12+s26+$0x0], $0xffff  }
0x338: {  	v39 =	vadd.f32 v41, v39;
	v41 =	vshll.u32 v37, $0x10;
	v42 =	vld.idx.msk [tilespmem:v32+s23+$0x0], $0xffff  }
0x339: {  	v44 =	vshll.u32 v29, $0x10;
	v29 =	vadd.f32 v29, v37;
	v43 =	vld.idx.msk [tilespmem:v33+s23+$0x0], $0xffff  }
0x33a: {  	v37 =	vadd.f32 v44, v41;
	v41 =	vld.idx.msk [tilespmem:v3+s3+$0x0], $0xffff  }
0x33b: {  	v44 =	vshll.u32 v38, $0x10;
	v45 =	vshll.u32 v34, $0x10;
	v34 =	vadd.f32 v34, v38;
	v38 =	vld.idx.msk [tilespmem:v2+s3+$0x0], $0xffff  }
0x33c: {  	v46 =	vshll.u32 v40, $0x10;
	v30 =	vadd.f32 v40, v30;
	v40 =	vadd.f32 v45, v44;
	v44 =	vld.idx.msk [tilespmem:v9+s12+$0x0], $0xffff  }
0x33d: {  	v35 =	vadd.f32 v46, v35;
	v45 =	vshll.u32 v36, $0x10;
	v34 =	vadd.f32 v36, v34;
	v36 =	vld.idx.msk [tilespmem:v7+s21+$0x0], $0xffff  }
0x33e: {  	v31 =	vadd.f32 v42, v31;
	v40 =	vadd.f32 v45, v40;
	[tilespmem:s30+$0x11800] =	vst v30;
	v30 =	vshll.u32 v42, $0x10;
	v42 =	vld.idx.msk [tilespmem:v8+s31+$0x0], $0xffff  }
0x33f: {  	v29 =	vadd.f32 v43, v29;
	v30 =	vadd.f32 v30, v39;
	v39 =	vshll.u32 v43, $0x10;
	[tilespmem:s30+$0x12980] =	vst v34;
	v34 =	vld.idx.msk [tilespmem:v1+s28+$0x0], $0xffff  }
0x340: {  	v25 =	vadd.f32 v41, v25;
	v37 =	vadd.f32 v39, v37;
	[tilespmem:s30+$0x12180] =	vst v40;
	v40 =	vshll.u32 v41, $0x10;
	v39 =	vld.idx.msk [tilespmem:v0+s28+$0x0], $0xffff  }
0x341: {  	v28 =	vadd.f32 v38, v28;
	[tilespmem:s30+$0x11000] =	vst v35;
	v35 =	vld.idx.msk [tilespmem:v14+s8+$0x0], $0xffff;
	v26 =	vadd.f32 v40, v26;
	v40 =	vshll.u32 v38, $0x10  }
0x342: {  	v1 =	vmovc v3;
	v3 =	vmov v32;
	v38 =	vshll.u32 v44, $0x10;
	[tilespmem:s30+$0x11080] =	vst v30;
	v30 =	vld.idx.msk [tilespmem:v13+s16+$0x0], $0xffff;
	v27 =	vadd.f32 v40, v27  }
0x343: {  	v0 =	vmovc v2;
	v2 =	vmov v33;
	v32 =	vld.idx.msk [tilespmem:v18+s7+$0x0], $0xffff;
	[tilespmem:s30+$0x11100] =	vst v37;
	v37 =	vshll.u32 v36, $0x10;
	v36 =	vadd.f32 v36, v44  }
0x344: {  	[tilespmem:s30+$0x11880] =	vst v31;
	v31 =	vld.idx.msk [tilespmem:v12+s29+$0x0], $0xffff;
	v33 =	vadd.f32 v37, v38;
	v37 =	vshll.u32 v42, $0x10  }
0x345: {  	v20 =	vadd.f32 v34, v20;
	v38 =	vld.idx.msk [tilespmem:v21+s15+$0x0], $0xffff;
	[tilespmem:s30+$0x11900] =	vst v29;
	v29 =	vadd.f32 v42, v36;
	v36 =	vshll.u32 v34, $0x10  }
0x346: {  	v34 =	vld.idx.msk [tilespmem:v17+s7+$0x0], $0xffff;
	v33 =	vadd.f32 v37, v33;
	[tilespmem:s5+$0x16080] =	vst v26;
	v19 =	vadd.f32 v36, v19;
	v26 =	vshll.u32 v39, $0x10  }
0x347: {  	v23 =	vadd.f32 v39, v23;
	v36 =	vld.idx.msk [tilespmem:v16+s15+$0x0], $0xffff;
	[tilespmem:s5+$0x16100] =	vst v27;
	v24 =	vadd.f32 v26, v24  }
0x348: {  	v27 =	vshll.u32 v35, $0x10;
	v37 =	vshll.u32 v30, $0x10;
	v30 =	vadd.f32 v30, v35;
	v26 =	vld.idx.msk [tilespmem:v15+s7+$0x0], $0xffff;
	[tilespmem:s5+$0x16880] =	vst v25  }
0x349: {  	v25 =	vshll.u32 v32, $0x10;
	v27 =	vadd.f32 v37, v27;
	v35 =	vld.idx.msk [tilespmem:v10+s15+$0x0], $0xffff;
	[tilespmem:s5+$0x16900] =	vst v28  }
0x34a: {  	v37 =	vshll.u32 v31, $0x10;
	v30 =	vadd.f32 v31, v30;
	v28 =	vld.idx.msk [tilespmem:v22+s26+$0x0], $0xffff;
	[tilespmem:s5+$0x17000] =	vst v33  }
0x34b: {  	v31 =	vshll.u32 v38, $0x10;
	v32 =	vadd.f32 v38, v32;
	v27 =	vadd.f32 v37, v27;
	v33 =	vld.idx.msk [tilespmem:v3+s26+$0x0], $0xffff;
	[tilespmem:s5+$0x17800] =	vst v29  }
0x34c: {  	v25 =	vadd.f32 v31, v25;
	v29 =	vshll.u32 v34, $0x10;
	v31 =	vld.idx.msk [tilespmem:v2+s26+$0x0], $0xffff;
	[tilespmem:s30+$0x13980] =	vst v30  }
0x34d: {  	v30 =	vshll.u32 v36, $0x10;
	v34 =	vadd.f32 v36, v34;
	[tilespmem:s30+$0x13180] =	vst v27;
	v27 =	vld.idx.msk [tilespmem:v6+s12+$0x0], $0xffff  }
0x34e: {  	v29 =	vadd.f32 v30, v29;
	v30 =	vshll.u32 v26, $0x10;
	v36 =	vld.idx.msk [tilespmem:v14+s9+$0x0], $0xffff;
	[tilespmem:s4+$0x18080] =	vst v19  }
0x34f: {  	v19 =	vshll.u32 v35, $0x10;
	v26 =	vadd.f32 v35, v26;
	v35 =	vld.idx.msk [tilespmem:v13+s17+$0x0], $0xffff;
	[tilespmem:s4+$0x18100] =	vst v24  }
0x350: {  	v24 =	vshll.u32 v28, $0x10;
	v28 =	vadd.f32 v28, v32;
	v19 =	vadd.f32 v19, v30;
	v30 =	vld.idx.msk [tilespmem:v5+s21+$0x0], $0xffff;
	[tilespmem:s4+$0x18880] =	vst v20  }
0x351: {  	v20 =	vadd.f32 v24, v25;
	v24 =	vshll.u32 v33, $0x10;
	v25 =	vadd.f32 v33, v34;
	v32 =	vld.idx.msk [tilespmem:v12+s0+$0x0], $0xffff;
	[tilespmem:s4+$0x18900] =	vst v23;
	s4 =	smov.u32 s5;
	s5 =	smov.u32 s30  }
0x352: {  	v23 =	vadd.f32 v24, v29;
	v24 =	vshll.u32 v31, $0x10;
	v26 =	vadd.f32 v31, v26;
	[tilespmem:s5+$0x12800] =	vst v28;
	v28 =	vld.idx.msk [tilespmem:v4+s12+$0x0], $0xffff  }
0x353: {  	v19 =	vadd.f32 v24, v19;
	[tilespmem:s5+$0x12000] =	vst v20;
	v20 =	vshll.u32 v27, $0x10;
	v24 =	vld.idx.msk [tilespmem:v11+s21+$0x0], $0xffff  }
0x354: {  	v29 =	vld.idx.msk [tilespmem:v18+s8+$0x0], $0xffff;
	[tilespmem:s5+$0x12080] =	vst v23  }
0x355: {  	v31 =	vshll.u32 v35, $0x10;
	v33 =	vadd.f32 v35, v36;
	v23 =	vld.idx.msk [tilespmem:v21+s16+$0x0], $0xffff;
	[tilespmem:s5+$0x12100] =	vst v19;
	v19 =	vshll.u32 v36, $0x10  }
0x356: {  	v27 =	vadd.f32 v30, v27;
	v34 =	vld.idx.msk [tilespmem:v22+s29+$0x0], $0xffff;
	[tilespmem:s5+$0x12880] =	vst v25;
	v19 =	vadd.f32 v31, v19;
	v25 =	vshll.u32 v30, $0x10  }
0x357: {  	v31 =	vadd.f32 v32, v33;
	v30 =	vld.idx.msk [tilespmem:v17+s8+$0x0], $0xffff;
	[tilespmem:s5+$0x12900] =	vst v26;
	v26 =	vshll.u32 v32, $0x10;
	v20 =	vadd.f32 v25, v20  }
0x358: {  	v25 =	vld.idx.msk [tilespmem:v16+s16+$0x0], $0xffff;
	v19 =	vadd.f32 v26, v19;
	v26 =	vshll.u32 v28, $0x10  }
0x359: {  	v32 =	vld.idx.msk [tilespmem:v15+s8+$0x0], $0xffff;
	[tilespmem:s5+$0x14980] =	vst v31;
	v31 =	vshll.u32 v24, $0x10;
	v24 =	vadd.f32 v24, v28  }
0x35a: {  	v28 =	vshll.u32 v29, $0x10;
	v33 =	vld.idx.msk [tilespmem:v10+s16+$0x0], $0xffff;
	[tilespmem:s5+$0x14180] =	vst v19;
	v19 =	vadd.f32 v31, v26  }
0x35b: {  	v26 =	vshll.u32 v23, $0x10;
	v23 =	vadd.f32 v23, v29;
	v29 =	vld.idx.msk [tilespmem:v14+s10+$0x0], $0xffff  }
0x35c: {  	v26 =	vadd.f32 v26, v28;
	v28 =	vshll.u32 v34, $0x10;
	v31 =	vld.idx.msk [tilespmem:v13+s19+$0x0], $0xffff  }
0x35d: {  	v23 =	vadd.f32 v34, v23;
	v35 =	vshll.u32 v30, $0x10;
	v34 =	vld.idx.msk [tilespmem:v3+s29+$0x0], $0xffff  }
0x35e: {  	v26 =	vadd.f32 v28, v26;
	v28 =	vshll.u32 v25, $0x10;
	v25 =	vadd.f32 v25, v30;
	v30 =	vld.idx.msk [tilespmem:v12+s2+$0x0], $0xffff  }
0x35f: {  	[tilespmem:s5+$0x13800] =	vst v23;
	v23 =	vadd.f32 v28, v35;
	v28 =	vld.idx.msk [tilespmem:v2+s29+$0x0], $0xffff;
	v35 =	vshll.u32 v32, $0x10  }
0x360: {  	v32 =	vadd.f32 v33, v32;
	[tilespmem:s5+$0x13000] =	vst v26;
	v26 =	vshll.u32 v33, $0x10;
	v33 =	vld.idx.msk [tilespmem:v1+s31+$0x0], $0xffff  }
0x361: {  	v36 =	vld.idx.msk [tilespmem:v18+s9+$0x0], $0xffff;
	v26 =	vadd.f32 v26, v35  }
0x362: {  	v37 =	vshll.u32 v29, $0x10;
	v38 =	vshll.u32 v31, $0x10;
	v29 =	vadd.f32 v31, v29;
	v35 =	vld.idx.msk [tilespmem:v21+s17+$0x0], $0xffff  }
0x363: {  	v39 =	vshll.u32 v34, $0x10;
	v25 =	vadd.f32 v34, v25;
	v34 =	vadd.f32 v38, v37;
	v31 =	vld.idx.msk [tilespmem:v22+s0+$0x0], $0xffff  }
0x364: {  	v23 =	vadd.f32 v39, v23;
	v37 =	vshll.u32 v30, $0x10;
	v29 =	vadd.f32 v30, v29;
	v30 =	vld.idx.msk [tilespmem:v0+s31+$0x0], $0xffff  }
0x365: {  	[tilespmem:s5+$0x13880] =	vst v25;
	v25 =	vshll.u32 v28, $0x10;
	v28 =	vadd.f32 v28, v32;
	v32 =	vadd.f32 v37, v34;
	v34 =	vld.idx.msk [tilespmem:v9+s13+$0x0], $0xffff  }
0x366: {  	v37 =	vshll.u32 v33, $0x10;
	v27 =	vadd.f32 v33, v27;
	v25 =	vadd.f32 v25, v26;
	[tilespmem:s5+$0x15980] =	vst v29;
	v26 =	vld.idx.msk [tilespmem:v7+s22+$0x0], $0xffff  }
0x367: {  	v9 =	vmovc v18;
	v29 =	vshll.u32 v36, $0x10;
	v20 =	vadd.f32 v37, v20;
	v7 =	vmov v21;
	[tilespmem:s5+$0x15180] =	vst v32;
	v32 =	vld.idx.msk [tilespmem:v8+s28+$0x0], $0xffff  }
0x368: {  	v18 =	vshll.u32 v35, $0x10;
	v21 =	vadd.f32 v35, v36;
	v8 =	vmov v22;
	[tilespmem:s5+$0x13080] =	vst v23;
	v23 =	vld.idx.msk [tilespmem:v14+s11+$0x0], $0xffff  }
0x369: {  	v18 =	vadd.f32 v18, v29;
	v22 =	vshll.u32 v31, $0x10;
	[tilespmem:s5+$0x13100] =	vst v25;
	v25 =	vld.idx.msk [tilespmem:v13+s20+$0x0], $0xffff  }
0x36a: {  	v21 =	vadd.f32 v31, v21;
	v24 =	vadd.f32 v30, v24;
	v29 =	vld.idx.msk [tilespmem:v17+s9+$0x0], $0xffff;
	[tilespmem:s5+$0x13900] =	vst v28;
	v28 =	vshll.u32 v30, $0x10  }
0x36b: {  	v18 =	vadd.f32 v22, v18;
	v30 =	vshll.u32 v34, $0x10;
	v22 =	vld.idx.msk [tilespmem:v12+s3+$0x0], $0xffff;
	[tilespmem:s4+$0x17080] =	vst v20;
	v19 =	vadd.f32 v28, v19  }
0x36c: {  	[tilespmem:s5+$0x14800] =	vst v21;
	v20 =	vld.idx.msk [tilespmem:v16+s17+$0x0], $0xffff;
	v21 =	vshll.u32 v26, $0x10;
	v26 =	vadd.f32 v26, v34  }
0x36d: {  	v28 =	vshll.u32 v32, $0x10;
	[tilespmem:s5+$0x14000] =	vst v18;
	v18 =	vld.idx.msk [tilespmem:v15+s9+$0x0], $0xffff;
	v21 =	vadd.f32 v21, v30  }
0x36e: {  	v30 =	vld.idx.msk [tilespmem:v10+s17+$0x0], $0xffff;
	v26 =	vadd.f32 v32, v26;
	[tilespmem:s4+$0x17100] =	vst v19  }
0x36f: {  	v31 =	vshll.u32 v23, $0x10;
	v32 =	vshll.u32 v25, $0x10;
	v23 =	vadd.f32 v25, v23;
	v19 =	vld.idx.msk [tilespmem:v3+s0+$0x0], $0xffff;
	[tilespmem:s4+$0x17880] =	vst v27  }
0x370: {  	v25 =	vshll.u32 v29, $0x10;
	v31 =	vadd.f32 v32, v31;
	v21 =	vadd.f32 v28, v21;
	v27 =	vld.idx.msk [tilespmem:v2+s0+$0x0], $0xffff;
	[tilespmem:s4+$0x17900] =	vst v24  }
0x371: {  	v28 =	vshll.u32 v22, $0x10;
	v22 =	vadd.f32 v22, v23;
	v24 =	vld.idx.msk [tilespmem:v9+s10+$0x0], $0xffff;
	[tilespmem:s4+$0x18800] =	vst v26  }
0x372: {  	v26 =	vshll.u32 v20, $0x10;
	v20 =	vadd.f32 v20, v29;
	v28 =	vadd.f32 v28, v31;
	v23 =	vld.idx.msk [tilespmem:v7+s19+$0x0], $0xffff;
	[tilespmem:s4+$0x18000] =	vst v21  }
0x373: {  	v25 =	vadd.f32 v26, v25;
	v26 =	vshll.u32 v18, $0x10;
	v21 =	vld.idx.msk [tilespmem:v8+s2+$0x0], $0xffff;
	[tilespmem:s5+$0x16980] =	vst v22  }
0x374: {  	v22 =	vshll.u32 v30, $0x10;
	v18 =	vadd.f32 v30, v18;
	[tilespmem:s5+$0x16180] =	vst v28;
	v28 =	vld.idx.msk [tilespmem:v6+s13+$0x0], $0xffff;
	v6 =	vmov v17  }
0x375: {  	v17 =	vshll.u32 v19, $0x10;
	v19 =	vadd.f32 v19, v20;
	v20 =	vadd.f32 v22, v26;
	v22 =	vld.idx.msk [tilespmem:v14+s12+$0x0], $0xffff  }
0x376: {  	v17 =	vadd.f32 v17, v25;
	v25 =	vshll.u32 v27, $0x10;
	v18 =	vadd.f32 v27, v18;
	v26 =	vld.idx.msk [tilespmem:v13+s21+$0x0], $0xffff  }
0x377: {  	v27 =	vshll.u32 v24, $0x10;
	[tilespmem:s5+$0x14880] =	vst v19;
	v19 =	vadd.f32 v25, v20;
	v20 =	vld.idx.msk [tilespmem:v5+s22+$0x0], $0xffff;
	v5 =	vmov v16  }
0x378: {  	v25 =	vshll.u32 v23, $0x10;
	v23 =	vadd.f32 v23, v24;
	[tilespmem:s5+$0x14080] =	vst v17;
	v17 =	vld.idx.msk [tilespmem:v12+s31+$0x0], $0xffff  }
0x379: {  	v24 =	vadd.f32 v25, v27;
	v25 =	vshll.u32 v21, $0x10;
	v27 =	vld.idx.msk [tilespmem:v6+s10+$0x0], $0xffff;
	[tilespmem:s5+$0x14100] =	vst v19  }
0x37a: {  	v19 =	vadd.f32 v21, v23;
	v16 =	vld.idx.msk [tilespmem:v16+s19+$0x0], $0xffff;
	[tilespmem:s5+$0x14900] =	vst v18;
	v18 =	vshll.u32 v28, $0x10  }
0x37b: {  	v21 =	vadd.f32 v25, v24;
	v23 =	vld.idx.msk [tilespmem:v15+s10+$0x0], $0xffff  }
0x37c: {  	v25 =	vshll.u32 v26, $0x10;
	[tilespmem:s5+$0x15800] =	vst v19;
	v24 =	vld.idx.msk [tilespmem:v10+s19+$0x0], $0xffff;
	v19 =	vshll.u32 v22, $0x10;
	v22 =	vadd.f32 v26, v22  }
0x37d: {  	[tilespmem:s5+$0x15000] =	vst v21;
	v21 =	vld.idx.msk [tilespmem:v3+s2+$0x0], $0xffff;
	v25 =	vadd.f32 v25, v19;
	v19 =	vshll.u32 v20, $0x10;
	v20 =	vadd.f32 v20, v28  }
0x37e: {  	v28 =	vshll.u32 v17, $0x10;
	v26 =	vld.idx.msk [tilespmem:v2+s2+$0x0], $0xffff;
	v17 =	vadd.f32 v17, v22;
	v19 =	vadd.f32 v19, v18  }
0x37f: {  	v18 =	vshll.u32 v27, $0x10;
	v22 =	vld.idx.msk [tilespmem:v9+s11+$0x0], $0xffff;
	v25 =	vadd.f32 v28, v25  }
0x380: {  	v29 =	vshll.u32 v16, $0x10;
	v16 =	vadd.f32 v16, v27;
	v28 =	vld.idx.msk [tilespmem:v7+s20+$0x0], $0xffff;
	[tilespmem:s5+$0x17980] =	vst v17  }
0x381: {  	v18 =	vadd.f32 v29, v18;
	v27 =	vshll.u32 v23, $0x10;
	v17 =	vld.idx.msk [tilespmem:v8+s3+$0x0], $0xffff;
	[tilespmem:s5+$0x17180] =	vst v25  }
0x382: {  	v25 =	vshll.u32 v24, $0x10;
	v23 =	vadd.f32 v24, v23;
	v14 =	vld.idx.msk [tilespmem:v14+s13+$0x0], $0xffff  }
.Ltmp1:
0x383: {  	v24 =	vshll.u32 v21, $0x10;
	v21 =	vadd.f32 v21, v16;
	v25 =	vadd.f32 v25, v27;
	v13 =	vld.idx.msk [tilespmem:v13+s22+$0x0], $0xffff;
	(pc) =	sbr.rel @p0 .LBB2_5-.Ltmp1, $4  }
0x384: {  	v27 =	vadd.f32 v24, v18;
	v24 =	vshll.u32 v26, $0x10;
	v18 =	vadd.f32 v26, v23;
	v16 =	vld.idx.msk [tilespmem:v4+s13+$0x0], $0xffff;
	v4 =	vmovc v15  }
0x385: {  	v23 =	vshll.u32 v22, $0x10;
	v25 =	vadd.f32 v24, v25;
	[tilespmem:s5+$0x15880] =	vst v21;
	v12 =	vld.idx.msk [tilespmem:v12+s28+$0x0], $0xffff  }
0x386: {  	v21 =	vshll.u32 v28, $0x10;
	v24 =	vadd.f32 v28, v22;
	[tilespmem:s5+$0x15080] =	vst v27;
	v15 =	vld.idx.msk [tilespmem:v11+s22+$0x0], $0xffff;
	v11 =	vmov v10  }
0x387: {  	v22 =	vadd.f32 v21, v23;
	v23 =	vshll.u32 v17, $0x10;
	v21 =	vld.idx.msk [tilespmem:v6+s11+$0x0], $0xffff;
	[tilespmem:s5+$0x15100] =	vst v25  }
0x388: {  	_ =	sdelay $0x3  }
0x389: {  	v25 =	vld.idx.msk [tilespmem:v5+s20+$0x0], $0xffff  }
0x38a: {  	[tilespmem:s5+$0x15900] =	vst v18;
	v26 =	vld.idx.msk [tilespmem:v3+s3+$0x0], $0xffff  }
0x38b: {  	v18 =	vld.idx.msk [tilespmem:v4+s11+$0x0], $0xffff  }
0x38c: {  	v17 =	vadd.f32 v17, v24;
	v10 =	vld.idx.msk [tilespmem:v10+s20+$0x0], $0xffff  }
0x38d: {  	v22 =	vadd.f32 v23, v22  }
0x38e: {  	v36 =	vld.idx.msk [tilespmem:v2+s3+$0x0], $0xffff;
	[tilespmem:s5+$0x16800] =	vst v17;
	v37 =	vshll.u32 v21, $0x10;
	v27 =	vshll.u32 v25, $0x10;
	v38 =	vadd.f32 v25, v21  }
0x38f: {  	[tilespmem:s5+$0x16000] =	vst v22;
	v23 =	vadd.f32 v27, v37  }
0x390: {  	v43 =	vld.idx.msk [tilespmem:v9+s12+$0x0], $0xffff;
	v41 =	vshll.u32 v26, $0x10;
	v39 =	vshll.u32 v18, $0x10;
	v21 =	vadd.f32 v26, v38  }
0x391: {  	v45 =	vld.idx.msk [tilespmem:v7+s21+$0x0], $0xffff;
	v40 =	vshll.u32 v10, $0x10;
	v10 =	vadd.f32 v10, v18;
	v42 =	vadd.f32 v41, v23  }
0x392: {  	v17 =	vadd.f32 v40, v39;
	[tilespmem:s5+$0x16880] =	vst v21  }
0x393: {  	v46 =	vld.idx.msk [tilespmem:v8+s31+$0x0], $0xffff;
	v44 =	vshll.u32 v36, $0x10;
	v10 =	vadd.f32 v36, v10;
	[tilespmem:s5+$0x16080] =	vst v42  }
0x394: {  	v17 =	vadd.f32 v44, v17;
	v47 =	vld.idx.msk [tilespmem:v6+s12+$0x0], $0xffff  }
0x395: {  	[tilespmem:s5+$0x16900] =	vst v10;
	v48 =	vld.idx.msk [tilespmem:v5+s21+$0x0], $0xffff  }
0x396: {  	v51 =	vshll.u32 v43, $0x10;
	v52 =	vshll.u32 v45, $0x10;
	[tilespmem:s5+$0x16100] =	vst v17;
	v53 =	vld.idx.msk [tilespmem:v3+s31+$0x0], $0xffff  }
0x397: {  	v18 =	vadd.f32 v45, v43;
	v24 =	vadd.f32 v52, v51;
	v49 =	vld.idx.msk [tilespmem:v4+s12+$0x0], $0xffff  }
0x398: {  	v54 =	vshll.u32 v46, $0x10;
	v50 =	vld.idx.msk [tilespmem:v11+s21+$0x0], $0xffff  }
0x399: {  	v29 =	vshll.u32 v14, $0x10;
	v18 =	vadd.f32 v46, v18;
	v24 =	vadd.f32 v54, v24  }
0x39a: {  	v55 =	vld.idx.msk [tilespmem:v2+s31+$0x0], $0xffff;
	v56 =	vshll.u32 v47, $0x10;
	v57 =	vshll.u32 v48, $0x10;
	v10 =	vadd.f32 v48, v47  }
0x39b: {  	v1 =	vld.idx.msk [tilespmem:v1+s28+$0x0], $0xffff;
	v30 =	vshll.u32 v13, $0x10;
	v35 =	vadd.f32 v13, v14;
	[tilespmem:s5+$0x17800] =	vst v18;
	v58 =	vadd.f32 v57, v56  }
0x39c: {  	v0 =	vld.idx.msk [tilespmem:v0+s28+$0x0], $0xffff;
	[tilespmem:s5+$0x17000] =	vst v24;
	v61 =	vshll.u32 v53, $0x10;
	v59 =	vshll.u32 v49, $0x10;
	v10 =	vadd.f32 v53, v10  }
0x39d: {  	v63 =	vld.idx.msk [tilespmem:v9+s13+$0x0], $0xffff;
	v60 =	vshll.u32 v50, $0x10;
	v21 =	vadd.f32 v50, v49;
	v17 =	vadd.f32 v61, v58  }
0x39e: {  	v33 =	vadd.f32 v30, v29;
	v37 =	vshll.u32 v15, $0x10;
	v31 =	vld.idx.msk [tilespmem:v7+s22+$0x0], $0xffff;
	v62 =	vadd.f32 v60, v59;
	[tilespmem:s5+$0x17880] =	vst v10  }
0x39f: {  	v36 =	vshll.u32 v16, $0x10;
	v34 =	vld.idx.msk [tilespmem:v8+s28+$0x0], $0xffff;
	v28 =	vshll.u32 v55, $0x10;
	v21 =	vadd.f32 v55, v21;
	[tilespmem:s5+$0x17080] =	vst v17  }
0x3a0: {  	v40 =	vshll.u32 v1, $0x10;
	v13 =	vadd.f32 v37, v36;
	v32 =	vadd.f32 v28, v62;
	v38 =	vld.idx.msk [tilespmem:v6+s13+$0x0], $0xffff  }
0x3a1: {  	v1 =	vadd.f32 v1, v20;
	v43 =	vshll.u32 v0, $0x10;
	v42 =	vadd.f32 v15, v16;
	[tilespmem:s5+$0x17900] =	vst v21;
	v41 =	vld.idx.msk [tilespmem:v5+s22+$0x0], $0xffff  }
0x3a2: {  	v14 =	vadd.f32 v40, v19;
	v13 =	vadd.f32 v43, v13;
	[tilespmem:s5+$0x17100] =	vst v32;
	v46 =	vld.idx.msk [tilespmem:v3+s28+$0x0], $0xffff  }
0x3a3: {  	[tilespmem:s4+$0x18880] =	vst v1;
	v0 =	vadd.f32 v0, v42;
	v47 =	vshll.u32 v63, $0x10;
	v48 =	vshll.u32 v31, $0x10;
	v44 =	vld.idx.msk [tilespmem:v4+s13+$0x0], $0xffff  }
0x3a4: {  	v39 =	vshll.u32 v12, $0x10;
	[tilespmem:s4+$0x18080] =	vst v14;
	v7 =	vadd.f32 v31, v63;
	v51 =	vadd.f32 v48, v47;
	v45 =	vld.idx.msk [tilespmem:v11+s22+$0x0], $0xffff  }
0x3a5: {  	[tilespmem:s4+$0x18100] =	vst v13;
	v50 =	vadd.f32 v12, v35;
	v52 =	vshll.u32 v34, $0x10;
	v17 =	vadd.f32 v39, v33  }
0x3a6: {  	[tilespmem:s4+$0x18900] =	vst v0;
	v53 =	vadd.f32 v34, v7;
	v49 =	vld.idx.msk [tilespmem:v2+s28+$0x0], $0xffff;
	v1 =	vadd.f32 v52, v51  }
0x3a7: {  	[tilespmem:s5+$0x18980] =	vst v50;
	v54 =	vshll.u32 v38, $0x10;
	v55 =	vshll.u32 v41, $0x10;
	v59 =	vadd.f32 v41, v38  }
0x3a8: {  	[tilespmem:s5+$0x18180] =	vst v17;
	v58 =	vshll.u32 v46, $0x10;
	v7 =	vadd.f32 v55, v54;
	v56 =	vshll.u32 v44, $0x10  }
0x3a9: {  	[tilespmem:s5+$0x18800] =	vst v53;
	v57 =	vshll.u32 v45, $0x10;
	v62 =	vadd.f32 v45, v44;
	v0 =	vadd.f32 v46, v59  }
0x3aa: {  	[tilespmem:s5+$0x18000] =	vst v1;
	v8 =	vadd.f32 v57, v56;
	v60 =	vadd.f32 v58, v7  }
0x3ab: {  	v61 =	vshll.u32 v49, $0x10;
	v1 =	vadd.f32 v49, v62;
	[tilespmem:s5+$0x18880] =	vst v0  }
0x3ac: {  	v63 =	vadd.f32 v61, v8;
	[tilespmem:s5+$0x18080] =	vst v60  }
0x3ad: {  	[tilespmem:s5+$0x18900] =	vst v1  }
0x3ae: {  	[tilespmem:s5+$0x18100] =	vst v63  }
0x3af: {  	s4 =	sld [smem:$0x7FD]  }
0x3b0: {  	s5 =	sld [smem:$0x7F6];
	_ =	sdelay $0x2  }
0x3b1: {  	s25 =	simm.s32 $0x11000;
	s4 =	sadd.s32 s5, s4  }
0x3b2: {  	[hbm4b:s4+s7] =	stream.strided.scatter [tilespmem:s25], [sflag:$0x2], $0x800, s14, s7, $0x38;
	[tilespmem:$0x19000] =	vst v63  }
0x3b3: {  	s6 =	simm.s32 $0x11800;
	s30 =	sadd.s32 $0x20000, s4  }
0x3b4: {  	[hbm4b:s30+s7] =	stream.strided.scatter [tilespmem:s6], [sflag:$0x2], $0x800, s14, s7, $0x38;
	[tilespmem:$0x19000] =	vst v63  }
0x3b5: {  	s18 =	simm.s32 $0x12000;
	s6 =	sadd.s32 $0x40000, s4  }
0x3b6: {  	[hbm4b:s6+s7] =	stream.strided.scatter [tilespmem:s18], [sflag:$0x2], $0x800, s14, s7, $0x38;
	[tilespmem:$0x19000] =	vst v63  }
0x3b7: {  	s25 =	sadd.s32 $0x60000, s4;
	s30 =	simm.s32 $0x12800  }
0x3b8: {  	[hbm4b:s25+s7] =	stream.strided.scatter [tilespmem:s30], [sflag:$0x2], $0x800, s14, s7, $0x38;
	[tilespmem:$0x19000] =	vst v63  }
0x3b9: {  	s6 =	sadd.s32 $0x80000, s4;
	s18 =	simm.s32 $0x13000  }
0x3ba: {  	[hbm4b:s6+s7] =	stream.strided.scatter [tilespmem:s18], [sflag:$0x2], $0x800, s14, s7, $0x38;
	[tilespmem:$0x19000] =	vst v63  }
0x3bb: {  	s25 =	sadd.s32 $0xA0000, s4;
	s30 =	simm.s32 $0x13800  }
0x3bc: {  	[hbm4b:s25+s7] =	stream.strided.scatter [tilespmem:s30], [sflag:$0x2], $0x800, s14, s7, $0x38;
	[tilespmem:$0x19000] =	vst v63  }
0x3bd: {  	s6 =	sadd.s32 $0xC0000, s4;
	s18 =	simm.s32 $0x14000  }
0x3be: {  	[hbm4b:s6+s7] =	stream.strided.scatter [tilespmem:s18], [sflag:$0x2], $0x800, s14, s7, $0x38;
	[tilespmem:$0x19000] =	vst v63  }
0x3bf: {  	s25 =	sadd.s32 $0xE0000, s4;
	s30 =	simm.s32 $0x14800  }
0x3c0: {  	[hbm4b:s25+s7] =	stream.strided.scatter [tilespmem:s30], [sflag:$0x2], $0x800, s14, s7, $0x38;
	[tilespmem:$0x19000] =	vst v63  }
0x3c1: {  	s6 =	sadd.s32 $0x100000, s4;
	s18 =	simm.s32 $0x15000  }
0x3c2: {  	[hbm4b:s6+s7] =	stream.strided.scatter [tilespmem:s18], [sflag:$0x2], $0x800, s14, s7, $0x38;
	[tilespmem:$0x19000] =	vst v63  }
0x3c3: {  	s25 =	sadd.s32 $0x120000, s4;
	s30 =	simm.s32 $0x15800  }
0x3c4: {  	[hbm4b:s25+s7] =	stream.strided.scatter [tilespmem:s30], [sflag:$0x2], $0x800, s14, s7, $0x38;
	[tilespmem:$0x19000] =	vst v63  }
0x3c5: {  	s6 =	sadd.s32 $0x140000, s4;
	s18 =	simm.s32 $0x16000  }
0x3c6: {  	[hbm4b:s6+s7] =	stream.strided.scatter [tilespmem:s18], [sflag:$0x2], $0x800, s14, s7, $0x38;
	[tilespmem:$0x19000] =	vst v63  }
0x3c7: {  	s25 =	sadd.s32 $0x160000, s4;
	s30 =	simm.s32 $0x16800  }
0x3c8: {  	[hbm4b:s25+s7] =	stream.strided.scatter [tilespmem:s30], [sflag:$0x2], $0x800, s14, s7, $0x38;
	[tilespmem:$0x19000] =	vst v63  }
0x3c9: {  	s24 =	sadd.s32 $0x1, s24;
	s6 =	sadd.s32 $0x180000, s4;
	s18 =	simm.s32 $0x17000  }
0x3ca: {  	[hbm4b:s6+s7] =	stream.strided.scatter [tilespmem:s18], [sflag:$0x2], $0x800, s14, s7, $0x38;
	[tilespmem:$0x19000] =	vst v63  }
0x3cb: {  	p0 =	sne.s32 s24, $0x20;
	s25 =	sadd.s32 $0x1A0000, s4;
	s30 =	simm.s32 $0x17800  }
0x3cc: {  	[hbm4b:s25+s7] =	stream.strided.scatter [tilespmem:s30], [sflag:$0x2], $0x800, s14, s7, $0x38;
	[tilespmem:$0x19000] =	vst v63  }
.Ltmp2:
0x3cd: {  	_ = 	snop;
	(pc) =	sbr.rel @p0 .LBB2_2-.Ltmp2, $4  }
0x3ce: {  	s18 =	sadd.s32 $0x1C0000, s4;
	s25 =	simm.s32 $0x18000  }
0x3cf: {  	[hbm4b:s18+s7] =	stream.strided.scatter [tilespmem:s25], [sflag:$0x2], $0x800, s14, s7, $0x38;
	[tilespmem:$0x19000] =	vst v63  }
0x3d0: {  	s4 =	sadd.s32 $0x1E0000, s4;
	s30 =	simm.s32 $0x18800  }
0x3d1: {  	[hbm4b:s4+s7] =	stream.strided.scatter [tilespmem:s30], [sflag:$0x2], $0x800, s14, s7, $0x38;
	[tilespmem:$0x19000] =	vst v63  }
0x3d2: {  	s5 =	simm.s32 $0x2  }
0x3d3: {  	_ =	swait.ge [sflag:s5], $0x8000  }
0x3d4: {  	[sflag:s5] =	ssyncset.done $0x0  }
0x3d5: {  	[sflag:s5] =	ssyncadd.s32 $0xFFFF8000  }
0x3d6: {  	_ =	swait.ge [sflag:s5], $0x8000  }
0x3d7: {  	s6 =	sld [smem:$0x7F8];
	_ =	sdelay $0x2  }
0x3d8: {  	s4 =	rddreg [dreg:$0x1f];
	s6 =	sadd.s32 $0x1, s6  }
0x3d9: {  	p0 =	sne.s32 s6, s4  }
.Ltmp3:
0x3da: {  	_ = 	snop;
	(pc) =	sbr.rel @p0 .LBB2_1-.Ltmp3, $3  }
0x3db: {  	_ =	sdelay $0x1  }
0x3dc: {  	[sflag:s5] =	ssyncset.done $0x0  }
0x3dd: {  	[sflag:s5] =	ssyncadd.s32 $0xFFFF8000  }
0x3de: {  	_ =	sfence.sel $0x180000  }
0x3df: {  	[bflag:$0x0] =	sbarrier.arrive $0xFFFF  }
0x3e0: {  	_ =	strace $0x90000047  }
0x3e1: {  	s0 =	stileid.u32;
	[bflag:$0x2] =	sbarrier.arrive $0xFFFF  }
0x3e2: {  	p0 =	sne.s32 s0, $0x0;
	s0 =	rddreg [dreg:$0x3]  }
0x3e3: {  	s0 =	sadd.s32 @!p0 $0x100000, s0  }
0x3e4: {  	[sflag:s0] =	ssyncadd.tile.s32 @!p0 $0x1;
	_ =	shalt  }
.Lfunc_end2:
_tile_overlayer_lowered:
.L_overlay_start_2:
0x3e5: {  	(tag) =	ssettag $0x2  }
0x3e6: {  	s0 =	rddreg [dreg:$0x0];
	s2 =	stileid.u32  }
0x3e7: {  	s1 =	rddreg [dreg:$0x1];
	p0 =	sne.s32 s2, $0x0  }
0x3e8: {  	s3 =	rddreg [dreg:$0x2];
	[bflag:$0x3] =	sbarrier.arrive $0xFFFF;
	s2 =	simm.s32 @!p0 $0x1C03  }
0x3e9: {  	[timem:s3], [sflag:s2] =	dma.local @!p0 [hbm:s0], s1  }
0x3ea: {  	s0 =	simm.s32 @!p0 $0x3  }
0x3eb: {  	_ =	swait.ge @!p0 [sflag:s0], s1  }
0x3ec: {  	s1 =	ssub.s32 @!p0 $0x0, s1;
	[sflag:s0] =	ssyncset.done @!p0 $0x0  }
0x3ed: {  	[sflag:s0] =	ssyncadd.s32 @!p0 s1  }
0x3ee: {  	[bflag:$0x3] =	sbarrier.arrive $0xFFFF  }
0x3ef: {  	_ =	shalt  }

</sc_bundles>
